<compile_context>
chip_gen: v7x
topology: tpu7x:2x2x1
jax: 0.10.2.dev20260603
libtpu: 0.0.44.dev20260713+nightly
codegen_flags: <defaults>
</compile_context>

<pallas_src>
import functools

import jax
import jax.numpy as jnp
from jax import lax
from jax.experimental import pallas as pl
from jax.experimental.pallas import tpu as pltpu
from jax.experimental.pallas import tpu_sc as plsc

N_NODES = 10000
N_PAD = 10240
E_EDGES = 160000
CHUNK = 72
CPT = 139
E_PAD = 16 * CPT * CHUNK
ACC_ROWS = 10112
ACC_RPT = ACC_ROWS // 16
DEG_CPT = 80
DEG_E_PAD = 16 * DEG_CPT * 128
DEG_E_ROWS = DEG_E_PAD // 128
D_IN = 256
D_HID = 256
D_OUT = 128

_MESH = plsc.VectorSubcoreMesh(
    core_axis_name="c", subcore_axis_name="s", num_cores=2, num_subcores=16
)



@functools.partial(
    pl.kernel,
    out_type=jax.ShapeDtypeStruct((N_PAD, 8), jnp.float32),
    mesh=_MESH,
    scratch_types=[
        pltpu.VMEM((128, 8), jnp.float32),
        pltpu.VMEM((DEG_CPT, 128), jnp.int32),
        pltpu.VMEM_SHARED((N_PAD, 8), jnp.float32),
        pltpu.SemaphoreType.DMA,
    ],
)
def _deg_kernel(ones_hbm, dst2d_hbm, out_hbm, ones_v, didx, acc_sh, sem):
    c = lax.axis_index("c")
    s = lax.axis_index("s")
    pltpu.sync_copy(ones_hbm, ones_v)
    pltpu.sync_copy(dst2d_hbm.at[pl.ds(s * DEG_CPT, DEG_CPT)], didx)
    rpt = N_PAD // 16
    for r in range(rpt // 128):
        pltpu.sync_copy(ones_v, acc_sh.at[pl.ds(s * rpt + r * 128, 128)])
    plsc.subcore_barrier()

    def body(k, carry):
        pltpu.async_copy(ones_v, acc_sh.at[didx.at[k]], sem, add=True)

        @pl.when(k >= 8)
        def _():
            pltpu.make_async_copy(ones_v, acc_sh.at[didx.at[0]], sem).wait()

        return carry

    lax.fori_loop(0, DEG_CPT, body, 0)
    for _ in range(8):
        pltpu.make_async_copy(ones_v, acc_sh.at[didx.at[0]], sem).wait()
    plsc.subcore_barrier()
    orow = N_PAD // 32
    ob = c * (N_PAD // 2) + s * orow
    pltpu.sync_copy(acc_sh.at[pl.ds(ob, orow)], out_hbm.at[pl.ds(ob, orow)])




@functools.partial(
    pl.kernel,
    out_type=jax.ShapeDtypeStruct((2 * N_PAD, 128), jnp.float32),
    mesh=_MESH,
    scratch_types=[
        pltpu.VMEM((6, CHUNK), jnp.int32),
        pltpu.VMEM((6, CHUNK), jnp.int32),
        pltpu.VMEM((5, CHUNK, 128), jnp.float32),
        pltpu.VMEM_SHARED((ACC_ROWS, 128), jnp.float32),
        pltpu.SemaphoreType.DMA,
        pltpu.SemaphoreType.DMA,
        pltpu.SemaphoreType.DMA,
        pltpu.SemaphoreType.DMA,
    ],
)
def _agg_kernel(
    table_hbm, src1_hbm, dst1_hbm, out_hbm, didxr, sidxr, rows, acc_sh,
    isem, gsem, ssem, nsem,
):
    c = lax.axis_index("c")
    s = lax.axis_index("s")
    b = s * ACC_RPT
    eb = s * (CPT * CHUNK)
    db = s * (CPT * CHUNK)
    tab_c = table_hbm.at[pl.ds(c * N_PAD, N_PAD)]
    ini = pltpu.async_copy(
        table_hbm.at[pl.ds(c * N_PAD + b, ACC_RPT)], acc_sh.at[pl.ds(b, ACC_RPT)],
        nsem,
    )
    for r in range(5):
        pltpu.async_copy(
            src1_hbm.at[pl.ds(eb + r * CHUNK, CHUNK)], sidxr.at[r], isem
        )
        pltpu.async_copy(
            dst1_hbm.at[pl.ds(db + r * CHUNK, CHUNK)], didxr.at[r], isem
        )
    for r in range(4):
        pltpu.make_async_copy(
            src1_hbm.at[pl.ds(eb, CHUNK)], sidxr.at[r], isem
        ).wait()
        pltpu.make_async_copy(
            dst1_hbm.at[pl.ds(db, CHUNK)], didxr.at[r], isem
        ).wait()
        pltpu.async_copy(tab_c.at[sidxr.at[r]], rows.at[r], gsem)
    ini.wait()
    plsc.subcore_barrier()

    def slot(k, carry):
        pk = lax.rem(k, 5)

        pltpu.make_async_copy(
            table_hbm.at[pl.ds(0, CHUNK)], rows.at[pk], gsem
        ).wait()
        pltpu.async_copy(rows.at[pk], acc_sh.at[didxr.at[lax.rem(k, 6)]], ssem,
                         add=True)

        @pl.when(k >= 1)
        def _():
            pltpu.make_async_copy(
                rows.at[pk], acc_sh.at[didxr.at[lax.rem(k, 6)]], ssem
            ).wait()

        @pl.when(k + 4 < CPT)
        def _():
            pltpu.make_async_copy(
                src1_hbm.at[pl.ds(eb, CHUNK)], sidxr.at[0], isem
            ).wait()
            pltpu.make_async_copy(
                dst1_hbm.at[pl.ds(db, CHUNK)], didxr.at[0], isem
            ).wait()
            pltpu.async_copy(
                tab_c.at[sidxr.at[lax.rem(k + 4, 6)]],
                rows.at[lax.rem(k + 4, 5)],
                gsem,
            )

        @pl.when(k + 5 < CPT)
        def _():
            pltpu.async_copy(
                src1_hbm.at[pl.ds(eb + (k + 5) * CHUNK, CHUNK)],
                sidxr.at[lax.rem(k + 5, 6)],
                isem,
            )
            pltpu.async_copy(
                dst1_hbm.at[pl.ds(db + (k + 5) * CHUNK, CHUNK)],
                didxr.at[lax.rem(k + 5, 6)],
                isem,
            )

        return carry

    lax.fori_loop(0, CPT, slot, 0)
    pltpu.make_async_copy(
        rows.at[lax.rem(CPT - 1, 5)], acc_sh.at[didxr.at[0]], ssem
    ).wait()
    plsc.subcore_barrier()
    pltpu.sync_copy(
        acc_sh.at[pl.ds(b, ACC_RPT)], out_hbm.at[pl.ds(c * N_PAD + b, ACC_RPT)]
    )



_RB = 1024
_NRB = N_PAD // _RB


def _lin1_body(x_ref, w_ref, deg_ref, tab_ref, dinv_ref):
    di8 = lax.rsqrt(deg_ref[...])
    dinv_ref[...] = di8
    h = jnp.dot(x_ref[...], w_ref[...], preferred_element_type=jnp.float32)
    h = h * di8[:, :1]
    tab_ref[0] = h[:, :128]
    tab_ref[1] = h[:, 128:]


def _lin1(x_pad, w1, deg8):
    return pl.pallas_call(
        _lin1_body,
        grid=(_NRB,),
        in_specs=[
            pl.BlockSpec((_RB, D_IN), lambda i: (i, 0)),
            pl.BlockSpec((D_IN, D_HID), lambda i: (0, 0)),
            pl.BlockSpec((_RB, 8), lambda i: (i, 0)),
        ],
        out_specs=[
            pl.BlockSpec((2, _RB, 128), lambda i: (0, i, 0)),
            pl.BlockSpec((_RB, 8), lambda i: (i, 0)),
        ],
        out_shape=[
            jax.ShapeDtypeStruct((2, N_PAD, 128), jnp.float32),
            jax.ShapeDtypeStruct((N_PAD, 8), jnp.float32),
        ],
    )(x_pad, w1, deg8)


def _mid_body(agg_ref, dinv_ref, b_ref, w_ref, out_ref):
    di = dinv_ref[:, :1]
    full = jnp.concatenate([agg_ref[0], agg_ref[1]], axis=1)
    h = jnp.maximum(full * di + b_ref[0:1, :], 0.0)
    o = jnp.dot(h, w_ref[...], preferred_element_type=jnp.float32) * di
    out_ref[0] = o[:, :128]
    out_ref[1] = o[:, 128:]


def _mid(agg, dinv8, b8, w2):
    return pl.pallas_call(
        _mid_body,
        grid=(_NRB,),
        in_specs=[
            pl.BlockSpec((2, _RB, 128), lambda i: (0, i, 0)),
            pl.BlockSpec((_RB, 8), lambda i: (i, 0)),
            pl.BlockSpec((8, D_HID), lambda i: (0, 0)),
            pl.BlockSpec((D_HID, D_HID), lambda i: (0, 0)),
        ],
        out_specs=pl.BlockSpec((2, _RB, 128), lambda i: (0, i, 0)),
        out_shape=jax.ShapeDtypeStruct((2, N_PAD, 128), jnp.float32),
    )(agg, dinv8, b8, w2)


def _head_body(agg_ref, dinv_ref, b_ref, wr_ref, br_ref, out_ref):
    di = dinv_ref[:, :1]
    full = jnp.concatenate([agg_ref[0], agg_ref[1]], axis=1)
    h = jnp.maximum(full * di + b_ref[0:1, :], 0.0)
    lg = jnp.dot(h, wr_ref[...], preferred_element_type=jnp.float32) + br_ref[0:1, :]
    m = jnp.max(lg, axis=1, keepdims=True)
    e = jnp.exp(lg - m)
    out_ref[...] = e / jnp.sum(e, axis=1, keepdims=True)


_HRB = 1000


def _head(agg, dinv8, b8, wr, br8):
    return pl.pallas_call(
        _head_body,
        grid=(N_NODES // _HRB,),
        in_specs=[
            pl.BlockSpec((2, _HRB, 128), lambda i: (0, i, 0)),
            pl.BlockSpec((_HRB, 8), lambda i: (i, 0)),
            pl.BlockSpec((8, D_HID), lambda i: (0, 0)),
            pl.BlockSpec((D_HID, D_OUT), lambda i: (0, 0)),
            pl.BlockSpec((8, D_OUT), lambda i: (0, 0)),
        ],
        out_specs=pl.BlockSpec((_HRB, D_OUT), lambda i: (i, 0)),
        out_shape=jax.ShapeDtypeStruct((N_NODES, D_OUT), jnp.float32),
    )(agg, dinv8, b8, wr, br8)




@jax.jit
def _run(x, edge_index, w1, b1, w2, b2, wr, br):
    src = edge_index[0]
    dst = edge_index[1]
    pad = E_PAD - E_EDGES
    srcp = jnp.concatenate([src, jnp.zeros((pad,), jnp.int32)])
    dstp = jnp.concatenate([dst, jnp.full((pad,), N_NODES, jnp.int32)])
    src1 = srcp
    dst1 = dstp

    dpad = DEG_E_PAD - E_EDGES
    dst2d = jnp.concatenate(
        [dst, jnp.full((dpad,), N_NODES, jnp.int32)]
    ).reshape(DEG_E_ROWS, 128)

    ones8 = jnp.ones((128, 8), jnp.float32)
    deg8 = _deg_kernel(ones8, dst2d)

    x_pad = jnp.concatenate([x, jnp.zeros((N_PAD - N_NODES, D_IN), jnp.float32)])
    tab1, dinv8 = _lin1(x_pad, w1, deg8)

    agg1 = _agg_kernel(tab1.reshape(2 * N_PAD, 128), src1, dst1).reshape(
        2, N_PAD, 128
    )

    b1_8 = jnp.broadcast_to(b1, (8, D_HID))
    tab2 = _mid(agg1, dinv8, b1_8, w2)

    agg2 = _agg_kernel(tab2.reshape(2 * N_PAD, 128), src1, dst1).reshape(
        2, N_PAD, 128
    )

    b2_8 = jnp.broadcast_to(b2, (8, D_HID))
    br_8 = jnp.broadcast_to(br, (8, D_OUT))
    return _head(agg2, dinv8, b2_8, wr, br_8)


def kernel(x, edge_index, W1, b1, W2, b2, Wr, br):
    return _run(x, edge_index, W1, b1, W2, b2, Wr, br)

# --- scband reference (transcript-rebuilt; emitter-appended) ---
"""Pipeline reference for scband-gcn-515396076077 (READ-ONLY COPY).

The authoritative reference and input builder live on the scoring server;
editing this copy changes nothing except your own understanding.
"""

import jax, jax.numpy as jnp
import numpy as np

N, E, D, H, O = 10000, 160000, 256, 256, 128


def _gcn_conv(x, src, dst, n, W, b):
    # PyG-style GCNConv: linear transform, symmetric normalization (self-loops
    # already appended to src/dst by caller), scatter-add aggregation, bias.
    h = x @ W
    deg = jax.ops.segment_sum(jnp.ones_like(src, dtype=h.dtype), dst, num_segments=n)
    dinv = jnp.where(deg > 0, deg ** -0.5, 0.0)
    norm = dinv[src] * dinv[dst]
    msg = h[src] * norm[:, None]
    out = jax.ops.segment_sum(msg, dst, num_segments=n)
    return out + b


def setup_inputs(seed: int = 0) -> dict:
    key = jax.random.key(seed)
    ks = jax.random.split(key, 8)
    x = jax.random.normal(ks[0], (N, D), dtype=jnp.float32)
    edge_index = jax.random.randint(ks[1], (2, E), 0, N, dtype=jnp.int32)
    W1 = jax.random.normal(ks[2], (D, H), dtype=jnp.float32) * (1.0 / np.sqrt(D))
    b1 = jnp.zeros((H,), dtype=jnp.float32)
    W2 = jax.random.normal(ks[3], (H, H), dtype=jnp.float32) * (1.0 / np.sqrt(H))
    b2 = jnp.zeros((H,), dtype=jnp.float32)
    Wr = jax.random.normal(ks[4], (H, O), dtype=jnp.float32) * (1.0 / np.sqrt(H))
    br = jnp.zeros((O,), dtype=jnp.float32)
    return {"x": x, "edge_index": edge_index, "W1": W1, "b1": b1, "W2": W2, "b2": b2, "Wr": Wr, "br": br}


def reference(x, edge_index, W1, b1, W2, b2, Wr, br):
    n = x.shape[0]
    loops = jnp.arange(n, dtype=edge_index.dtype)
    src = jnp.concatenate([edge_index[0], loops])
    dst = jnp.concatenate([edge_index[1], loops])
    # dropout is identity in eval mode
    h = jax.nn.relu(_gcn_conv(x, src, dst, n, W1, b1))
    h = jax.nn.relu(_gcn_conv(h, src, dst, n, W2, b2))
    out = h @ Wr + br
    return jax.nn.softmax(out, axis=1)

if __name__ == "__main__":
    import jax
    _d = setup_inputs()
    print(jax.jit(kernel)(*tuple(_d.values())))

</pallas_src>

<mosaic_0001>
#map = affine_map<(d0, d1) -> (0, 0)>
module attributes {stable_mosaic.version = 14 : i64} {
  func.func @_deg_kernel(%arg0: i32, %arg1: i32, %arg2: memref<128x8xf32, #tpu.memory_space<hbm>>, %arg3: memref<1280x128xi32, #tpu.memory_space<hbm>>, %arg4: memref<10240x8xf32, #tpu.memory_space<hbm>>, %arg5: memref<128x8xf32, #tpu.memory_space<vmem>>, %arg6: memref<80x128xi32, #tpu.memory_space<vmem>>, %arg7: memref<10240x8xf32, #tpu.memory_space<vmem_shared>>, %arg8: memref<!tpu.dma_semaphore, #tpu.memory_space<semaphore_mem>>) attributes {dimension_semantics = [#tpu.dimension_semantics<core_parallel>, #tpu.dimension_semantics<subcore_parallel>], iteration_bounds = array<i64: 2, 16>, scalar_prefetch = 0 : i64, scratch_operands = 4 : i64, tpu.core_type = #tpu.core_type<sc_vector_subcore>, window_params = [{transform_indices = #map}, {transform_indices = #map}, {transform_indices = #map}]} {
    "tpu.region"() ({
      %run_scoped3A = tpu.sem_alloc : memref<!tpu.dma_semaphore, #tpu.memory_space<semaphore_mem>>
      tpu.enqueue_dma source(%arg2 : memref<128x8xf32, #tpu.memory_space<hbm>>) target(%arg5 : memref<128x8xf32, #tpu.memory_space<vmem>>) target_semaphore(%run_scoped3A : memref<!tpu.dma_semaphore, #tpu.memory_space<semaphore_mem>>)
      tpu.wait_dma2 semaphore(%run_scoped3A : memref<!tpu.dma_semaphore, #tpu.memory_space<semaphore_mem>>) src(%arg2 : memref<128x8xf32, #tpu.memory_space<hbm>>) dst(%arg5 : memref<128x8xf32, #tpu.memory_space<vmem>>)
      tpu.yield
    }) : () -> ()
    %mul3A = arith.constant 80 : i32
    %mul3A_0 = arith.muli %arg1, %mul3A : i32
    "tpu.region"() ({
      %run_scoped3A = tpu.sem_alloc : memref<!tpu.dma_semaphore, #tpu.memory_space<semaphore_mem>>
      %dma_start3A = arith.constant 0 : i32
      %dma_start3A_86 = tpu.memref_slice %arg3[%mul3A_0, %dma_start3A] : memref<1280x128xi32, #tpu.memory_space<hbm>> -> memref<80x128xi32, #tpu.memory_space<hbm>>
      %dma_start3A_87 = arith.constant 0 : i32
      %dma_start3A_88 = tpu.memref_slice %arg3[%mul3A_0, %dma_start3A_87] : memref<1280x128xi32, #tpu.memory_space<hbm>> -> memref<80x128xi32, #tpu.memory_space<hbm>>
      tpu.enqueue_dma source(%dma_start3A_88 : memref<80x128xi32, #tpu.memory_space<hbm>>) target(%arg6 : memref<80x128xi32, #tpu.memory_space<vmem>>) target_semaphore(%run_scoped3A : memref<!tpu.dma_semaphore, #tpu.memory_space<semaphore_mem>>)
      %dma_wait3A_89 = arith.constant 0 : i32
      %dma_wait3A_90 = tpu.memref_slice %arg3[%mul3A_0, %dma_wait3A_89] : memref<1280x128xi32, #tpu.memory_space<hbm>> -> memref<80x128xi32, #tpu.memory_space<hbm>>
      %dma_wait3A_91 = arith.constant 0 : i32
      %dma_wait3A_92 = tpu.memref_slice %arg3[%mul3A_0, %dma_wait3A_91] : memref<1280x128xi32, #tpu.memory_space<hbm>> -> memref<80x128xi32, #tpu.memory_space<hbm>>
      tpu.wait_dma2 semaphore(%run_scoped3A : memref<!tpu.dma_semaphore, #tpu.memory_space<semaphore_mem>>) src(%dma_wait3A_92 : memref<80x128xi32, #tpu.memory_space<hbm>>) dst(%arg6 : memref<80x128xi32, #tpu.memory_space<vmem>>)
      tpu.yield
    }) : () -> ()
    %mul3A_1 = arith.constant 640 : i32
    %mul3A_2 = arith.muli %arg1, %mul3A_1 : i32
    %add3A = arith.constant 0 : i32
    %add3A_3 = arith.addi %mul3A_2, %add3A : i32
    "tpu.region"() ({
      %run_scoped3A = tpu.sem_alloc : memref<!tpu.dma_semaphore, #tpu.memory_space<semaphore_mem>>
      %dma_start3A = arith.constant 0 : i32
      %dma_start3A_86 = tpu.memref_slice %arg7[%add3A_3, %dma_start3A] : memref<10240x8xf32, #tpu.memory_space<vmem_shared>> -> memref<128x8xf32, #tpu.memory_space<vmem_shared>>
      %dma_start3A_87 = arith.constant 0 : i32
      %dma_start3A_88 = tpu.memref_slice %arg7[%add3A_3, %dma_start3A_87] : memref<10240x8xf32, #tpu.memory_space<vmem_shared>> -> memref<128x8xf32, #tpu.memory_space<vmem_shared>>
      tpu.enqueue_dma source(%arg5 : memref<128x8xf32, #tpu.memory_space<vmem>>) target(%dma_start3A_88 : memref<128x8xf32, #tpu.memory_space<vmem_shared>>) target_semaphore(%run_scoped3A : memref<!tpu.dma_semaphore, #tpu.memory_space<semaphore_mem>>)
      %dma_wait3A_89 = arith.constant 0 : i32
      %dma_wait3A_90 = tpu.memref_slice %arg7[%add3A_3, %dma_wait3A_89] : memref<10240x8xf32, #tpu.memory_space<vmem_shared>> -> memref<128x8xf32, #tpu.memory_space<vmem_shared>>
      %dma_wait3A_91 = arith.constant 0 : i32
      %dma_wait3A_92 = tpu.memref_slice %arg7[%add3A_3, %dma_wait3A_91] : memref<10240x8xf32, #tpu.memory_space<vmem_shared>> -> memref<128x8xf32, #tpu.memory_space<vmem_shared>>
      tpu.wait_dma2 semaphore(%run_scoped3A : memref<!tpu.dma_semaphore, #tpu.memory_space<semaphore_mem>>) src(%arg5 : memref<128x8xf32, #tpu.memory_space<vmem>>) dst(%dma_wait3A_92 : memref<128x8xf32, #tpu.memory_space<vmem_shared>>)
      tpu.yield
    }) : () -> ()
    %mul3A_4 = arith.constant 640 : i32
    %mul3A_5 = arith.muli %arg1, %mul3A_4 : i32
    %add3A_6 = arith.constant 128 : i32
    %add3A_7 = arith.addi %mul3A_5, %add3A_6 : i32
    "tpu.region"() ({
      %run_scoped3A = tpu.sem_alloc : memref<!tpu.dma_semaphore, #tpu.memory_space<semaphore_mem>>
      %dma_start3A = arith.constant 0 : i32
      %dma_start3A_86 = tpu.memref_slice %arg7[%add3A_7, %dma_start3A] : memref<10240x8xf32, #tpu.memory_space<vmem_shared>> -> memref<128x8xf32, #tpu.memory_space<vmem_shared>>
      %dma_start3A_87 = arith.constant 0 : i32
      %dma_start3A_88 = tpu.memref_slice %arg7[%add3A_7, %dma_start3A_87] : memref<10240x8xf32, #tpu.memory_space<vmem_shared>> -> memref<128x8xf32, #tpu.memory_space<vmem_shared>>
      tpu.enqueue_dma source(%arg5 : memref<128x8xf32, #tpu.memory_space<vmem>>) target(%dma_start3A_88 : memref<128x8xf32, #tpu.memory_space<vmem_shared>>) target_semaphore(%run_scoped3A : memref<!tpu.dma_semaphore, #tpu.memory_space<semaphore_mem>>)
      %dma_wait3A_89 = arith.constant 0 : i32
      %dma_wait3A_90 = tpu.memref_slice %arg7[%add3A_7, %dma_wait3A_89] : memref<10240x8xf32, #tpu.memory_space<vmem_shared>> -> memref<128x8xf32, #tpu.memory_space<vmem_shared>>
      %dma_wait3A_91 = arith.constant 0 : i32
      %dma_wait3A_92 = tpu.memref_slice %arg7[%add3A_7, %dma_wait3A_91] : memref<10240x8xf32, #tpu.memory_space<vmem_shared>> -> memref<128x8xf32, #tpu.memory_space<vmem_shared>>
      tpu.wait_dma2 semaphore(%run_scoped3A : memref<!tpu.dma_semaphore, #tpu.memory_space<semaphore_mem>>) src(%arg5 : memref<128x8xf32, #tpu.memory_space<vmem>>) dst(%dma_wait3A_92 : memref<128x8xf32, #tpu.memory_space<vmem_shared>>)
      tpu.yield
    }) : () -> ()
    %mul3A_8 = arith.constant 640 : i32
    %mul3A_9 = arith.muli %arg1, %mul3A_8 : i32
    %add3A_10 = arith.constant 256 : i32
    %add3A_11 = arith.addi %mul3A_9, %add3A_10 : i32
    "tpu.region"() ({
      %run_scoped3A = tpu.sem_alloc : memref<!tpu.dma_semaphore, #tpu.memory_space<semaphore_mem>>
      %dma_start3A = arith.constant 0 : i32
      %dma_start3A_86 = tpu.memref_slice %arg7[%add3A_11, %dma_start3A] : memref<10240x8xf32, #tpu.memory_space<vmem_shared>> -> memref<128x8xf32, #tpu.memory_space<vmem_shared>>
      %dma_start3A_87 = arith.constant 0 : i32
      %dma_start3A_88 = tpu.memref_slice %arg7[%add3A_11, %dma_start3A_87] : memref<10240x8xf32, #tpu.memory_space<vmem_shared>> -> memref<128x8xf32, #tpu.memory_space<vmem_shared>>
      tpu.enqueue_dma source(%arg5 : memref<128x8xf32, #tpu.memory_space<vmem>>) target(%dma_start3A_88 : memref<128x8xf32, #tpu.memory_space<vmem_shared>>) target_semaphore(%run_scoped3A : memref<!tpu.dma_semaphore, #tpu.memory_space<semaphore_mem>>)
      %dma_wait3A_89 = arith.constant 0 : i32
      %dma_wait3A_90 = tpu.memref_slice %arg7[%add3A_11, %dma_wait3A_89] : memref<10240x8xf32, #tpu.memory_space<vmem_shared>> -> memref<128x8xf32, #tpu.memory_space<vmem_shared>>
      %dma_wait3A_91 = arith.constant 0 : i32
      %dma_wait3A_92 = tpu.memref_slice %arg7[%add3A_11, %dma_wait3A_91] : memref<10240x8xf32, #tpu.memory_space<vmem_shared>> -> memref<128x8xf32, #tpu.memory_space<vmem_shared>>
      tpu.wait_dma2 semaphore(%run_scoped3A : memref<!tpu.dma_semaphore, #tpu.memory_space<semaphore_mem>>) src(%arg5 : memref<128x8xf32, #tpu.memory_space<vmem>>) dst(%dma_wait3A_92 : memref<128x8xf32, #tpu.memory_space<vmem_shared>>)
      tpu.yield
    }) : () -> ()
    %mul3A_12 = arith.constant 640 : i32
    %mul3A_13 = arith.muli %arg1, %mul3A_12 : i32
    %add3A_14 = arith.constant 384 : i32
    %add3A_15 = arith.addi %mul3A_13, %add3A_14 : i32
    "tpu.region"() ({
      %run_scoped3A = tpu.sem_alloc : memref<!tpu.dma_semaphore, #tpu.memory_space<semaphore_mem>>
      %dma_start3A = arith.constant 0 : i32
      %dma_start3A_86 = tpu.memref_slice %arg7[%add3A_15, %dma_start3A] : memref<10240x8xf32, #tpu.memory_space<vmem_shared>> -> memref<128x8xf32, #tpu.memory_space<vmem_shared>>
      %dma_start3A_87 = arith.constant 0 : i32
      %dma_start3A_88 = tpu.memref_slice %arg7[%add3A_15, %dma_start3A_87] : memref<10240x8xf32, #tpu.memory_space<vmem_shared>> -> memref<128x8xf32, #tpu.memory_space<vmem_shared>>
      tpu.enqueue_dma source(%arg5 : memref<128x8xf32, #tpu.memory_space<vmem>>) target(%dma_start3A_88 : memref<128x8xf32, #tpu.memory_space<vmem_shared>>) target_semaphore(%run_scoped3A : memref<!tpu.dma_semaphore, #tpu.memory_space<semaphore_mem>>)
      %dma_wait3A_89 = arith.constant 0 : i32
      %dma_wait3A_90 = tpu.memref_slice %arg7[%add3A_15, %dma_wait3A_89] : memref<10240x8xf32, #tpu.memory_space<vmem_shared>> -> memref<128x8xf32, #tpu.memory_space<vmem_shared>>
      %dma_wait3A_91 = arith.constant 0 : i32
      %dma_wait3A_92 = tpu.memref_slice %arg7[%add3A_15, %dma_wait3A_91] : memref<10240x8xf32, #tpu.memory_space<vmem_shared>> -> memref<128x8xf32, #tpu.memory_space<vmem_shared>>
      tpu.wait_dma2 semaphore(%run_scoped3A : memref<!tpu.dma_semaphore, #tpu.memory_space<semaphore_mem>>) src(%arg5 : memref<128x8xf32, #tpu.memory_space<vmem>>) dst(%dma_wait3A_92 : memref<128x8xf32, #tpu.memory_space<vmem_shared>>)
      tpu.yield
    }) : () -> ()
    %mul3A_16 = arith.constant 640 : i32
    %mul3A_17 = arith.muli %arg1, %mul3A_16 : i32
    %add3A_18 = arith.constant 512 : i32
    %add3A_19 = arith.addi %mul3A_17, %add3A_18 : i32
    "tpu.region"() ({
      %run_scoped3A = tpu.sem_alloc : memref<!tpu.dma_semaphore, #tpu.memory_space<semaphore_mem>>
      %dma_start3A = arith.constant 0 : i32
      %dma_start3A_86 = tpu.memref_slice %arg7[%add3A_19, %dma_start3A] : memref<10240x8xf32, #tpu.memory_space<vmem_shared>> -> memref<128x8xf32, #tpu.memory_space<vmem_shared>>
      %dma_start3A_87 = arith.constant 0 : i32
      %dma_start3A_88 = tpu.memref_slice %arg7[%add3A_19, %dma_start3A_87] : memref<10240x8xf32, #tpu.memory_space<vmem_shared>> -> memref<128x8xf32, #tpu.memory_space<vmem_shared>>
      tpu.enqueue_dma source(%arg5 : memref<128x8xf32, #tpu.memory_space<vmem>>) target(%dma_start3A_88 : memref<128x8xf32, #tpu.memory_space<vmem_shared>>) target_semaphore(%run_scoped3A : memref<!tpu.dma_semaphore, #tpu.memory_space<semaphore_mem>>)
      %dma_wait3A_89 = arith.constant 0 : i32
      %dma_wait3A_90 = tpu.memref_slice %arg7[%add3A_19, %dma_wait3A_89] : memref<10240x8xf32, #tpu.memory_space<vmem_shared>> -> memref<128x8xf32, #tpu.memory_space<vmem_shared>>
      %dma_wait3A_91 = arith.constant 0 : i32
      %dma_wait3A_92 = tpu.memref_slice %arg7[%add3A_19, %dma_wait3A_91] : memref<10240x8xf32, #tpu.memory_space<vmem_shared>> -> memref<128x8xf32, #tpu.memory_space<vmem_shared>>
      tpu.wait_dma2 semaphore(%run_scoped3A : memref<!tpu.dma_semaphore, #tpu.memory_space<semaphore_mem>>) src(%arg5 : memref<128x8xf32, #tpu.memory_space<vmem>>) dst(%dma_wait3A_92 : memref<128x8xf32, #tpu.memory_space<vmem_shared>>)
      tpu.yield
    }) : () -> ()
    %barrier3A = arith.constant 0 : index
    tpu.barrier barrier_id(%barrier3A)
    %scan3A = arith.constant 0 : i32
    %scan3A_20 = arith.constant 0 : i32
    %scan3A_21 = arith.constant 80 : i32
    %scan3A_22 = arith.addi %scan3A_20, %scan3A_21 : i32
    %scan3A_23 = arith.constant 1 : i32
    scf.for %scan3A_86 = %scan3A_20 to %scan3A_22 step %scan3A_23  : i32 {
      %dma_start3A = arith.constant 0 : i32
      %dma_start3A_87 = tpu.memref_slice %arg6[%scan3A_86, %dma_start3A] : memref<80x128xi32, #tpu.memory_space<vmem>> -> memref<1x128xi32, #tpu.memory_space<vmem>>
      %dma_start3A_88 = tpu.memref_squeeze %dma_start3A_87 : memref<1x128xi32, #tpu.memory_space<vmem>> -> memref<128xi32, #tpu.memory_space<vmem>>
      %dma_start3A_89 = arith.constant 0 : i32
      %dma_start3A_90 = arith.constant 0 : i32
      %dma_start3A_91 = tpu.memref_slice %arg7[%dma_start3A_89, %dma_start3A_90] : memref<10240x8xf32, #tpu.memory_space<vmem_shared>> -> memref<10240x8xf32, #tpu.memory_space<vmem_shared>>
      tpu.enqueue_indirect_dma source(%arg5 : memref<128x8xf32, #tpu.memory_space<vmem>>) target(%dma_start3A_91 : memref<10240x8xf32, #tpu.memory_space<vmem_shared>>) offsets(%dma_start3A_88 : memref<128xi32, #tpu.memory_space<vmem>>) semaphore(%arg8 : memref<!tpu.dma_semaphore, #tpu.memory_space<semaphore_mem>>) {add = true}
      %ge3A = arith.constant 8 : i32
      %ge3A_92 = arith.cmpi sge, %scan3A_86, %ge3A : i32
      %convert_element_type3A = arith.extui %ge3A_92 : i1 to i32
      %cond3A = arith.constant 0 : i32
      %cond3A_93 = arith.cmpi ne, %convert_element_type3A, %cond3A : i32
      scf.if %cond3A_93 {
        %dma_wait3A_94 = arith.constant 0 : i32
        %dma_wait3A_95 = arith.constant 0 : i32
        %dma_wait3A_96 = tpu.memref_slice %arg6[%dma_wait3A_94, %dma_wait3A_95] : memref<80x128xi32, #tpu.memory_space<vmem>> -> memref<1x128xi32, #tpu.memory_space<vmem>>
        %dma_wait3A_97 = tpu.memref_squeeze %dma_wait3A_96 : memref<1x128xi32, #tpu.memory_space<vmem>> -> memref<128xi32, #tpu.memory_space<vmem>>
        %dma_wait3A_98 = arith.constant 0 : i32
        %dma_wait3A_99 = arith.constant 0 : i32
        %dma_wait3A_100 = tpu.memref_slice %arg7[%dma_wait3A_98, %dma_wait3A_99] : memref<10240x8xf32, #tpu.memory_space<vmem_shared>> -> memref<10240x8xf32, #tpu.memory_space<vmem_shared>>
        tpu.wait_indirect_dma semaphore(%arg8 : memref<!tpu.dma_semaphore, #tpu.memory_space<semaphore_mem>>) src(%arg5 : memref<128x8xf32, #tpu.memory_space<vmem>>) dst(%dma_wait3A_100 : memref<10240x8xf32, #tpu.memory_space<vmem_shared>>)
      } else {
      }
    }
    %scan3A_24 = arith.constant 80 : i32
    %dma_wait3A = arith.constant 0 : i32
    %dma_wait3A_25 = arith.constant 0 : i32
    %dma_wait3A_26 = tpu.memref_slice %arg6[%dma_wait3A, %dma_wait3A_25] : memref<80x128xi32, #tpu.memory_space<vmem>> -> memref<1x128xi32, #tpu.memory_space<vmem>>
    %dma_wait3A_27 = tpu.memref_squeeze %dma_wait3A_26 : memref<1x128xi32, #tpu.memory_space<vmem>> -> memref<128xi32, #tpu.memory_space<vmem>>
    %dma_wait3A_28 = arith.constant 0 : i32
    %dma_wait3A_29 = arith.constant 0 : i32
    %dma_wait3A_30 = tpu.memref_slice %arg7[%dma_wait3A_28, %dma_wait3A_29] : memref<10240x8xf32, #tpu.memory_space<vmem_shared>> -> memref<10240x8xf32, #tpu.memory_space<vmem_shared>>
    tpu.wait_indirect_dma semaphore(%arg8 : memref<!tpu.dma_semaphore, #tpu.memory_space<semaphore_mem>>) src(%arg5 : memref<128x8xf32, #tpu.memory_space<vmem>>) dst(%dma_wait3A_30 : memref<10240x8xf32, #tpu.memory_space<vmem_shared>>)
    %dma_wait3A_31 = arith.constant 0 : i32
    %dma_wait3A_32 = arith.constant 0 : i32
    %dma_wait3A_33 = tpu.memref_slice %arg6[%dma_wait3A_31, %dma_wait3A_32] : memref<80x128xi32, #tpu.memory_space<vmem>> -> memref<1x128xi32, #tpu.memory_space<vmem>>
    %dma_wait3A_34 = tpu.memref_squeeze %dma_wait3A_33 : memref<1x128xi32, #tpu.memory_space<vmem>> -> memref<128xi32, #tpu.memory_space<vmem>>
    %dma_wait3A_35 = arith.constant 0 : i32
    %dma_wait3A_36 = arith.constant 0 : i32
    %dma_wait3A_37 = tpu.memref_slice %arg7[%dma_wait3A_35, %dma_wait3A_36] : memref<10240x8xf32, #tpu.memory_space<vmem_shared>> -> memref<10240x8xf32, #tpu.memory_space<vmem_shared>>
    tpu.wait_indirect_dma semaphore(%arg8 : memref<!tpu.dma_semaphore, #tpu.memory_space<semaphore_mem>>) src(%arg5 : memref<128x8xf32, #tpu.memory_space<vmem>>) dst(%dma_wait3A_37 : memref<10240x8xf32, #tpu.memory_space<vmem_shared>>)
    %dma_wait3A_38 = arith.constant 0 : i32
    %dma_wait3A_39 = arith.constant 0 : i32
    %dma_wait3A_40 = tpu.memref_slice %arg6[%dma_wait3A_38, %dma_wait3A_39] : memref<80x128xi32, #tpu.memory_space<vmem>> -> memref<1x128xi32, #tpu.memory_space<vmem>>
    %dma_wait3A_41 = tpu.memref_squeeze %dma_wait3A_40 : memref<1x128xi32, #tpu.memory_space<vmem>> -> memref<128xi32, #tpu.memory_space<vmem>>
    %dma_wait3A_42 = arith.constant 0 : i32
    %dma_wait3A_43 = arith.constant 0 : i32
    %dma_wait3A_44 = tpu.memref_slice %arg7[%dma_wait3A_42, %dma_wait3A_43] : memref<10240x8xf32, #tpu.memory_space<vmem_shared>> -> memref<10240x8xf32, #tpu.memory_space<vmem_shared>>
    tpu.wait_indirect_dma semaphore(%arg8 : memref<!tpu.dma_semaphore, #tpu.memory_space<semaphore_mem>>) src(%arg5 : memref<128x8xf32, #tpu.memory_space<vmem>>) dst(%dma_wait3A_44 : memref<10240x8xf32, #tpu.memory_space<vmem_shared>>)
    %dma_wait3A_45 = arith.constant 0 : i32
    %dma_wait3A_46 = arith.constant 0 : i32
    %dma_wait3A_47 = tpu.memref_slice %arg6[%dma_wait3A_45, %dma_wait3A_46] : memref<80x128xi32, #tpu.memory_space<vmem>> -> memref<1x128xi32, #tpu.memory_space<vmem>>
    %dma_wait3A_48 = tpu.memref_squeeze %dma_wait3A_47 : memref<1x128xi32, #tpu.memory_space<vmem>> -> memref<128xi32, #tpu.memory_space<vmem>>
    %dma_wait3A_49 = arith.constant 0 : i32
    %dma_wait3A_50 = arith.constant 0 : i32
    %dma_wait3A_51 = tpu.memref_slice %arg7[%dma_wait3A_49, %dma_wait3A_50] : memref<10240x8xf32, #tpu.memory_space<vmem_shared>> -> memref<10240x8xf32, #tpu.memory_space<vmem_shared>>
    tpu.wait_indirect_dma semaphore(%arg8 : memref<!tpu.dma_semaphore, #tpu.memory_space<semaphore_mem>>) src(%arg5 : memref<128x8xf32, #tpu.memory_space<vmem>>) dst(%dma_wait3A_51 : memref<10240x8xf32, #tpu.memory_space<vmem_shared>>)
    %dma_wait3A_52 = arith.constant 0 : i32
    %dma_wait3A_53 = arith.constant 0 : i32
    %dma_wait3A_54 = tpu.memref_slice %arg6[%dma_wait3A_52, %dma_wait3A_53] : memref<80x128xi32, #tpu.memory_space<vmem>> -> memref<1x128xi32, #tpu.memory_space<vmem>>
    %dma_wait3A_55 = tpu.memref_squeeze %dma_wait3A_54 : memref<1x128xi32, #tpu.memory_space<vmem>> -> memref<128xi32, #tpu.memory_space<vmem>>
    %dma_wait3A_56 = arith.constant 0 : i32
    %dma_wait3A_57 = arith.constant 0 : i32
    %dma_wait3A_58 = tpu.memref_slice %arg7[%dma_wait3A_56, %dma_wait3A_57] : memref<10240x8xf32, #tpu.memory_space<vmem_shared>> -> memref<10240x8xf32, #tpu.memory_space<vmem_shared>>
    tpu.wait_indirect_dma semaphore(%arg8 : memref<!tpu.dma_semaphore, #tpu.memory_space<semaphore_mem>>) src(%arg5 : memref<128x8xf32, #tpu.memory_space<vmem>>) dst(%dma_wait3A_58 : memref<10240x8xf32, #tpu.memory_space<vmem_shared>>)
    %dma_wait3A_59 = arith.constant 0 : i32
    %dma_wait3A_60 = arith.constant 0 : i32
    %dma_wait3A_61 = tpu.memref_slice %arg6[%dma_wait3A_59, %dma_wait3A_60] : memref<80x128xi32, #tpu.memory_space<vmem>> -> memref<1x128xi32, #tpu.memory_space<vmem>>
    %dma_wait3A_62 = tpu.memref_squeeze %dma_wait3A_61 : memref<1x128xi32, #tpu.memory_space<vmem>> -> memref<128xi32, #tpu.memory_space<vmem>>
    %dma_wait3A_63 = arith.constant 0 : i32
    %dma_wait3A_64 = arith.constant 0 : i32
    %dma_wait3A_65 = tpu.memref_slice %arg7[%dma_wait3A_63, %dma_wait3A_64] : memref<10240x8xf32, #tpu.memory_space<vmem_shared>> -> memref<10240x8xf32, #tpu.memory_space<vmem_shared>>
    tpu.wait_indirect_dma semaphore(%arg8 : memref<!tpu.dma_semaphore, #tpu.memory_space<semaphore_mem>>) src(%arg5 : memref<128x8xf32, #tpu.memory_space<vmem>>) dst(%dma_wait3A_65 : memref<10240x8xf32, #tpu.memory_space<vmem_shared>>)
    %dma_wait3A_66 = arith.constant 0 : i32
    %dma_wait3A_67 = arith.constant 0 : i32
    %dma_wait3A_68 = tpu.memref_slice %arg6[%dma_wait3A_66, %dma_wait3A_67] : memref<80x128xi32, #tpu.memory_space<vmem>> -> memref<1x128xi32, #tpu.memory_space<vmem>>
    %dma_wait3A_69 = tpu.memref_squeeze %dma_wait3A_68 : memref<1x128xi32, #tpu.memory_space<vmem>> -> memref<128xi32, #tpu.memory_space<vmem>>
    %dma_wait3A_70 = arith.constant 0 : i32
    %dma_wait3A_71 = arith.constant 0 : i32
    %dma_wait3A_72 = tpu.memref_slice %arg7[%dma_wait3A_70, %dma_wait3A_71] : memref<10240x8xf32, #tpu.memory_space<vmem_shared>> -> memref<10240x8xf32, #tpu.memory_space<vmem_shared>>
    tpu.wait_indirect_dma semaphore(%arg8 : memref<!tpu.dma_semaphore, #tpu.memory_space<semaphore_mem>>) src(%arg5 : memref<128x8xf32, #tpu.memory_space<vmem>>) dst(%dma_wait3A_72 : memref<10240x8xf32, #tpu.memory_space<vmem_shared>>)
    %dma_wait3A_73 = arith.constant 0 : i32
    %dma_wait3A_74 = arith.constant 0 : i32
    %dma_wait3A_75 = tpu.memref_slice %arg6[%dma_wait3A_73, %dma_wait3A_74] : memref<80x128xi32, #tpu.memory_space<vmem>> -> memref<1x128xi32, #tpu.memory_space<vmem>>
    %dma_wait3A_76 = tpu.memref_squeeze %dma_wait3A_75 : memref<1x128xi32, #tpu.memory_space<vmem>> -> memref<128xi32, #tpu.memory_space<vmem>>
    %dma_wait3A_77 = arith.constant 0 : i32
    %dma_wait3A_78 = arith.constant 0 : i32
    %dma_wait3A_79 = tpu.memref_slice %arg7[%dma_wait3A_77, %dma_wait3A_78] : memref<10240x8xf32, #tpu.memory_space<vmem_shared>> -> memref<10240x8xf32, #tpu.memory_space<vmem_shared>>
    tpu.wait_indirect_dma semaphore(%arg8 : memref<!tpu.dma_semaphore, #tpu.memory_space<semaphore_mem>>) src(%arg5 : memref<128x8xf32, #tpu.memory_space<vmem>>) dst(%dma_wait3A_79 : memref<10240x8xf32, #tpu.memory_space<vmem_shared>>)
    %barrier3A_80 = arith.constant 0 : index
    tpu.barrier barrier_id(%barrier3A_80)
    %mul3A_81 = arith.constant 5120 : i32
    %mul3A_82 = arith.muli %arg0, %mul3A_81 : i32
    %mul3A_83 = arith.constant 320 : i32
    %mul3A_84 = arith.muli %arg1, %mul3A_83 : i32
    %add3A_85 = arith.addi %mul3A_82, %mul3A_84 : i32
    "tpu.region"() ({
      %run_scoped3A = tpu.sem_alloc : memref<!tpu.dma_semaphore, #tpu.memory_space<semaphore_mem>>
      %dma_start3A = arith.constant 0 : i32
      %dma_start3A_86 = tpu.memref_slice %arg4[%add3A_85, %dma_start3A] : memref<10240x8xf32, #tpu.memory_space<hbm>> -> memref<320x8xf32, #tpu.memory_space<hbm>>
      %dma_start3A_87 = arith.constant 0 : i32
      %dma_start3A_88 = tpu.memref_slice %arg7[%add3A_85, %dma_start3A_87] : memref<10240x8xf32, #tpu.memory_space<vmem_shared>> -> memref<320x8xf32, #tpu.memory_space<vmem_shared>>
      tpu.enqueue_dma source(%dma_start3A_88 : memref<320x8xf32, #tpu.memory_space<vmem_shared>>) target(%dma_start3A_86 : memref<320x8xf32, #tpu.memory_space<hbm>>) target_semaphore(%run_scoped3A : memref<!tpu.dma_semaphore, #tpu.memory_space<semaphore_mem>>)
      %dma_wait3A_89 = arith.constant 0 : i32
      %dma_wait3A_90 = tpu.memref_slice %arg4[%add3A_85, %dma_wait3A_89] : memref<10240x8xf32, #tpu.memory_space<hbm>> -> memref<320x8xf32, #tpu.memory_space<hbm>>
      %dma_wait3A_91 = arith.constant 0 : i32
      %dma_wait3A_92 = tpu.memref_slice %arg7[%add3A_85, %dma_wait3A_91] : memref<10240x8xf32, #tpu.memory_space<vmem_shared>> -> memref<320x8xf32, #tpu.memory_space<vmem_shared>>
      tpu.wait_dma2 semaphore(%run_scoped3A : memref<!tpu.dma_semaphore, #tpu.memory_space<semaphore_mem>>) src(%dma_wait3A_92 : memref<320x8xf32, #tpu.memory_space<vmem_shared>>) dst(%dma_wait3A_90 : memref<320x8xf32, #tpu.memory_space<hbm>>)
      tpu.yield
    }) : () -> ()
    return
  }
}

#map = affine_map<(d0, d1) -> (0, 0)>
#map1 = affine_map<(d0, d1) -> (0)>
module attributes {stable_mosaic.version = 14 : i64} {
  func.func @_agg_kernel(%arg0: i32, %arg1: i32, %arg2: memref<20480x128xf32, #tpu.memory_space<hbm>>, %arg3: memref<160128xi32, #tpu.memory_space<hbm>>, %arg4: memref<160128xi32, #tpu.memory_space<hbm>>, %arg5: memref<20480x128xf32, #tpu.memory_space<hbm>>, %arg6: memref<6x72xi32, #tpu.memory_space<vmem>>, %arg7: memref<6x72xi32, #tpu.memory_space<vmem>>, %arg8: memref<5x72x128xf32, #tpu.memory_space<vmem>>, %arg9: memref<10112x128xf32, #tpu.memory_space<vmem_shared>>, %arg10: memref<!tpu.dma_semaphore, #tpu.memory_space<semaphore_mem>>, %arg11: memref<!tpu.dma_semaphore, #tpu.memory_space<semaphore_mem>>, %arg12: memref<!tpu.dma_semaphore, #tpu.memory_space<semaphore_mem>>, %arg13: memref<!tpu.dma_semaphore, #tpu.memory_space<semaphore_mem>>) attributes {dimension_semantics = [#tpu.dimension_semantics<core_parallel>, #tpu.dimension_semantics<subcore_parallel>], iteration_bounds = array<i64: 2, 16>, scalar_prefetch = 0 : i64, scratch_operands = 8 : i64, tpu.core_type = #tpu.core_type<sc_vector_subcore>, window_params = [{transform_indices = #map}, {transform_indices = #map1}, {transform_indices = #map1}, {transform_indices = #map}]} {
    %mul3A = arith.constant 632 : i32
    %mul3A_0 = arith.muli %arg1, %mul3A : i32
    %mul3A_1 = arith.constant 10008 : i32
    %mul3A_2 = arith.muli %arg1, %mul3A_1 : i32
    %mul3A_3 = arith.constant 10008 : i32
    %mul3A_4 = arith.muli %arg1, %mul3A_3 : i32
    %mul3A_5 = arith.constant 10240 : i32
    %mul3A_6 = arith.muli %arg0, %mul3A_5 : i32
    %mul3A_7 = arith.constant 10240 : i32
    %mul3A_8 = arith.muli %arg0, %mul3A_7 : i32
    %add3A = arith.addi %mul3A_8, %mul3A_0 : i32
    %dma_start3A = arith.constant 0 : i32
    %dma_start3A_9 = tpu.memref_slice %arg9[%mul3A_0, %dma_start3A] : memref<10112x128xf32, #tpu.memory_space<vmem_shared>> -> memref<632x128xf32, #tpu.memory_space<vmem_shared>>
    %dma_start3A_10 = arith.constant 0 : i32
    %dma_start3A_11 = tpu.memref_slice %arg2[%add3A, %dma_start3A_10] : memref<20480x128xf32, #tpu.memory_space<hbm>> -> memref<632x128xf32, #tpu.memory_space<hbm>>
    tpu.enqueue_dma source(%dma_start3A_11 : memref<632x128xf32, #tpu.memory_space<hbm>>) target(%dma_start3A_9 : memref<632x128xf32, #tpu.memory_space<vmem_shared>>) target_semaphore(%arg13 : memref<!tpu.dma_semaphore, #tpu.memory_space<semaphore_mem>>)
    %add3A_12 = arith.constant 0 : i32
    %add3A_13 = arith.addi %mul3A_2, %add3A_12 : i32
    %dma_start3A_14 = arith.constant 0 : i32
    %dma_start3A_15 = arith.constant 0 : i32
    %dma_start3A_16 = tpu.memref_slice %arg7[%dma_start3A_14, %dma_start3A_15] : memref<6x72xi32, #tpu.memory_space<vmem>> -> memref<1x72xi32, #tpu.memory_space<vmem>>
    %dma_start3A_17 = tpu.memref_squeeze %dma_start3A_16 : memref<1x72xi32, #tpu.memory_space<vmem>> -> memref<72xi32, #tpu.memory_space<vmem>>
    %dma_start3A_18 = tpu.memref_slice %arg3[%add3A_13] : memref<160128xi32, #tpu.memory_space<hbm>> -> memref<72xi32, #tpu.memory_space<hbm>>
    %dma_start3A_19 = arith.constant 0 : i32
    %dma_start3A_20 = tpu.memref_slice %arg7[%dma_start3A_14, %dma_start3A_19] : memref<6x72xi32, #tpu.memory_space<vmem>> -> memref<1x72xi32, #tpu.memory_space<vmem>>
    %dma_start3A_21 = tpu.memref_squeeze %dma_start3A_20 : memref<1x72xi32, #tpu.memory_space<vmem>> -> memref<72xi32, #tpu.memory_space<vmem>>
    %dma_start3A_22 = tpu.memref_slice %arg3[%add3A_13] : memref<160128xi32, #tpu.memory_space<hbm>> -> memref<72xi32, #tpu.memory_space<hbm>>
    tpu.enqueue_dma source(%dma_start3A_22 : memref<72xi32, #tpu.memory_space<hbm>>) target(%dma_start3A_21 : memref<72xi32, #tpu.memory_space<vmem>>) target_semaphore(%arg10 : memref<!tpu.dma_semaphore, #tpu.memory_space<semaphore_mem>>)
    %add3A_23 = arith.constant 0 : i32
    %add3A_24 = arith.addi %mul3A_4, %add3A_23 : i32
    %dma_start3A_25 = arith.constant 0 : i32
    %dma_start3A_26 = arith.constant 0 : i32
    %dma_start3A_27 = tpu.memref_slice %arg6[%dma_start3A_25, %dma_start3A_26] : memref<6x72xi32, #tpu.memory_space<vmem>> -> memref<1x72xi32, #tpu.memory_space<vmem>>
    %dma_start3A_28 = tpu.memref_squeeze %dma_start3A_27 : memref<1x72xi32, #tpu.memory_space<vmem>> -> memref<72xi32, #tpu.memory_space<vmem>>
    %dma_start3A_29 = tpu.memref_slice %arg4[%add3A_24] : memref<160128xi32, #tpu.memory_space<hbm>> -> memref<72xi32, #tpu.memory_space<hbm>>
    %dma_start3A_30 = arith.constant 0 : i32
    %dma_start3A_31 = tpu.memref_slice %arg6[%dma_start3A_25, %dma_start3A_30] : memref<6x72xi32, #tpu.memory_space<vmem>> -> memref<1x72xi32, #tpu.memory_space<vmem>>
    %dma_start3A_32 = tpu.memref_squeeze %dma_start3A_31 : memref<1x72xi32, #tpu.memory_space<vmem>> -> memref<72xi32, #tpu.memory_space<vmem>>
    %dma_start3A_33 = tpu.memref_slice %arg4[%add3A_24] : memref<160128xi32, #tpu.memory_space<hbm>> -> memref<72xi32, #tpu.memory_space<hbm>>
    tpu.enqueue_dma source(%dma_start3A_33 : memref<72xi32, #tpu.memory_space<hbm>>) target(%dma_start3A_32 : memref<72xi32, #tpu.memory_space<vmem>>) target_semaphore(%arg10 : memref<!tpu.dma_semaphore, #tpu.memory_space<semaphore_mem>>)
    %add3A_34 = arith.constant 72 : i32
    %add3A_35 = arith.addi %mul3A_2, %add3A_34 : i32
    %dma_start3A_36 = arith.constant 1 : i32
    %dma_start3A_37 = arith.constant 0 : i32
    %dma_start3A_38 = tpu.memref_slice %arg7[%dma_start3A_36, %dma_start3A_37] : memref<6x72xi32, #tpu.memory_space<vmem>> -> memref<1x72xi32, #tpu.memory_space<vmem>>
    %dma_start3A_39 = tpu.memref_squeeze %dma_start3A_38 : memref<1x72xi32, #tpu.memory_space<vmem>> -> memref<72xi32, #tpu.memory_space<vmem>>
    %dma_start3A_40 = tpu.memref_slice %arg3[%add3A_35] : memref<160128xi32, #tpu.memory_space<hbm>> -> memref<72xi32, #tpu.memory_space<hbm>>
    %dma_start3A_41 = arith.constant 0 : i32
    %dma_start3A_42 = tpu.memref_slice %arg7[%dma_start3A_36, %dma_start3A_41] : memref<6x72xi32, #tpu.memory_space<vmem>> -> memref<1x72xi32, #tpu.memory_space<vmem>>
    %dma_start3A_43 = tpu.memref_squeeze %dma_start3A_42 : memref<1x72xi32, #tpu.memory_space<vmem>> -> memref<72xi32, #tpu.memory_space<vmem>>
    %dma_start3A_44 = tpu.memref_slice %arg3[%add3A_35] : memref<160128xi32, #tpu.memory_space<hbm>> -> memref<72xi32, #tpu.memory_space<hbm>>
    tpu.enqueue_dma source(%dma_start3A_44 : memref<72xi32, #tpu.memory_space<hbm>>) target(%dma_start3A_43 : memref<72xi32, #tpu.memory_space<vmem>>) target_semaphore(%arg10 : memref<!tpu.dma_semaphore, #tpu.memory_space<semaphore_mem>>)
    %add3A_45 = arith.constant 72 : i32
    %add3A_46 = arith.addi %mul3A_4, %add3A_45 : i32
    %dma_start3A_47 = arith.constant 1 : i32
    %dma_start3A_48 = arith.constant 0 : i32
    %dma_start3A_49 = tpu.memref_slice %arg6[%dma_start3A_47, %dma_start3A_48] : memref<6x72xi32, #tpu.memory_space<vmem>> -> memref<1x72xi32, #tpu.memory_space<vmem>>
    %dma_start3A_50 = tpu.memref_squeeze %dma_start3A_49 : memref<1x72xi32, #tpu.memory_space<vmem>> -> memref<72xi32, #tpu.memory_space<vmem>>
    %dma_start3A_51 = tpu.memref_slice %arg4[%add3A_46] : memref<160128xi32, #tpu.memory_space<hbm>> -> memref<72xi32, #tpu.memory_space<hbm>>
    %dma_start3A_52 = arith.constant 0 : i32
    %dma_start3A_53 = tpu.memref_slice %arg6[%dma_start3A_47, %dma_start3A_52] : memref<6x72xi32, #tpu.memory_space<vmem>> -> memref<1x72xi32, #tpu.memory_space<vmem>>
    %dma_start3A_54 = tpu.memref_squeeze %dma_start3A_53 : memref<1x72xi32, #tpu.memory_space<vmem>> -> memref<72xi32, #tpu.memory_space<vmem>>
    %dma_start3A_55 = tpu.memref_slice %arg4[%add3A_46] : memref<160128xi32, #tpu.memory_space<hbm>> -> memref<72xi32, #tpu.memory_space<hbm>>
    tpu.enqueue_dma source(%dma_start3A_55 : memref<72xi32, #tpu.memory_space<hbm>>) target(%dma_start3A_54 : memref<72xi32, #tpu.memory_space<vmem>>) target_semaphore(%arg10 : memref<!tpu.dma_semaphore, #tpu.memory_space<semaphore_mem>>)
    %add3A_56 = arith.constant 144 : i32
    %add3A_57 = arith.addi %mul3A_2, %add3A_56 : i32
    %dma_start3A_58 = arith.constant 2 : i32
    %dma_start3A_59 = arith.constant 0 : i32
    %dma_start3A_60 = tpu.memref_slice %arg7[%dma_start3A_58, %dma_start3A_59] : memref<6x72xi32, #tpu.memory_space<vmem>> -> memref<1x72xi32, #tpu.memory_space<vmem>>
    %dma_start3A_61 = tpu.memref_squeeze %dma_start3A_60 : memref<1x72xi32, #tpu.memory_space<vmem>> -> memref<72xi32, #tpu.memory_space<vmem>>
    %dma_start3A_62 = tpu.memref_slice %arg3[%add3A_57] : memref<160128xi32, #tpu.memory_space<hbm>> -> memref<72xi32, #tpu.memory_space<hbm>>
    %dma_start3A_63 = arith.constant 0 : i32
    %dma_start3A_64 = tpu.memref_slice %arg7[%dma_start3A_58, %dma_start3A_63] : memref<6x72xi32, #tpu.memory_space<vmem>> -> memref<1x72xi32, #tpu.memory_space<vmem>>
    %dma_start3A_65 = tpu.memref_squeeze %dma_start3A_64 : memref<1x72xi32, #tpu.memory_space<vmem>> -> memref<72xi32, #tpu.memory_space<vmem>>
    %dma_start3A_66 = tpu.memref_slice %arg3[%add3A_57] : memref<160128xi32, #tpu.memory_space<hbm>> -> memref<72xi32, #tpu.memory_space<hbm>>
    tpu.enqueue_dma source(%dma_start3A_66 : memref<72xi32, #tpu.memory_space<hbm>>) target(%dma_start3A_65 : memref<72xi32, #tpu.memory_space<vmem>>) target_semaphore(%arg10 : memref<!tpu.dma_semaphore, #tpu.memory_space<semaphore_mem>>)
    %add3A_67 = arith.constant 144 : i32
    %add3A_68 = arith.addi %mul3A_4, %add3A_67 : i32
    %dma_start3A_69 = arith.constant 2 : i32
    %dma_start3A_70 = arith.constant 0 : i32
    %dma_start3A_71 = tpu.memref_slice %arg6[%dma_start3A_69, %dma_start3A_70] : memref<6x72xi32, #tpu.memory_space<vmem>> -> memref<1x72xi32, #tpu.memory_space<vmem>>
    %dma_start3A_72 = tpu.memref_squeeze %dma_start3A_71 : memref<1x72xi32, #tpu.memory_space<vmem>> -> memref<72xi32, #tpu.memory_space<vmem>>
    %dma_start3A_73 = tpu.memref_slice %arg4[%add3A_68] : memref<160128xi32, #tpu.memory_space<hbm>> -> memref<72xi32, #tpu.memory_space<hbm>>
    %dma_start3A_74 = arith.constant 0 : i32
    %dma_start3A_75 = tpu.memref_slice %arg6[%dma_start3A_69, %dma_start3A_74] : memref<6x72xi32, #tpu.memory_space<vmem>> -> memref<1x72xi32, #tpu.memory_space<vmem>>
    %dma_start3A_76 = tpu.memref_squeeze %dma_start3A_75 : memref<1x72xi32, #tpu.memory_space<vmem>> -> memref<72xi32, #tpu.memory_space<vmem>>
    %dma_start3A_77 = tpu.memref_slice %arg4[%add3A_68] : memref<160128xi32, #tpu.memory_space<hbm>> -> memref<72xi32, #tpu.memory_space<hbm>>
    tpu.enqueue_dma source(%dma_start3A_77 : memref<72xi32, #tpu.memory_space<hbm>>) target(%dma_start3A_76 : memref<72xi32, #tpu.memory_space<vmem>>) target_semaphore(%arg10 : memref<!tpu.dma_semaphore, #tpu.memory_space<semaphore_mem>>)
    %add3A_78 = arith.constant 216 : i32
    %add3A_79 = arith.addi %mul3A_2, %add3A_78 : i32
    %dma_start3A_80 = arith.constant 3 : i32
    %dma_start3A_81 = arith.constant 0 : i32
    %dma_start3A_82 = tpu.memref_slice %arg7[%dma_start3A_80, %dma_start3A_81] : memref<6x72xi32, #tpu.memory_space<vmem>> -> memref<1x72xi32, #tpu.memory_space<vmem>>
    %dma_start3A_83 = tpu.memref_squeeze %dma_start3A_82 : memref<1x72xi32, #tpu.memory_space<vmem>> -> memref<72xi32, #tpu.memory_space<vmem>>
    %dma_start3A_84 = tpu.memref_slice %arg3[%add3A_79] : memref<160128xi32, #tpu.memory_space<hbm>> -> memref<72xi32, #tpu.memory_space<hbm>>
    %dma_start3A_85 = arith.constant 0 : i32
    %dma_start3A_86 = tpu.memref_slice %arg7[%dma_start3A_80, %dma_start3A_85] : memref<6x72xi32, #tpu.memory_space<vmem>> -> memref<1x72xi32, #tpu.memory_space<vmem>>
    %dma_start3A_87 = tpu.memref_squeeze %dma_start3A_86 : memref<1x72xi32, #tpu.memory_space<vmem>> -> memref<72xi32, #tpu.memory_space<vmem>>
    %dma_start3A_88 = tpu.memref_slice %arg3[%add3A_79] : memref<160128xi32, #tpu.memory_space<hbm>> -> memref<72xi32, #tpu.memory_space<hbm>>
    tpu.enqueue_dma source(%dma_start3A_88 : memref<72xi32, #tpu.memory_space<hbm>>) target(%dma_start3A_87 : memref<72xi32, #tpu.memory_space<vmem>>) target_semaphore(%arg10 : memref<!tpu.dma_semaphore, #tpu.memory_space<semaphore_mem>>)
    %add3A_89 = arith.constant 216 : i32
    %add3A_90 = arith.addi %mul3A_4, %add3A_89 : i32
    %dma_start3A_91 = arith.constant 3 : i32
    %dma_start3A_92 = arith.constant 0 : i32
    %dma_start3A_93 = tpu.memref_slice %arg6[%dma_start3A_91, %dma_start3A_92] : memref<6x72xi32, #tpu.memory_space<vmem>> -> memref<1x72xi32, #tpu.memory_space<vmem>>
    %dma_start3A_94 = tpu.memref_squeeze %dma_start3A_93 : memref<1x72xi32, #tpu.memory_space<vmem>> -> memref<72xi32, #tpu.memory_space<vmem>>
    %dma_start3A_95 = tpu.memref_slice %arg4[%add3A_90] : memref<160128xi32, #tpu.memory_space<hbm>> -> memref<72xi32, #tpu.memory_space<hbm>>
    %dma_start3A_96 = arith.constant 0 : i32
    %dma_start3A_97 = tpu.memref_slice %arg6[%dma_start3A_91, %dma_start3A_96] : memref<6x72xi32, #tpu.memory_space<vmem>> -> memref<1x72xi32, #tpu.memory_space<vmem>>
    %dma_start3A_98 = tpu.memref_squeeze %dma_start3A_97 : memref<1x72xi32, #tpu.memory_space<vmem>> -> memref<72xi32, #tpu.memory_space<vmem>>
    %dma_start3A_99 = tpu.memref_slice %arg4[%add3A_90] : memref<160128xi32, #tpu.memory_space<hbm>> -> memref<72xi32, #tpu.memory_space<hbm>>
    tpu.enqueue_dma source(%dma_start3A_99 : memref<72xi32, #tpu.memory_space<hbm>>) target(%dma_start3A_98 : memref<72xi32, #tpu.memory_space<vmem>>) target_semaphore(%arg10 : memref<!tpu.dma_semaphore, #tpu.memory_space<semaphore_mem>>)
    %add3A_100 = arith.constant 288 : i32
    %add3A_101 = arith.addi %mul3A_2, %add3A_100 : i32
    %dma_start3A_102 = arith.constant 4 : i32
    %dma_start3A_103 = arith.constant 0 : i32
    %dma_start3A_104 = tpu.memref_slice %arg7[%dma_start3A_102, %dma_start3A_103] : memref<6x72xi32, #tpu.memory_space<vmem>> -> memref<1x72xi32, #tpu.memory_space<vmem>>
    %dma_start3A_105 = tpu.memref_squeeze %dma_start3A_104 : memref<1x72xi32, #tpu.memory_space<vmem>> -> memref<72xi32, #tpu.memory_space<vmem>>
    %dma_start3A_106 = tpu.memref_slice %arg3[%add3A_101] : memref<160128xi32, #tpu.memory_space<hbm>> -> memref<72xi32, #tpu.memory_space<hbm>>
    %dma_start3A_107 = arith.constant 0 : i32
    %dma_start3A_108 = tpu.memref_slice %arg7[%dma_start3A_102, %dma_start3A_107] : memref<6x72xi32, #tpu.memory_space<vmem>> -> memref<1x72xi32, #tpu.memory_space<vmem>>
    %dma_start3A_109 = tpu.memref_squeeze %dma_start3A_108 : memref<1x72xi32, #tpu.memory_space<vmem>> -> memref<72xi32, #tpu.memory_space<vmem>>
    %dma_start3A_110 = tpu.memref_slice %arg3[%add3A_101] : memref<160128xi32, #tpu.memory_space<hbm>> -> memref<72xi32, #tpu.memory_space<hbm>>
    tpu.enqueue_dma source(%dma_start3A_110 : memref<72xi32, #tpu.memory_space<hbm>>) target(%dma_start3A_109 : memref<72xi32, #tpu.memory_space<vmem>>) target_semaphore(%arg10 : memref<!tpu.dma_semaphore, #tpu.memory_space<semaphore_mem>>)
    %add3A_111 = arith.constant 288 : i32
    %add3A_112 = arith.addi %mul3A_4, %add3A_111 : i32
    %dma_start3A_113 = arith.constant 4 : i32
    %dma_start3A_114 = arith.constant 0 : i32
    %dma_start3A_115 = tpu.memref_slice %arg6[%dma_start3A_113, %dma_start3A_114] : memref<6x72xi32, #tpu.memory_space<vmem>> -> memref<1x72xi32, #tpu.memory_space<vmem>>
    %dma_start3A_116 = tpu.memref_squeeze %dma_start3A_115 : memref<1x72xi32, #tpu.memory_space<vmem>> -> memref<72xi32, #tpu.memory_space<vmem>>
    %dma_start3A_117 = tpu.memref_slice %arg4[%add3A_112] : memref<160128xi32, #tpu.memory_space<hbm>> -> memref<72xi32, #tpu.memory_space<hbm>>
    %dma_start3A_118 = arith.constant 0 : i32
    %dma_start3A_119 = tpu.memref_slice %arg6[%dma_start3A_113, %dma_start3A_118] : memref<6x72xi32, #tpu.memory_space<vmem>> -> memref<1x72xi32, #tpu.memory_space<vmem>>
    %dma_start3A_120 = tpu.memref_squeeze %dma_start3A_119 : memref<1x72xi32, #tpu.memory_space<vmem>> -> memref<72xi32, #tpu.memory_space<vmem>>
    %dma_start3A_121 = tpu.memref_slice %arg4[%add3A_112] : memref<160128xi32, #tpu.memory_space<hbm>> -> memref<72xi32, #tpu.memory_space<hbm>>
    tpu.enqueue_dma source(%dma_start3A_121 : memref<72xi32, #tpu.memory_space<hbm>>) target(%dma_start3A_120 : memref<72xi32, #tpu.memory_space<vmem>>) target_semaphore(%arg10 : memref<!tpu.dma_semaphore, #tpu.memory_space<semaphore_mem>>)
    %dma_wait3A = arith.constant 0 : i32
    %dma_wait3A_122 = arith.constant 0 : i32
    %dma_wait3A_123 = tpu.memref_slice %arg7[%dma_wait3A, %dma_wait3A_122] : memref<6x72xi32, #tpu.memory_space<vmem>> -> memref<1x72xi32, #tpu.memory_space<vmem>>
    %dma_wait3A_124 = tpu.memref_squeeze %dma_wait3A_123 : memref<1x72xi32, #tpu.memory_space<vmem>> -> memref<72xi32, #tpu.memory_space<vmem>>
    %dma_wait3A_125 = tpu.memref_slice %arg3[%mul3A_2] : memref<160128xi32, #tpu.memory_space<hbm>> -> memref<72xi32, #tpu.memory_space<hbm>>
    %dma_wait3A_126 = arith.constant 0 : i32
    %dma_wait3A_127 = tpu.memref_slice %arg7[%dma_wait3A, %dma_wait3A_126] : memref<6x72xi32, #tpu.memory_space<vmem>> -> memref<1x72xi32, #tpu.memory_space<vmem>>
    %dma_wait3A_128 = tpu.memref_squeeze %dma_wait3A_127 : memref<1x72xi32, #tpu.memory_space<vmem>> -> memref<72xi32, #tpu.memory_space<vmem>>
    %dma_wait3A_129 = tpu.memref_slice %arg3[%mul3A_2] : memref<160128xi32, #tpu.memory_space<hbm>> -> memref<72xi32, #tpu.memory_space<hbm>>
    tpu.wait_dma2 semaphore(%arg10 : memref<!tpu.dma_semaphore, #tpu.memory_space<semaphore_mem>>) src(%dma_wait3A_129 : memref<72xi32, #tpu.memory_space<hbm>>) dst(%dma_wait3A_128 : memref<72xi32, #tpu.memory_space<vmem>>)
    %dma_wait3A_130 = arith.constant 0 : i32
    %dma_wait3A_131 = arith.constant 0 : i32
    %dma_wait3A_132 = tpu.memref_slice %arg6[%dma_wait3A_130, %dma_wait3A_131] : memref<6x72xi32, #tpu.memory_space<vmem>> -> memref<1x72xi32, #tpu.memory_space<vmem>>
    %dma_wait3A_133 = tpu.memref_squeeze %dma_wait3A_132 : memref<1x72xi32, #tpu.memory_space<vmem>> -> memref<72xi32, #tpu.memory_space<vmem>>
    %dma_wait3A_134 = tpu.memref_slice %arg4[%mul3A_4] : memref<160128xi32, #tpu.memory_space<hbm>> -> memref<72xi32, #tpu.memory_space<hbm>>
    %dma_wait3A_135 = arith.constant 0 : i32
    %dma_wait3A_136 = tpu.memref_slice %arg6[%dma_wait3A_130, %dma_wait3A_135] : memref<6x72xi32, #tpu.memory_space<vmem>> -> memref<1x72xi32, #tpu.memory_space<vmem>>
    %dma_wait3A_137 = tpu.memref_squeeze %dma_wait3A_136 : memref<1x72xi32, #tpu.memory_space<vmem>> -> memref<72xi32, #tpu.memory_space<vmem>>
    %dma_wait3A_138 = tpu.memref_slice %arg4[%mul3A_4] : memref<160128xi32, #tpu.memory_space<hbm>> -> memref<72xi32, #tpu.memory_space<hbm>>
    tpu.wait_dma2 semaphore(%arg10 : memref<!tpu.dma_semaphore, #tpu.memory_space<semaphore_mem>>) src(%dma_wait3A_138 : memref<72xi32, #tpu.memory_space<hbm>>) dst(%dma_wait3A_137 : memref<72xi32, #tpu.memory_space<vmem>>)
    %dma_start3A_139 = arith.constant 0 : i32
    %dma_start3A_140 = arith.constant 0 : i32
    %dma_start3A_141 = arith.constant 0 : i32
    %dma_start3A_142 = arith.constant 0 : i32
    %dma_start3A_143 = tpu.memref_slice %arg8[%dma_start3A_140, %dma_start3A_141, %dma_start3A_142] : memref<5x72x128xf32, #tpu.memory_space<vmem>> -> memref<1x72x128xf32, #tpu.memory_space<vmem>>
    %dma_start3A_144 = tpu.memref_squeeze %dma_start3A_143 : memref<1x72x128xf32, #tpu.memory_space<vmem>> -> memref<72x128xf32, #tpu.memory_space<vmem>>
    %dma_start3A_145 = arith.constant 0 : i32
    %dma_start3A_146 = tpu.memref_slice %arg7[%dma_start3A_139, %dma_start3A_145] : memref<6x72xi32, #tpu.memory_space<vmem>> -> memref<1x72xi32, #tpu.memory_space<vmem>>
    %dma_start3A_147 = tpu.memref_squeeze %dma_start3A_146 : memref<1x72xi32, #tpu.memory_space<vmem>> -> memref<72xi32, #tpu.memory_space<vmem>>
    %dma_start3A_148 = arith.constant 0 : i32
    %dma_start3A_149 = tpu.memref_slice %arg2[%mul3A_6, %dma_start3A_148] : memref<20480x128xf32, #tpu.memory_space<hbm>> -> memref<10240x128xf32, #tpu.memory_space<hbm>>
    %dma_start3A_150 = arith.constant 0 : i32
    %dma_start3A_151 = arith.constant 0 : i32
    %dma_start3A_152 = tpu.memref_slice %dma_start3A_149[%dma_start3A_150, %dma_start3A_151] : memref<10240x128xf32, #tpu.memory_space<hbm>> -> memref<10240x128xf32, #tpu.memory_space<hbm>>
    tpu.enqueue_indirect_dma source(%dma_start3A_152 : memref<10240x128xf32, #tpu.memory_space<hbm>>) target(%dma_start3A_144 : memref<72x128xf32, #tpu.memory_space<vmem>>) offsets(%dma_start3A_147 : memref<72xi32, #tpu.memory_space<vmem>>) semaphore(%arg11 : memref<!tpu.dma_semaphore, #tpu.memory_space<semaphore_mem>>)
    %dma_wait3A_153 = arith.constant 1 : i32
    %dma_wait3A_154 = arith.constant 0 : i32
    %dma_wait3A_155 = tpu.memref_slice %arg7[%dma_wait3A_153, %dma_wait3A_154] : memref<6x72xi32, #tpu.memory_space<vmem>> -> memref<1x72xi32, #tpu.memory_space<vmem>>
    %dma_wait3A_156 = tpu.memref_squeeze %dma_wait3A_155 : memref<1x72xi32, #tpu.memory_space<vmem>> -> memref<72xi32, #tpu.memory_space<vmem>>
    %dma_wait3A_157 = tpu.memref_slice %arg3[%mul3A_2] : memref<160128xi32, #tpu.memory_space<hbm>> -> memref<72xi32, #tpu.memory_space<hbm>>
    %dma_wait3A_158 = arith.constant 0 : i32
    %dma_wait3A_159 = tpu.memref_slice %arg7[%dma_wait3A_153, %dma_wait3A_158] : memref<6x72xi32, #tpu.memory_space<vmem>> -> memref<1x72xi32, #tpu.memory_space<vmem>>
    %dma_wait3A_160 = tpu.memref_squeeze %dma_wait3A_159 : memref<1x72xi32, #tpu.memory_space<vmem>> -> memref<72xi32, #tpu.memory_space<vmem>>
    %dma_wait3A_161 = tpu.memref_slice %arg3[%mul3A_2] : memref<160128xi32, #tpu.memory_space<hbm>> -> memref<72xi32, #tpu.memory_space<hbm>>
    tpu.wait_dma2 semaphore(%arg10 : memref<!tpu.dma_semaphore, #tpu.memory_space<semaphore_mem>>) src(%dma_wait3A_161 : memref<72xi32, #tpu.memory_space<hbm>>) dst(%dma_wait3A_160 : memref<72xi32, #tpu.memory_space<vmem>>)
    %dma_wait3A_162 = arith.constant 1 : i32
    %dma_wait3A_163 = arith.constant 0 : i32
    %dma_wait3A_164 = tpu.memref_slice %arg6[%dma_wait3A_162, %dma_wait3A_163] : memref<6x72xi32, #tpu.memory_space<vmem>> -> memref<1x72xi32, #tpu.memory_space<vmem>>
    %dma_wait3A_165 = tpu.memref_squeeze %dma_wait3A_164 : memref<1x72xi32, #tpu.memory_space<vmem>> -> memref<72xi32, #tpu.memory_space<vmem>>
    %dma_wait3A_166 = tpu.memref_slice %arg4[%mul3A_4] : memref<160128xi32, #tpu.memory_space<hbm>> -> memref<72xi32, #tpu.memory_space<hbm>>
    %dma_wait3A_167 = arith.constant 0 : i32
    %dma_wait3A_168 = tpu.memref_slice %arg6[%dma_wait3A_162, %dma_wait3A_167] : memref<6x72xi32, #tpu.memory_space<vmem>> -> memref<1x72xi32, #tpu.memory_space<vmem>>
    %dma_wait3A_169 = tpu.memref_squeeze %dma_wait3A_168 : memref<1x72xi32, #tpu.memory_space<vmem>> -> memref<72xi32, #tpu.memory_space<vmem>>
    %dma_wait3A_170 = tpu.memref_slice %arg4[%mul3A_4] : memref<160128xi32, #tpu.memory_space<hbm>> -> memref<72xi32, #tpu.memory_space<hbm>>
    tpu.wait_dma2 semaphore(%arg10 : memref<!tpu.dma_semaphore, #tpu.memory_space<semaphore_mem>>) src(%dma_wait3A_170 : memref<72xi32, #tpu.memory_space<hbm>>) dst(%dma_wait3A_169 : memref<72xi32, #tpu.memory_space<vmem>>)
    %dma_start3A_171 = arith.constant 1 : i32
    %dma_start3A_172 = arith.constant 1 : i32
    %dma_start3A_173 = arith.constant 0 : i32
    %dma_start3A_174 = arith.constant 0 : i32
    %dma_start3A_175 = tpu.memref_slice %arg8[%dma_start3A_172, %dma_start3A_173, %dma_start3A_174] : memref<5x72x128xf32, #tpu.memory_space<vmem>> -> memref<1x72x128xf32, #tpu.memory_space<vmem>>
    %dma_start3A_176 = tpu.memref_squeeze %dma_start3A_175 : memref<1x72x128xf32, #tpu.memory_space<vmem>> -> memref<72x128xf32, #tpu.memory_space<vmem>>
    %dma_start3A_177 = arith.constant 0 : i32
    %dma_start3A_178 = tpu.memref_slice %arg7[%dma_start3A_171, %dma_start3A_177] : memref<6x72xi32, #tpu.memory_space<vmem>> -> memref<1x72xi32, #tpu.memory_space<vmem>>
    %dma_start3A_179 = tpu.memref_squeeze %dma_start3A_178 : memref<1x72xi32, #tpu.memory_space<vmem>> -> memref<72xi32, #tpu.memory_space<vmem>>
    %dma_start3A_180 = arith.constant 0 : i32
    %dma_start3A_181 = tpu.memref_slice %arg2[%mul3A_6, %dma_start3A_180] : memref<20480x128xf32, #tpu.memory_space<hbm>> -> memref<10240x128xf32, #tpu.memory_space<hbm>>
    %dma_start3A_182 = arith.constant 0 : i32
    %dma_start3A_183 = arith.constant 0 : i32
    %dma_start3A_184 = tpu.memref_slice %dma_start3A_181[%dma_start3A_182, %dma_start3A_183] : memref<10240x128xf32, #tpu.memory_space<hbm>> -> memref<10240x128xf32, #tpu.memory_space<hbm>>
    tpu.enqueue_indirect_dma source(%dma_start3A_184 : memref<10240x128xf32, #tpu.memory_space<hbm>>) target(%dma_start3A_176 : memref<72x128xf32, #tpu.memory_space<vmem>>) offsets(%dma_start3A_179 : memref<72xi32, #tpu.memory_space<vmem>>) semaphore(%arg11 : memref<!tpu.dma_semaphore, #tpu.memory_space<semaphore_mem>>)
    %dma_wait3A_185 = arith.constant 2 : i32
    %dma_wait3A_186 = arith.constant 0 : i32
    %dma_wait3A_187 = tpu.memref_slice %arg7[%dma_wait3A_185, %dma_wait3A_186] : memref<6x72xi32, #tpu.memory_space<vmem>> -> memref<1x72xi32, #tpu.memory_space<vmem>>
    %dma_wait3A_188 = tpu.memref_squeeze %dma_wait3A_187 : memref<1x72xi32, #tpu.memory_space<vmem>> -> memref<72xi32, #tpu.memory_space<vmem>>
    %dma_wait3A_189 = tpu.memref_slice %arg3[%mul3A_2] : memref<160128xi32, #tpu.memory_space<hbm>> -> memref<72xi32, #tpu.memory_space<hbm>>
    %dma_wait3A_190 = arith.constant 0 : i32
    %dma_wait3A_191 = tpu.memref_slice %arg7[%dma_wait3A_185, %dma_wait3A_190] : memref<6x72xi32, #tpu.memory_space<vmem>> -> memref<1x72xi32, #tpu.memory_space<vmem>>
    %dma_wait3A_192 = tpu.memref_squeeze %dma_wait3A_191 : memref<1x72xi32, #tpu.memory_space<vmem>> -> memref<72xi32, #tpu.memory_space<vmem>>
    %dma_wait3A_193 = tpu.memref_slice %arg3[%mul3A_2] : memref<160128xi32, #tpu.memory_space<hbm>> -> memref<72xi32, #tpu.memory_space<hbm>>
    tpu.wait_dma2 semaphore(%arg10 : memref<!tpu.dma_semaphore, #tpu.memory_space<semaphore_mem>>) src(%dma_wait3A_193 : memref<72xi32, #tpu.memory_space<hbm>>) dst(%dma_wait3A_192 : memref<72xi32, #tpu.memory_space<vmem>>)
    %dma_wait3A_194 = arith.constant 2 : i32
    %dma_wait3A_195 = arith.constant 0 : i32
    %dma_wait3A_196 = tpu.memref_slice %arg6[%dma_wait3A_194, %dma_wait3A_195] : memref<6x72xi32, #tpu.memory_space<vmem>> -> memref<1x72xi32, #tpu.memory_space<vmem>>
    %dma_wait3A_197 = tpu.memref_squeeze %dma_wait3A_196 : memref<1x72xi32, #tpu.memory_space<vmem>> -> memref<72xi32, #tpu.memory_space<vmem>>
    %dma_wait3A_198 = tpu.memref_slice %arg4[%mul3A_4] : memref<160128xi32, #tpu.memory_space<hbm>> -> memref<72xi32, #tpu.memory_space<hbm>>
    %dma_wait3A_199 = arith.constant 0 : i32
    %dma_wait3A_200 = tpu.memref_slice %arg6[%dma_wait3A_194, %dma_wait3A_199] : memref<6x72xi32, #tpu.memory_space<vmem>> -> memref<1x72xi32, #tpu.memory_space<vmem>>
    %dma_wait3A_201 = tpu.memref_squeeze %dma_wait3A_200 : memref<1x72xi32, #tpu.memory_space<vmem>> -> memref<72xi32, #tpu.memory_space<vmem>>
    %dma_wait3A_202 = tpu.memref_slice %arg4[%mul3A_4] : memref<160128xi32, #tpu.memory_space<hbm>> -> memref<72xi32, #tpu.memory_space<hbm>>
    tpu.wait_dma2 semaphore(%arg10 : memref<!tpu.dma_semaphore, #tpu.memory_space<semaphore_mem>>) src(%dma_wait3A_202 : memref<72xi32, #tpu.memory_space<hbm>>) dst(%dma_wait3A_201 : memref<72xi32, #tpu.memory_space<vmem>>)
    %dma_start3A_203 = arith.constant 2 : i32
    %dma_start3A_204 = arith.constant 2 : i32
    %dma_start3A_205 = arith.constant 0 : i32
    %dma_start3A_206 = arith.constant 0 : i32
    %dma_start3A_207 = tpu.memref_slice %arg8[%dma_start3A_204, %dma_start3A_205, %dma_start3A_206] : memref<5x72x128xf32, #tpu.memory_space<vmem>> -> memref<1x72x128xf32, #tpu.memory_space<vmem>>
    %dma_start3A_208 = tpu.memref_squeeze %dma_start3A_207 : memref<1x72x128xf32, #tpu.memory_space<vmem>> -> memref<72x128xf32, #tpu.memory_space<vmem>>
    %dma_start3A_209 = arith.constant 0 : i32
    %dma_start3A_210 = tpu.memref_slice %arg7[%dma_start3A_203, %dma_start3A_209] : memref<6x72xi32, #tpu.memory_space<vmem>> -> memref<1x72xi32, #tpu.memory_space<vmem>>
    %dma_start3A_211 = tpu.memref_squeeze %dma_start3A_210 : memref<1x72xi32, #tpu.memory_space<vmem>> -> memref<72xi32, #tpu.memory_space<vmem>>
    %dma_start3A_212 = arith.constant 0 : i32
    %dma_start3A_213 = tpu.memref_slice %arg2[%mul3A_6, %dma_start3A_212] : memref<20480x128xf32, #tpu.memory_space<hbm>> -> memref<10240x128xf32, #tpu.memory_space<hbm>>
    %dma_start3A_214 = arith.constant 0 : i32
    %dma_start3A_215 = arith.constant 0 : i32
    %dma_start3A_216 = tpu.memref_slice %dma_start3A_213[%dma_start3A_214, %dma_start3A_215] : memref<10240x128xf32, #tpu.memory_space<hbm>> -> memref<10240x128xf32, #tpu.memory_space<hbm>>
    tpu.enqueue_indirect_dma source(%dma_start3A_216 : memref<10240x128xf32, #tpu.memory_space<hbm>>) target(%dma_start3A_208 : memref<72x128xf32, #tpu.memory_space<vmem>>) offsets(%dma_start3A_211 : memref<72xi32, #tpu.memory_space<vmem>>) semaphore(%arg11 : memref<!tpu.dma_semaphore, #tpu.memory_space<semaphore_mem>>)
    %dma_wait3A_217 = arith.constant 3 : i32
    %dma_wait3A_218 = arith.constant 0 : i32
    %dma_wait3A_219 = tpu.memref_slice %arg7[%dma_wait3A_217, %dma_wait3A_218] : memref<6x72xi32, #tpu.memory_space<vmem>> -> memref<1x72xi32, #tpu.memory_space<vmem>>
    %dma_wait3A_220 = tpu.memref_squeeze %dma_wait3A_219 : memref<1x72xi32, #tpu.memory_space<vmem>> -> memref<72xi32, #tpu.memory_space<vmem>>
    %dma_wait3A_221 = tpu.memref_slice %arg3[%mul3A_2] : memref<160128xi32, #tpu.memory_space<hbm>> -> memref<72xi32, #tpu.memory_space<hbm>>
    %dma_wait3A_222 = arith.constant 0 : i32
    %dma_wait3A_223 = tpu.memref_slice %arg7[%dma_wait3A_217, %dma_wait3A_222] : memref<6x72xi32, #tpu.memory_space<vmem>> -> memref<1x72xi32, #tpu.memory_space<vmem>>
    %dma_wait3A_224 = tpu.memref_squeeze %dma_wait3A_223 : memref<1x72xi32, #tpu.memory_space<vmem>> -> memref<72xi32, #tpu.memory_space<vmem>>
    %dma_wait3A_225 = tpu.memref_slice %arg3[%mul3A_2] : memref<160128xi32, #tpu.memory_space<hbm>> -> memref<72xi32, #tpu.memory_space<hbm>>
    tpu.wait_dma2 semaphore(%arg10 : memref<!tpu.dma_semaphore, #tpu.memory_space<semaphore_mem>>) src(%dma_wait3A_225 : memref<72xi32, #tpu.memory_space<hbm>>) dst(%dma_wait3A_224 : memref<72xi32, #tpu.memory_space<vmem>>)
    %dma_wait3A_226 = arith.constant 3 : i32
    %dma_wait3A_227 = arith.constant 0 : i32
    %dma_wait3A_228 = tpu.memref_slice %arg6[%dma_wait3A_226, %dma_wait3A_227] : memref<6x72xi32, #tpu.memory_space<vmem>> -> memref<1x72xi32, #tpu.memory_space<vmem>>
    %dma_wait3A_229 = tpu.memref_squeeze %dma_wait3A_228 : memref<1x72xi32, #tpu.memory_space<vmem>> -> memref<72xi32, #tpu.memory_space<vmem>>
    %dma_wait3A_230 = tpu.memref_slice %arg4[%mul3A_4] : memref<160128xi32, #tpu.memory_space<hbm>> -> memref<72xi32, #tpu.memory_space<hbm>>
    %dma_wait3A_231 = arith.constant 0 : i32
    %dma_wait3A_232 = tpu.memref_slice %arg6[%dma_wait3A_226, %dma_wait3A_231] : memref<6x72xi32, #tpu.memory_space<vmem>> -> memref<1x72xi32, #tpu.memory_space<vmem>>
    %dma_wait3A_233 = tpu.memref_squeeze %dma_wait3A_232 : memref<1x72xi32, #tpu.memory_space<vmem>> -> memref<72xi32, #tpu.memory_space<vmem>>
    %dma_wait3A_234 = tpu.memref_slice %arg4[%mul3A_4] : memref<160128xi32, #tpu.memory_space<hbm>> -> memref<72xi32, #tpu.memory_space<hbm>>
    tpu.wait_dma2 semaphore(%arg10 : memref<!tpu.dma_semaphore, #tpu.memory_space<semaphore_mem>>) src(%dma_wait3A_234 : memref<72xi32, #tpu.memory_space<hbm>>) dst(%dma_wait3A_233 : memref<72xi32, #tpu.memory_space<vmem>>)
    %dma_start3A_235 = arith.constant 3 : i32
    %dma_start3A_236 = arith.constant 3 : i32
    %dma_start3A_237 = arith.constant 0 : i32
    %dma_start3A_238 = arith.constant 0 : i32
    %dma_start3A_239 = tpu.memref_slice %arg8[%dma_start3A_236, %dma_start3A_237, %dma_start3A_238] : memref<5x72x128xf32, #tpu.memory_space<vmem>> -> memref<1x72x128xf32, #tpu.memory_space<vmem>>
    %dma_start3A_240 = tpu.memref_squeeze %dma_start3A_239 : memref<1x72x128xf32, #tpu.memory_space<vmem>> -> memref<72x128xf32, #tpu.memory_space<vmem>>
    %dma_start3A_241 = arith.constant 0 : i32
    %dma_start3A_242 = tpu.memref_slice %arg7[%dma_start3A_235, %dma_start3A_241] : memref<6x72xi32, #tpu.memory_space<vmem>> -> memref<1x72xi32, #tpu.memory_space<vmem>>
    %dma_start3A_243 = tpu.memref_squeeze %dma_start3A_242 : memref<1x72xi32, #tpu.memory_space<vmem>> -> memref<72xi32, #tpu.memory_space<vmem>>
    %dma_start3A_244 = arith.constant 0 : i32
    %dma_start3A_245 = tpu.memref_slice %arg2[%mul3A_6, %dma_start3A_244] : memref<20480x128xf32, #tpu.memory_space<hbm>> -> memref<10240x128xf32, #tpu.memory_space<hbm>>
    %dma_start3A_246 = arith.constant 0 : i32
    %dma_start3A_247 = arith.constant 0 : i32
    %dma_start3A_248 = tpu.memref_slice %dma_start3A_245[%dma_start3A_246, %dma_start3A_247] : memref<10240x128xf32, #tpu.memory_space<hbm>> -> memref<10240x128xf32, #tpu.memory_space<hbm>>
    tpu.enqueue_indirect_dma source(%dma_start3A_248 : memref<10240x128xf32, #tpu.memory_space<hbm>>) target(%dma_start3A_240 : memref<72x128xf32, #tpu.memory_space<vmem>>) offsets(%dma_start3A_243 : memref<72xi32, #tpu.memory_space<vmem>>) semaphore(%arg11 : memref<!tpu.dma_semaphore, #tpu.memory_space<semaphore_mem>>)
    %dma_wait3A_249 = arith.constant 0 : i32
    %dma_wait3A_250 = tpu.memref_slice %arg9[%mul3A_0, %dma_wait3A_249] : memref<10112x128xf32, #tpu.memory_space<vmem_shared>> -> memref<632x128xf32, #tpu.memory_space<vmem_shared>>
    %dma_wait3A_251 = arith.constant 0 : i32
    %dma_wait3A_252 = tpu.memref_slice %arg2[%add3A, %dma_wait3A_251] : memref<20480x128xf32, #tpu.memory_space<hbm>> -> memref<632x128xf32, #tpu.memory_space<hbm>>
    tpu.wait_dma2 semaphore(%arg13 : memref<!tpu.dma_semaphore, #tpu.memory_space<semaphore_mem>>) src(%dma_wait3A_252 : memref<632x128xf32, #tpu.memory_space<hbm>>) dst(%dma_wait3A_250 : memref<632x128xf32, #tpu.memory_space<vmem_shared>>)
    %barrier3A = arith.constant 0 : index
    tpu.barrier barrier_id(%barrier3A)
    %scan3A = arith.constant 0 : i32
    %scan3A_253 = arith.constant 0 : i32
    %scan3A_254 = arith.constant 139 : i32
    %scan3A_255 = arith.addi %scan3A_253, %scan3A_254 : i32
    %scan3A_256 = arith.constant 1 : i32
    scf.for %scan3A_275 = %scan3A_253 to %scan3A_255 step %scan3A_256  : i32 {
      %rem3A_276 = arith.constant 5 : i32
      %rem3A_277 = arith.remsi %scan3A_275, %rem3A_276 : i32
      %dma_wait3A_278 = arith.constant 0 : i32
      %dma_wait3A_279 = arith.constant 0 : i32
      %dma_wait3A_280 = tpu.memref_slice %arg8[%rem3A_277, %dma_wait3A_278, %dma_wait3A_279] : memref<5x72x128xf32, #tpu.memory_space<vmem>> -> memref<1x72x128xf32, #tpu.memory_space<vmem>>
      %dma_wait3A_281 = tpu.memref_squeeze %dma_wait3A_280 : memref<1x72x128xf32, #tpu.memory_space<vmem>> -> memref<72x128xf32, #tpu.memory_space<vmem>>
      %dma_wait3A_282 = arith.constant 0 : i32
      %dma_wait3A_283 = arith.constant 0 : i32
      %dma_wait3A_284 = tpu.memref_slice %arg2[%dma_wait3A_282, %dma_wait3A_283] : memref<20480x128xf32, #tpu.memory_space<hbm>> -> memref<72x128xf32, #tpu.memory_space<hbm>>
      %dma_wait3A_285 = arith.constant 0 : i32
      %dma_wait3A_286 = arith.constant 0 : i32
      %dma_wait3A_287 = tpu.memref_slice %arg8[%rem3A_277, %dma_wait3A_285, %dma_wait3A_286] : memref<5x72x128xf32, #tpu.memory_space<vmem>> -> memref<1x72x128xf32, #tpu.memory_space<vmem>>
      %dma_wait3A_288 = tpu.memref_squeeze %dma_wait3A_287 : memref<1x72x128xf32, #tpu.memory_space<vmem>> -> memref<72x128xf32, #tpu.memory_space<vmem>>
      %dma_wait3A_289 = arith.constant 0 : i32
      %dma_wait3A_290 = arith.constant 0 : i32
      %dma_wait3A_291 = tpu.memref_slice %arg2[%dma_wait3A_289, %dma_wait3A_290] : memref<20480x128xf32, #tpu.memory_space<hbm>> -> memref<72x128xf32, #tpu.memory_space<hbm>>
      tpu.wait_dma2 semaphore(%arg11 : memref<!tpu.dma_semaphore, #tpu.memory_space<semaphore_mem>>) src(%dma_wait3A_291 : memref<72x128xf32, #tpu.memory_space<hbm>>) dst(%dma_wait3A_288 : memref<72x128xf32, #tpu.memory_space<vmem>>)
      %rem3A_292 = arith.constant 6 : i32
      %rem3A_293 = arith.remsi %scan3A_275, %rem3A_292 : i32
      %dma_start3A_294 = arith.constant 0 : i32
      %dma_start3A_295 = arith.constant 0 : i32
      %dma_start3A_296 = tpu.memref_slice %arg8[%rem3A_277, %dma_start3A_294, %dma_start3A_295] : memref<5x72x128xf32, #tpu.memory_space<vmem>> -> memref<1x72x128xf32, #tpu.memory_space<vmem>>
      %dma_start3A_297 = tpu.memref_squeeze %dma_start3A_296 : memref<1x72x128xf32, #tpu.memory_space<vmem>> -> memref<72x128xf32, #tpu.memory_space<vmem>>
      %dma_start3A_298 = arith.constant 0 : i32
      %dma_start3A_299 = tpu.memref_slice %arg6[%rem3A_293, %dma_start3A_298] : memref<6x72xi32, #tpu.memory_space<vmem>> -> memref<1x72xi32, #tpu.memory_space<vmem>>
      %dma_start3A_300 = tpu.memref_squeeze %dma_start3A_299 : memref<1x72xi32, #tpu.memory_space<vmem>> -> memref<72xi32, #tpu.memory_space<vmem>>
      %dma_start3A_301 = arith.constant 0 : i32
      %dma_start3A_302 = arith.constant 0 : i32
      %dma_start3A_303 = tpu.memref_slice %arg9[%dma_start3A_301, %dma_start3A_302] : memref<10112x128xf32, #tpu.memory_space<vmem_shared>> -> memref<10112x128xf32, #tpu.memory_space<vmem_shared>>
      tpu.enqueue_indirect_dma source(%dma_start3A_297 : memref<72x128xf32, #tpu.memory_space<vmem>>) target(%dma_start3A_303 : memref<10112x128xf32, #tpu.memory_space<vmem_shared>>) offsets(%dma_start3A_300 : memref<72xi32, #tpu.memory_space<vmem>>) semaphore(%arg12 : memref<!tpu.dma_semaphore, #tpu.memory_space<semaphore_mem>>) {add = true}
      %ge3A = arith.constant 1 : i32
      %ge3A_304 = arith.cmpi sge, %scan3A_275, %ge3A : i32
      %convert_element_type3A = arith.extui %ge3A_304 : i1 to i32
      %cond3A = arith.constant 0 : i32
      %cond3A_305 = arith.cmpi ne, %convert_element_type3A, %cond3A : i32
      scf.if %cond3A_305 {
        %rem3A_319 = arith.constant 6 : i32
        %rem3A_320 = arith.remsi %scan3A_275, %rem3A_319 : i32
        %dma_wait3A_321 = arith.constant 0 : i32
        %dma_wait3A_322 = arith.constant 0 : i32
        %dma_wait3A_323 = tpu.memref_slice %arg8[%rem3A_277, %dma_wait3A_321, %dma_wait3A_322] : memref<5x72x128xf32, #tpu.memory_space<vmem>> -> memref<1x72x128xf32, #tpu.memory_space<vmem>>
        %dma_wait3A_324 = tpu.memref_squeeze %dma_wait3A_323 : memref<1x72x128xf32, #tpu.memory_space<vmem>> -> memref<72x128xf32, #tpu.memory_space<vmem>>
        %dma_wait3A_325 = arith.constant 0 : i32
        %dma_wait3A_326 = tpu.memref_slice %arg6[%rem3A_320, %dma_wait3A_325] : memref<6x72xi32, #tpu.memory_space<vmem>> -> memref<1x72xi32, #tpu.memory_space<vmem>>
        %dma_wait3A_327 = tpu.memref_squeeze %dma_wait3A_326 : memref<1x72xi32, #tpu.memory_space<vmem>> -> memref<72xi32, #tpu.memory_space<vmem>>
        %dma_wait3A_328 = arith.constant 0 : i32
        %dma_wait3A_329 = arith.constant 0 : i32
        %dma_wait3A_330 = tpu.memref_slice %arg9[%dma_wait3A_328, %dma_wait3A_329] : memref<10112x128xf32, #tpu.memory_space<vmem_shared>> -> memref<10112x128xf32, #tpu.memory_space<vmem_shared>>
        tpu.wait_indirect_dma semaphore(%arg12 : memref<!tpu.dma_semaphore, #tpu.memory_space<semaphore_mem>>) src(%dma_wait3A_324 : memref<72x128xf32, #tpu.memory_space<vmem>>) dst(%dma_wait3A_330 : memref<10112x128xf32, #tpu.memory_space<vmem_shared>>)
      } else {
      }
      %add3A_306 = arith.constant 4 : i32
      %add3A_307 = arith.addi %scan3A_275, %add3A_306 : i32
      %lt3A = arith.constant 139 : i32
      %lt3A_308 = arith.cmpi slt, %add3A_307, %lt3A : i32
      %convert_element_type3A_309 = arith.extui %lt3A_308 : i1 to i32
      %cond3A_310 = arith.constant 0 : i32
      %cond3A_311 = arith.cmpi ne, %convert_element_type3A_309, %cond3A_310 : i32
      scf.if %cond3A_311 {
        %dma_wait3A_319 = arith.constant 0 : i32
        %dma_wait3A_320 = arith.constant 0 : i32
        %dma_wait3A_321 = tpu.memref_slice %arg7[%dma_wait3A_319, %dma_wait3A_320] : memref<6x72xi32, #tpu.memory_space<vmem>> -> memref<1x72xi32, #tpu.memory_space<vmem>>
        %dma_wait3A_322 = tpu.memref_squeeze %dma_wait3A_321 : memref<1x72xi32, #tpu.memory_space<vmem>> -> memref<72xi32, #tpu.memory_space<vmem>>
        %dma_wait3A_323 = tpu.memref_slice %arg3[%mul3A_2] : memref<160128xi32, #tpu.memory_space<hbm>> -> memref<72xi32, #tpu.memory_space<hbm>>
        %dma_wait3A_324 = arith.constant 0 : i32
        %dma_wait3A_325 = tpu.memref_slice %arg7[%dma_wait3A_319, %dma_wait3A_324] : memref<6x72xi32, #tpu.memory_space<vmem>> -> memref<1x72xi32, #tpu.memory_space<vmem>>
        %dma_wait3A_326 = tpu.memref_squeeze %dma_wait3A_325 : memref<1x72xi32, #tpu.memory_space<vmem>> -> memref<72xi32, #tpu.memory_space<vmem>>
        %dma_wait3A_327 = tpu.memref_slice %arg3[%mul3A_2] : memref<160128xi32, #tpu.memory_space<hbm>> -> memref<72xi32, #tpu.memory_space<hbm>>
        tpu.wait_dma2 semaphore(%arg10 : memref<!tpu.dma_semaphore, #tpu.memory_space<semaphore_mem>>) src(%dma_wait3A_327 : memref<72xi32, #tpu.memory_space<hbm>>) dst(%dma_wait3A_326 : memref<72xi32, #tpu.memory_space<vmem>>)
        %dma_wait3A_328 = arith.constant 0 : i32
        %dma_wait3A_329 = arith.constant 0 : i32
        %dma_wait3A_330 = tpu.memref_slice %arg6[%dma_wait3A_328, %dma_wait3A_329] : memref<6x72xi32, #tpu.memory_space<vmem>> -> memref<1x72xi32, #tpu.memory_space<vmem>>
        %dma_wait3A_331 = tpu.memref_squeeze %dma_wait3A_330 : memref<1x72xi32, #tpu.memory_space<vmem>> -> memref<72xi32, #tpu.memory_space<vmem>>
        %dma_wait3A_332 = tpu.memref_slice %arg4[%mul3A_4] : memref<160128xi32, #tpu.memory_space<hbm>> -> memref<72xi32, #tpu.memory_space<hbm>>
        %dma_wait3A_333 = arith.constant 0 : i32
        %dma_wait3A_334 = tpu.memref_slice %arg6[%dma_wait3A_328, %dma_wait3A_333] : memref<6x72xi32, #tpu.memory_space<vmem>> -> memref<1x72xi32, #tpu.memory_space<vmem>>
        %dma_wait3A_335 = tpu.memref_squeeze %dma_wait3A_334 : memref<1x72xi32, #tpu.memory_space<vmem>> -> memref<72xi32, #tpu.memory_space<vmem>>
        %dma_wait3A_336 = tpu.memref_slice %arg4[%mul3A_4] : memref<160128xi32, #tpu.memory_space<hbm>> -> memref<72xi32, #tpu.memory_space<hbm>>
        tpu.wait_dma2 semaphore(%arg10 : memref<!tpu.dma_semaphore, #tpu.memory_space<semaphore_mem>>) src(%dma_wait3A_336 : memref<72xi32, #tpu.memory_space<hbm>>) dst(%dma_wait3A_335 : memref<72xi32, #tpu.memory_space<vmem>>)
        %add3A_337 = arith.constant 4 : i32
        %add3A_338 = arith.addi %scan3A_275, %add3A_337 : i32
        %rem3A_339 = arith.constant 6 : i32
        %rem3A_340 = arith.remsi %add3A_338, %rem3A_339 : i32
        %add3A_341 = arith.constant 4 : i32
        %add3A_342 = arith.addi %scan3A_275, %add3A_341 : i32
        %rem3A_343 = arith.constant 5 : i32
        %rem3A_344 = arith.remsi %add3A_342, %rem3A_343 : i32
        %dma_start3A_345 = arith.constant 0 : i32
        %dma_start3A_346 = arith.constant 0 : i32
        %dma_start3A_347 = tpu.memref_slice %arg8[%rem3A_344, %dma_start3A_345, %dma_start3A_346] : memref<5x72x128xf32, #tpu.memory_space<vmem>> -> memref<1x72x128xf32, #tpu.memory_space<vmem>>
        %dma_start3A_348 = tpu.memref_squeeze %dma_start3A_347 : memref<1x72x128xf32, #tpu.memory_space<vmem>> -> memref<72x128xf32, #tpu.memory_space<vmem>>
        %dma_start3A_349 = arith.constant 0 : i32
        %dma_start3A_350 = tpu.memref_slice %arg7[%rem3A_340, %dma_start3A_349] : memref<6x72xi32, #tpu.memory_space<vmem>> -> memref<1x72xi32, #tpu.memory_space<vmem>>
        %dma_start3A_351 = tpu.memref_squeeze %dma_start3A_350 : memref<1x72xi32, #tpu.memory_space<vmem>> -> memref<72xi32, #tpu.memory_space<vmem>>
        %dma_start3A_352 = arith.constant 0 : i32
        %dma_start3A_353 = tpu.memref_slice %arg2[%mul3A_6, %dma_start3A_352] : memref<20480x128xf32, #tpu.memory_space<hbm>> -> memref<10240x128xf32, #tpu.memory_space<hbm>>
        %dma_start3A_354 = arith.constant 0 : i32
        %dma_start3A_355 = arith.constant 0 : i32
        %dma_start3A_356 = tpu.memref_slice %dma_start3A_353[%dma_start3A_354, %dma_start3A_355] : memref<10240x128xf32, #tpu.memory_space<hbm>> -> memref<10240x128xf32, #tpu.memory_space<hbm>>
        tpu.enqueue_indirect_dma source(%dma_start3A_356 : memref<10240x128xf32, #tpu.memory_space<hbm>>) target(%dma_start3A_348 : memref<72x128xf32, #tpu.memory_space<vmem>>) offsets(%dma_start3A_351 : memref<72xi32, #tpu.memory_space<vmem>>) semaphore(%arg11 : memref<!tpu.dma_semaphore, #tpu.memory_space<semaphore_mem>>)
      } else {
      }
      %add3A_312 = arith.constant 5 : i32
      %add3A_313 = arith.addi %scan3A_275, %add3A_312 : i32
      %lt3A_314 = arith.constant 139 : i32
      %lt3A_315 = arith.cmpi slt, %add3A_313, %lt3A_314 : i32
      %convert_element_type3A_316 = arith.extui %lt3A_315 : i1 to i32
      %cond3A_317 = arith.constant 0 : i32
      %cond3A_318 = arith.cmpi ne, %convert_element_type3A_316, %cond3A_317 : i32
      scf.if %cond3A_318 {
        %add3A_319 = arith.constant 5 : i32
        %add3A_320 = arith.addi %scan3A_275, %add3A_319 : i32
        %mul3A_321 = arith.constant 72 : i32
        %mul3A_322 = arith.muli %add3A_320, %mul3A_321 : i32
        %add3A_323 = arith.addi %mul3A_2, %mul3A_322 : i32
        %add3A_324 = arith.constant 5 : i32
        %add3A_325 = arith.addi %scan3A_275, %add3A_324 : i32
        %rem3A_326 = arith.constant 6 : i32
        %rem3A_327 = arith.remsi %add3A_325, %rem3A_326 : i32
        %dma_start3A_328 = arith.constant 0 : i32
        %dma_start3A_329 = tpu.memref_slice %arg7[%rem3A_327, %dma_start3A_328] : memref<6x72xi32, #tpu.memory_space<vmem>> -> memref<1x72xi32, #tpu.memory_space<vmem>>
        %dma_start3A_330 = tpu.memref_squeeze %dma_start3A_329 : memref<1x72xi32, #tpu.memory_space<vmem>> -> memref<72xi32, #tpu.memory_space<vmem>>
        %dma_start3A_331 = tpu.memref_slice %arg3[%add3A_323] : memref<160128xi32, #tpu.memory_space<hbm>> -> memref<72xi32, #tpu.memory_space<hbm>>
        %dma_start3A_332 = arith.constant 0 : i32
        %dma_start3A_333 = tpu.memref_slice %arg7[%rem3A_327, %dma_start3A_332] : memref<6x72xi32, #tpu.memory_space<vmem>> -> memref<1x72xi32, #tpu.memory_space<vmem>>
        %dma_start3A_334 = tpu.memref_squeeze %dma_start3A_333 : memref<1x72xi32, #tpu.memory_space<vmem>> -> memref<72xi32, #tpu.memory_space<vmem>>
        %dma_start3A_335 = tpu.memref_slice %arg3[%add3A_323] : memref<160128xi32, #tpu.memory_space<hbm>> -> memref<72xi32, #tpu.memory_space<hbm>>
        tpu.enqueue_dma source(%dma_start3A_335 : memref<72xi32, #tpu.memory_space<hbm>>) target(%dma_start3A_334 : memref<72xi32, #tpu.memory_space<vmem>>) target_semaphore(%arg10 : memref<!tpu.dma_semaphore, #tpu.memory_space<semaphore_mem>>)
        %add3A_336 = arith.constant 5 : i32
        %add3A_337 = arith.addi %scan3A_275, %add3A_336 : i32
        %mul3A_338 = arith.constant 72 : i32
        %mul3A_339 = arith.muli %add3A_337, %mul3A_338 : i32
        %add3A_340 = arith.addi %mul3A_4, %mul3A_339 : i32
        %add3A_341 = arith.constant 5 : i32
        %add3A_342 = arith.addi %scan3A_275, %add3A_341 : i32
        %rem3A_343 = arith.constant 6 : i32
        %rem3A_344 = arith.remsi %add3A_342, %rem3A_343 : i32
        %dma_start3A_345 = arith.constant 0 : i32
        %dma_start3A_346 = tpu.memref_slice %arg6[%rem3A_344, %dma_start3A_345] : memref<6x72xi32, #tpu.memory_space<vmem>> -> memref<1x72xi32, #tpu.memory_space<vmem>>
        %dma_start3A_347 = tpu.memref_squeeze %dma_start3A_346 : memref<1x72xi32, #tpu.memory_space<vmem>> -> memref<72xi32, #tpu.memory_space<vmem>>
        %dma_start3A_348 = tpu.memref_slice %arg4[%add3A_340] : memref<160128xi32, #tpu.memory_space<hbm>> -> memref<72xi32, #tpu.memory_space<hbm>>
        %dma_start3A_349 = arith.constant 0 : i32
        %dma_start3A_350 = tpu.memref_slice %arg6[%rem3A_344, %dma_start3A_349] : memref<6x72xi32, #tpu.memory_space<vmem>> -> memref<1x72xi32, #tpu.memory_space<vmem>>
        %dma_start3A_351 = tpu.memref_squeeze %dma_start3A_350 : memref<1x72xi32, #tpu.memory_space<vmem>> -> memref<72xi32, #tpu.memory_space<vmem>>
        %dma_start3A_352 = tpu.memref_slice %arg4[%add3A_340] : memref<160128xi32, #tpu.memory_space<hbm>> -> memref<72xi32, #tpu.memory_space<hbm>>
        tpu.enqueue_dma source(%dma_start3A_352 : memref<72xi32, #tpu.memory_space<hbm>>) target(%dma_start3A_351 : memref<72xi32, #tpu.memory_space<vmem>>) target_semaphore(%arg10 : memref<!tpu.dma_semaphore, #tpu.memory_space<semaphore_mem>>)
      } else {
      }
    }
    %scan3A_257 = arith.constant 139 : i32
    %rem3A = arith.constant 138 : i32
    %rem3A_258 = arith.constant 5 : i32
    %rem3A_259 = arith.remsi %rem3A, %rem3A_258 : i32
    %dma_wait3A_260 = arith.constant 0 : i32
    %dma_wait3A_261 = arith.constant 0 : i32
    %dma_wait3A_262 = arith.constant 0 : i32
    %dma_wait3A_263 = tpu.memref_slice %arg8[%rem3A_259, %dma_wait3A_261, %dma_wait3A_262] : memref<5x72x128xf32, #tpu.memory_space<vmem>> -> memref<1x72x128xf32, #tpu.memory_space<vmem>>
    %dma_wait3A_264 = tpu.memref_squeeze %dma_wait3A_263 : memref<1x72x128xf32, #tpu.memory_space<vmem>> -> memref<72x128xf32, #tpu.memory_space<vmem>>
    %dma_wait3A_265 = arith.constant 0 : i32
    %dma_wait3A_266 = tpu.memref_slice %arg6[%dma_wait3A_260, %dma_wait3A_265] : memref<6x72xi32, #tpu.memory_space<vmem>> -> memref<1x72xi32, #tpu.memory_space<vmem>>
    %dma_wait3A_267 = tpu.memref_squeeze %dma_wait3A_266 : memref<1x72xi32, #tpu.memory_space<vmem>> -> memref<72xi32, #tpu.memory_space<vmem>>
    %dma_wait3A_268 = arith.constant 0 : i32
    %dma_wait3A_269 = arith.constant 0 : i32
    %dma_wait3A_270 = tpu.memref_slice %arg9[%dma_wait3A_268, %dma_wait3A_269] : memref<10112x128xf32, #tpu.memory_space<vmem_shared>> -> memref<10112x128xf32, #tpu.memory_space<vmem_shared>>
    tpu.wait_indirect_dma semaphore(%arg12 : memref<!tpu.dma_semaphore, #tpu.memory_space<semaphore_mem>>) src(%dma_wait3A_264 : memref<72x128xf32, #tpu.memory_space<vmem>>) dst(%dma_wait3A_270 : memref<10112x128xf32, #tpu.memory_space<vmem_shared>>)
    %barrier3A_271 = arith.constant 0 : index
    tpu.barrier barrier_id(%barrier3A_271)
    %mul3A_272 = arith.constant 10240 : i32
    %mul3A_273 = arith.muli %arg0, %mul3A_272 : i32
    %add3A_274 = arith.addi %mul3A_273, %mul3A_0 : i32
    "tpu.region"() ({
      %run_scoped3A = tpu.sem_alloc : memref<!tpu.dma_semaphore, #tpu.memory_space<semaphore_mem>>
      %dma_start3A_275 = arith.constant 0 : i32
      %dma_start3A_276 = tpu.memref_slice %arg5[%add3A_274, %dma_start3A_275] : memref<20480x128xf32, #tpu.memory_space<hbm>> -> memref<632x128xf32, #tpu.memory_space<hbm>>
      %dma_start3A_277 = arith.constant 0 : i32
      %dma_start3A_278 = tpu.memref_slice %arg9[%mul3A_0, %dma_start3A_277] : memref<10112x128xf32, #tpu.memory_space<vmem_shared>> -> memref<632x128xf32, #tpu.memory_space<vmem_shared>>
      tpu.enqueue_dma source(%dma_start3A_278 : memref<632x128xf32, #tpu.memory_space<vmem_shared>>) target(%dma_start3A_276 : memref<632x128xf32, #tpu.memory_space<hbm>>) target_semaphore(%run_scoped3A : memref<!tpu.dma_semaphore, #tpu.memory_space<semaphore_mem>>)
      %dma_wait3A_279 = arith.constant 0 : i32
      %dma_wait3A_280 = tpu.memref_slice %arg5[%add3A_274, %dma_wait3A_279] : memref<20480x128xf32, #tpu.memory_space<hbm>> -> memref<632x128xf32, #tpu.memory_space<hbm>>
      %dma_wait3A_281 = arith.constant 0 : i32
      %dma_wait3A_282 = tpu.memref_slice %arg9[%mul3A_0, %dma_wait3A_281] : memref<10112x128xf32, #tpu.memory_space<vmem_shared>> -> memref<632x128xf32, #tpu.memory_space<vmem_shared>>
      tpu.wait_dma2 semaphore(%run_scoped3A : memref<!tpu.dma_semaphore, #tpu.memory_space<semaphore_mem>>) src(%dma_wait3A_282 : memref<632x128xf32, #tpu.memory_space<vmem_shared>>) dst(%dma_wait3A_280 : memref<632x128xf32, #tpu.memory_space<hbm>>)
      tpu.yield
    }) : () -> ()
    return
  }
}

#map = affine_map<(d0, d1) -> (0, 0)>
#map1 = affine_map<(d0, d1) -> (0)>
module attributes {stable_mosaic.version = 14 : i64} {
  func.func @_agg_kernel(%arg0: i32, %arg1: i32, %arg2: memref<20480x128xf32, #tpu.memory_space<hbm>>, %arg3: memref<160128xi32, #tpu.memory_space<hbm>>, %arg4: memref<160128xi32, #tpu.memory_space<hbm>>, %arg5: memref<20480x128xf32, #tpu.memory_space<hbm>>, %arg6: memref<6x72xi32, #tpu.memory_space<vmem>>, %arg7: memref<6x72xi32, #tpu.memory_space<vmem>>, %arg8: memref<5x72x128xf32, #tpu.memory_space<vmem>>, %arg9: memref<10112x128xf32, #tpu.memory_space<vmem_shared>>, %arg10: memref<!tpu.dma_semaphore, #tpu.memory_space<semaphore_mem>>, %arg11: memref<!tpu.dma_semaphore, #tpu.memory_space<semaphore_mem>>, %arg12: memref<!tpu.dma_semaphore, #tpu.memory_space<semaphore_mem>>, %arg13: memref<!tpu.dma_semaphore, #tpu.memory_space<semaphore_mem>>) attributes {dimension_semantics = [#tpu.dimension_semantics<core_parallel>, #tpu.dimension_semantics<subcore_parallel>], iteration_bounds = array<i64: 2, 16>, scalar_prefetch = 0 : i64, scratch_operands = 8 : i64, tpu.core_type = #tpu.core_type<sc_vector_subcore>, window_params = [{transform_indices = #map}, {transform_indices = #map1}, {transform_indices = #map1}, {transform_indices = #map}]} {
    %mul3A = arith.constant 632 : i32
    %mul3A_0 = arith.muli %arg1, %mul3A : i32
    %mul3A_1 = arith.constant 10008 : i32
    %mul3A_2 = arith.muli %arg1, %mul3A_1 : i32
    %mul3A_3 = arith.constant 10008 : i32
    %mul3A_4 = arith.muli %arg1, %mul3A_3 : i32
    %mul3A_5 = arith.constant 10240 : i32
    %mul3A_6 = arith.muli %arg0, %mul3A_5 : i32
    %mul3A_7 = arith.constant 10240 : i32
    %mul3A_8 = arith.muli %arg0, %mul3A_7 : i32
    %add3A = arith.addi %mul3A_8, %mul3A_0 : i32
    %dma_start3A = arith.constant 0 : i32
    %dma_start3A_9 = tpu.memref_slice %arg9[%mul3A_0, %dma_start3A] : memref<10112x128xf32, #tpu.memory_space<vmem_shared>> -> memref<632x128xf32, #tpu.memory_space<vmem_shared>>
    %dma_start3A_10 = arith.constant 0 : i32
    %dma_start3A_11 = tpu.memref_slice %arg2[%add3A, %dma_start3A_10] : memref<20480x128xf32, #tpu.memory_space<hbm>> -> memref<632x128xf32, #tpu.memory_space<hbm>>
    tpu.enqueue_dma source(%dma_start3A_11 : memref<632x128xf32, #tpu.memory_space<hbm>>) target(%dma_start3A_9 : memref<632x128xf32, #tpu.memory_space<vmem_shared>>) target_semaphore(%arg13 : memref<!tpu.dma_semaphore, #tpu.memory_space<semaphore_mem>>)
    %add3A_12 = arith.constant 0 : i32
    %add3A_13 = arith.addi %mul3A_2, %add3A_12 : i32
    %dma_start3A_14 = arith.constant 0 : i32
    %dma_start3A_15 = arith.constant 0 : i32
    %dma_start3A_16 = tpu.memref_slice %arg7[%dma_start3A_14, %dma_start3A_15] : memref<6x72xi32, #tpu.memory_space<vmem>> -> memref<1x72xi32, #tpu.memory_space<vmem>>
    %dma_start3A_17 = tpu.memref_squeeze %dma_start3A_16 : memref<1x72xi32, #tpu.memory_space<vmem>> -> memref<72xi32, #tpu.memory_space<vmem>>
    %dma_start3A_18 = tpu.memref_slice %arg3[%add3A_13] : memref<160128xi32, #tpu.memory_space<hbm>> -> memref<72xi32, #tpu.memory_space<hbm>>
    %dma_start3A_19 = arith.constant 0 : i32
    %dma_start3A_20 = tpu.memref_slice %arg7[%dma_start3A_14, %dma_start3A_19] : memref<6x72xi32, #tpu.memory_space<vmem>> -> memref<1x72xi32, #tpu.memory_space<vmem>>
    %dma_start3A_21 = tpu.memref_squeeze %dma_start3A_20 : memref<1x72xi32, #tpu.memory_space<vmem>> -> memref<72xi32, #tpu.memory_space<vmem>>
    %dma_start3A_22 = tpu.memref_slice %arg3[%add3A_13] : memref<160128xi32, #tpu.memory_space<hbm>> -> memref<72xi32, #tpu.memory_space<hbm>>
    tpu.enqueue_dma source(%dma_start3A_22 : memref<72xi32, #tpu.memory_space<hbm>>) target(%dma_start3A_21 : memref<72xi32, #tpu.memory_space<vmem>>) target_semaphore(%arg10 : memref<!tpu.dma_semaphore, #tpu.memory_space<semaphore_mem>>)
    %add3A_23 = arith.constant 0 : i32
    %add3A_24 = arith.addi %mul3A_4, %add3A_23 : i32
    %dma_start3A_25 = arith.constant 0 : i32
    %dma_start3A_26 = arith.constant 0 : i32
    %dma_start3A_27 = tpu.memref_slice %arg6[%dma_start3A_25, %dma_start3A_26] : memref<6x72xi32, #tpu.memory_space<vmem>> -> memref<1x72xi32, #tpu.memory_space<vmem>>
    %dma_start3A_28 = tpu.memref_squeeze %dma_start3A_27 : memref<1x72xi32, #tpu.memory_space<vmem>> -> memref<72xi32, #tpu.memory_space<vmem>>
    %dma_start3A_29 = tpu.memref_slice %arg4[%add3A_24] : memref<160128xi32, #tpu.memory_space<hbm>> -> memref<72xi32, #tpu.memory_space<hbm>>
    %dma_start3A_30 = arith.constant 0 : i32
    %dma_start3A_31 = tpu.memref_slice %arg6[%dma_start3A_25, %dma_start3A_30] : memref<6x72xi32, #tpu.memory_space<vmem>> -> memref<1x72xi32, #tpu.memory_space<vmem>>
    %dma_start3A_32 = tpu.memref_squeeze %dma_start3A_31 : memref<1x72xi32, #tpu.memory_space<vmem>> -> memref<72xi32, #tpu.memory_space<vmem>>
    %dma_start3A_33 = tpu.memref_slice %arg4[%add3A_24] : memref<160128xi32, #tpu.memory_space<hbm>> -> memref<72xi32, #tpu.memory_space<hbm>>
    tpu.enqueue_dma source(%dma_start3A_33 : memref<72xi32, #tpu.memory_space<hbm>>) target(%dma_start3A_32 : memref<72xi32, #tpu.memory_space<vmem>>) target_semaphore(%arg10 : memref<!tpu.dma_semaphore, #tpu.memory_space<semaphore_mem>>)
    %add3A_34 = arith.constant 72 : i32
    %add3A_35 = arith.addi %mul3A_2, %add3A_34 : i32
    %dma_start3A_36 = arith.constant 1 : i32
    %dma_start3A_37 = arith.constant 0 : i32
    %dma_start3A_38 = tpu.memref_slice %arg7[%dma_start3A_36, %dma_start3A_37] : memref<6x72xi32, #tpu.memory_space<vmem>> -> memref<1x72xi32, #tpu.memory_space<vmem>>
    %dma_start3A_39 = tpu.memref_squeeze %dma_start3A_38 : memref<1x72xi32, #tpu.memory_space<vmem>> -> memref<72xi32, #tpu.memory_space<vmem>>
    %dma_start3A_40 = tpu.memref_slice %arg3[%add3A_35] : memref<160128xi32, #tpu.memory_space<hbm>> -> memref<72xi32, #tpu.memory_space<hbm>>
    %dma_start3A_41 = arith.constant 0 : i32
    %dma_start3A_42 = tpu.memref_slice %arg7[%dma_start3A_36, %dma_start3A_41] : memref<6x72xi32, #tpu.memory_space<vmem>> -> memref<1x72xi32, #tpu.memory_space<vmem>>
    %dma_start3A_43 = tpu.memref_squeeze %dma_start3A_42 : memref<1x72xi32, #tpu.memory_space<vmem>> -> memref<72xi32, #tpu.memory_space<vmem>>
    %dma_start3A_44 = tpu.memref_slice %arg3[%add3A_35] : memref<160128xi32, #tpu.memory_space<hbm>> -> memref<72xi32, #tpu.memory_space<hbm>>
    tpu.enqueue_dma source(%dma_start3A_44 : memref<72xi32, #tpu.memory_space<hbm>>) target(%dma_start3A_43 : memref<72xi32, #tpu.memory_space<vmem>>) target_semaphore(%arg10 : memref<!tpu.dma_semaphore, #tpu.memory_space<semaphore_mem>>)
    %add3A_45 = arith.constant 72 : i32
    %add3A_46 = arith.addi %mul3A_4, %add3A_45 : i32
    %dma_start3A_47 = arith.constant 1 : i32
    %dma_start3A_48 = arith.constant 0 : i32
    %dma_start3A_49 = tpu.memref_slice %arg6[%dma_start3A_47, %dma_start3A_48] : memref<6x72xi32, #tpu.memory_space<vmem>> -> memref<1x72xi32, #tpu.memory_space<vmem>>
    %dma_start3A_50 = tpu.memref_squeeze %dma_start3A_49 : memref<1x72xi32, #tpu.memory_space<vmem>> -> memref<72xi32, #tpu.memory_space<vmem>>
    %dma_start3A_51 = tpu.memref_slice %arg4[%add3A_46] : memref<160128xi32, #tpu.memory_space<hbm>> -> memref<72xi32, #tpu.memory_space<hbm>>
    %dma_start3A_52 = arith.constant 0 : i32
    %dma_start3A_53 = tpu.memref_slice %arg6[%dma_start3A_47, %dma_start3A_52] : memref<6x72xi32, #tpu.memory_space<vmem>> -> memref<1x72xi32, #tpu.memory_space<vmem>>
    %dma_start3A_54 = tpu.memref_squeeze %dma_start3A_53 : memref<1x72xi32, #tpu.memory_space<vmem>> -> memref<72xi32, #tpu.memory_space<vmem>>
    %dma_start3A_55 = tpu.memref_slice %arg4[%add3A_46] : memref<160128xi32, #tpu.memory_space<hbm>> -> memref<72xi32, #tpu.memory_space<hbm>>
    tpu.enqueue_dma source(%dma_start3A_55 : memref<72xi32, #tpu.memory_space<hbm>>) target(%dma_start3A_54 : memref<72xi32, #tpu.memory_space<vmem>>) target_semaphore(%arg10 : memref<!tpu.dma_semaphore, #tpu.memory_space<semaphore_mem>>)
    %add3A_56 = arith.constant 144 : i32
    %add3A_57 = arith.addi %mul3A_2, %add3A_56 : i32
    %dma_start3A_58 = arith.constant 2 : i32
    %dma_start3A_59 = arith.constant 0 : i32
    %dma_start3A_60 = tpu.memref_slice %arg7[%dma_start3A_58, %dma_start3A_59] : memref<6x72xi32, #tpu.memory_space<vmem>> -> memref<1x72xi32, #tpu.memory_space<vmem>>
    %dma_start3A_61 = tpu.memref_squeeze %dma_start3A_60 : memref<1x72xi32, #tpu.memory_space<vmem>> -> memref<72xi32, #tpu.memory_space<vmem>>
    %dma_start3A_62 = tpu.memref_slice %arg3[%add3A_57] : memref<160128xi32, #tpu.memory_space<hbm>> -> memref<72xi32, #tpu.memory_space<hbm>>
    %dma_start3A_63 = arith.constant 0 : i32
    %dma_start3A_64 = tpu.memref_slice %arg7[%dma_start3A_58, %dma_start3A_63] : memref<6x72xi32, #tpu.memory_space<vmem>> -> memref<1x72xi32, #tpu.memory_space<vmem>>
    %dma_start3A_65 = tpu.memref_squeeze %dma_start3A_64 : memref<1x72xi32, #tpu.memory_space<vmem>> -> memref<72xi32, #tpu.memory_space<vmem>>
    %dma_start3A_66 = tpu.memref_slice %arg3[%add3A_57] : memref<160128xi32, #tpu.memory_space<hbm>> -> memref<72xi32, #tpu.memory_space<hbm>>
    tpu.enqueue_dma source(%dma_start3A_66 : memref<72xi32, #tpu.memory_space<hbm>>) target(%dma_start3A_65 : memref<72xi32, #tpu.memory_space<vmem>>) target_semaphore(%arg10 : memref<!tpu.dma_semaphore, #tpu.memory_space<semaphore_mem>>)
    %add3A_67 = arith.constant 144 : i32
    %add3A_68 = arith.addi %mul3A_4, %add3A_67 : i32
    %dma_start3A_69 = arith.constant 2 : i32
    %dma_start3A_70 = arith.constant 0 : i32
    %dma_start3A_71 = tpu.memref_slice %arg6[%dma_start3A_69, %dma_start3A_70] : memref<6x72xi32, #tpu.memory_space<vmem>> -> memref<1x72xi32, #tpu.memory_space<vmem>>
    %dma_start3A_72 = tpu.memref_squeeze %dma_start3A_71 : memref<1x72xi32, #tpu.memory_space<vmem>> -> memref<72xi32, #tpu.memory_space<vmem>>
    %dma_start3A_73 = tpu.memref_slice %arg4[%add3A_68] : memref<160128xi32, #tpu.memory_space<hbm>> -> memref<72xi32, #tpu.memory_space<hbm>>
    %dma_start3A_74 = arith.constant 0 : i32
    %dma_start3A_75 = tpu.memref_slice %arg6[%dma_start3A_69, %dma_start3A_74] : memref<6x72xi32, #tpu.memory_space<vmem>> -> memref<1x72xi32, #tpu.memory_space<vmem>>
    %dma_start3A_76 = tpu.memref_squeeze %dma_start3A_75 : memref<1x72xi32, #tpu.memory_space<vmem>> -> memref<72xi32, #tpu.memory_space<vmem>>
    %dma_start3A_77 = tpu.memref_slice %arg4[%add3A_68] : memref<160128xi32, #tpu.memory_space<hbm>> -> memref<72xi32, #tpu.memory_space<hbm>>
    tpu.enqueue_dma source(%dma_start3A_77 : memref<72xi32, #tpu.memory_space<hbm>>) target(%dma_start3A_76 : memref<72xi32, #tpu.memory_space<vmem>>) target_semaphore(%arg10 : memref<!tpu.dma_semaphore, #tpu.memory_space<semaphore_mem>>)
    %add3A_78 = arith.constant 216 : i32
    %add3A_79 = arith.addi %mul3A_2, %add3A_78 : i32
    %dma_start3A_80 = arith.constant 3 : i32
    %dma_start3A_81 = arith.constant 0 : i32
    %dma_start3A_82 = tpu.memref_slice %arg7[%dma_start3A_80, %dma_start3A_81] : memref<6x72xi32, #tpu.memory_space<vmem>> -> memref<1x72xi32, #tpu.memory_space<vmem>>
    %dma_start3A_83 = tpu.memref_squeeze %dma_start3A_82 : memref<1x72xi32, #tpu.memory_space<vmem>> -> memref<72xi32, #tpu.memory_space<vmem>>
    %dma_start3A_84 = tpu.memref_slice %arg3[%add3A_79] : memref<160128xi32, #tpu.memory_space<hbm>> -> memref<72xi32, #tpu.memory_space<hbm>>
    %dma_start3A_85 = arith.constant 0 : i32
    %dma_start3A_86 = tpu.memref_slice %arg7[%dma_start3A_80, %dma_start3A_85] : memref<6x72xi32, #tpu.memory_space<vmem>> -> memref<1x72xi32, #tpu.memory_space<vmem>>
    %dma_start3A_87 = tpu.memref_squeeze %dma_start3A_86 : memref<1x72xi32, #tpu.memory_space<vmem>> -> memref<72xi32, #tpu.memory_space<vmem>>
    %dma_start3A_88 = tpu.memref_slice %arg3[%add3A_79] : memref<160128xi32, #tpu.memory_space<hbm>> -> memref<72xi32, #tpu.memory_space<hbm>>
    tpu.enqueue_dma source(%dma_start3A_88 : memref<72xi32, #tpu.memory_space<hbm>>) target(%dma_start3A_87 : memref<72xi32, #tpu.memory_space<vmem>>) target_semaphore(%arg10 : memref<!tpu.dma_semaphore, #tpu.memory_space<semaphore_mem>>)
    %add3A_89 = arith.constant 216 : i32
    %add3A_90 = arith.addi %mul3A_4, %add3A_89 : i32
    %dma_start3A_91 = arith.constant 3 : i32
    %dma_start3A_92 = arith.constant 0 : i32
    %dma_start3A_93 = tpu.memref_slice %arg6[%dma_start3A_91, %dma_start3A_92] : memref<6x72xi32, #tpu.memory_space<vmem>> -> memref<1x72xi32, #tpu.memory_space<vmem>>
    %dma_start3A_94 = tpu.memref_squeeze %dma_start3A_93 : memref<1x72xi32, #tpu.memory_space<vmem>> -> memref<72xi32, #tpu.memory_space<vmem>>
    %dma_start3A_95 = tpu.memref_slice %arg4[%add3A_90] : memref<160128xi32, #tpu.memory_space<hbm>> -> memref<72xi32, #tpu.memory_space<hbm>>
    %dma_start3A_96 = arith.constant 0 : i32
    %dma_start3A_97 = tpu.memref_slice %arg6[%dma_start3A_91, %dma_start3A_96] : memref<6x72xi32, #tpu.memory_space<vmem>> -> memref<1x72xi32, #tpu.memory_space<vmem>>
    %dma_start3A_98 = tpu.memref_squeeze %dma_start3A_97 : memref<1x72xi32, #tpu.memory_space<vmem>> -> memref<72xi32, #tpu.memory_space<vmem>>
    %dma_start3A_99 = tpu.memref_slice %arg4[%add3A_90] : memref<160128xi32, #tpu.memory_space<hbm>> -> memref<72xi32, #tpu.memory_space<hbm>>
    tpu.enqueue_dma source(%dma_start3A_99 : memref<72xi32, #tpu.memory_space<hbm>>) target(%dma_start3A_98 : memref<72xi32, #tpu.memory_space<vmem>>) target_semaphore(%arg10 : memref<!tpu.dma_semaphore, #tpu.memory_space<semaphore_mem>>)
    %add3A_100 = arith.constant 288 : i32
    %add3A_101 = arith.addi %mul3A_2, %add3A_100 : i32
    %dma_start3A_102 = arith.constant 4 : i32
    %dma_start3A_103 = arith.constant 0 : i32
    %dma_start3A_104 = tpu.memref_slice %arg7[%dma_start3A_102, %dma_start3A_103] : memref<6x72xi32, #tpu.memory_space<vmem>> -> memref<1x72xi32, #tpu.memory_space<vmem>>
    %dma_start3A_105 = tpu.memref_squeeze %dma_start3A_104 : memref<1x72xi32, #tpu.memory_space<vmem>> -> memref<72xi32, #tpu.memory_space<vmem>>
    %dma_start3A_106 = tpu.memref_slice %arg3[%add3A_101] : memref<160128xi32, #tpu.memory_space<hbm>> -> memref<72xi32, #tpu.memory_space<hbm>>
    %dma_start3A_107 = arith.constant 0 : i32
    %dma_start3A_108 = tpu.memref_slice %arg7[%dma_start3A_102, %dma_start3A_107] : memref<6x72xi32, #tpu.memory_space<vmem>> -> memref<1x72xi32, #tpu.memory_space<vmem>>
    %dma_start3A_109 = tpu.memref_squeeze %dma_start3A_108 : memref<1x72xi32, #tpu.memory_space<vmem>> -> memref<72xi32, #tpu.memory_space<vmem>>
    %dma_start3A_110 = tpu.memref_slice %arg3[%add3A_101] : memref<160128xi32, #tpu.memory_space<hbm>> -> memref<72xi32, #tpu.memory_space<hbm>>
    tpu.enqueue_dma source(%dma_start3A_110 : memref<72xi32, #tpu.memory_space<hbm>>) target(%dma_start3A_109 : memref<72xi32, #tpu.memory_space<vmem>>) target_semaphore(%arg10 : memref<!tpu.dma_semaphore, #tpu.memory_space<semaphore_mem>>)
    %add3A_111 = arith.constant 288 : i32
    %add3A_112 = arith.addi %mul3A_4, %add3A_111 : i32
    %dma_start3A_113 = arith.constant 4 : i32
    %dma_start3A_114 = arith.constant 0 : i32
    %dma_start3A_115 = tpu.memref_slice %arg6[%dma_start3A_113, %dma_start3A_114] : memref<6x72xi32, #tpu.memory_space<vmem>> -> memref<1x72xi32, #tpu.memory_space<vmem>>
    %dma_start3A_116 = tpu.memref_squeeze %dma_start3A_115 : memref<1x72xi32, #tpu.memory_space<vmem>> -> memref<72xi32, #tpu.memory_space<vmem>>
    %dma_start3A_117 = tpu.memref_slice %arg4[%add3A_112] : memref<160128xi32, #tpu.memory_space<hbm>> -> memref<72xi32, #tpu.memory_space<hbm>>
    %dma_start3A_118 = arith.constant 0 : i32
    %dma_start3A_119 = tpu.memref_slice %arg6[%dma_start3A_113, %dma_start3A_118] : memref<6x72xi32, #tpu.memory_space<vmem>> -> memref<1x72xi32, #tpu.memory_space<vmem>>
    %dma_start3A_120 = tpu.memref_squeeze %dma_start3A_119 : memref<1x72xi32, #tpu.memory_space<vmem>> -> memref<72xi32, #tpu.memory_space<vmem>>
    %dma_start3A_121 = tpu.memref_slice %arg4[%add3A_112] : memref<160128xi32, #tpu.memory_space<hbm>> -> memref<72xi32, #tpu.memory_space<hbm>>
    tpu.enqueue_dma source(%dma_start3A_121 : memref<72xi32, #tpu.memory_space<hbm>>) target(%dma_start3A_120 : memref<72xi32, #tpu.memory_space<vmem>>) target_semaphore(%arg10 : memref<!tpu.dma_semaphore, #tpu.memory_space<semaphore_mem>>)
    %dma_wait3A = arith.constant 0 : i32
    %dma_wait3A_122 = arith.constant 0 : i32
    %dma_wait3A_123 = tpu.memref_slice %arg7[%dma_wait3A, %dma_wait3A_122] : memref<6x72xi32, #tpu.memory_space<vmem>> -> memref<1x72xi32, #tpu.memory_space<vmem>>
    %dma_wait3A_124 = tpu.memref_squeeze %dma_wait3A_123 : memref<1x72xi32, #tpu.memory_space<vmem>> -> memref<72xi32, #tpu.memory_space<vmem>>
    %dma_wait3A_125 = tpu.memref_slice %arg3[%mul3A_2] : memref<160128xi32, #tpu.memory_space<hbm>> -> memref<72xi32, #tpu.memory_space<hbm>>
    %dma_wait3A_126 = arith.constant 0 : i32
    %dma_wait3A_127 = tpu.memref_slice %arg7[%dma_wait3A, %dma_wait3A_126] : memref<6x72xi32, #tpu.memory_space<vmem>> -> memref<1x72xi32, #tpu.memory_space<vmem>>
    %dma_wait3A_128 = tpu.memref_squeeze %dma_wait3A_127 : memref<1x72xi32, #tpu.memory_space<vmem>> -> memref<72xi32, #tpu.memory_space<vmem>>
    %dma_wait3A_129 = tpu.memref_slice %arg3[%mul3A_2] : memref<160128xi32, #tpu.memory_space<hbm>> -> memref<72xi32, #tpu.memory_space<hbm>>
    tpu.wait_dma2 semaphore(%arg10 : memref<!tpu.dma_semaphore, #tpu.memory_space<semaphore_mem>>) src(%dma_wait3A_129 : memref<72xi32, #tpu.memory_space<hbm>>) dst(%dma_wait3A_128 : memref<72xi32, #tpu.memory_space<vmem>>)
    %dma_wait3A_130 = arith.constant 0 : i32
    %dma_wait3A_131 = arith.constant 0 : i32
    %dma_wait3A_132 = tpu.memref_slice %arg6[%dma_wait3A_130, %dma_wait3A_131] : memref<6x72xi32, #tpu.memory_space<vmem>> -> memref<1x72xi32, #tpu.memory_space<vmem>>
    %dma_wait3A_133 = tpu.memref_squeeze %dma_wait3A_132 : memref<1x72xi32, #tpu.memory_space<vmem>> -> memref<72xi32, #tpu.memory_space<vmem>>
    %dma_wait3A_134 = tpu.memref_slice %arg4[%mul3A_4] : memref<160128xi32, #tpu.memory_space<hbm>> -> memref<72xi32, #tpu.memory_space<hbm>>
    %dma_wait3A_135 = arith.constant 0 : i32
    %dma_wait3A_136 = tpu.memref_slice %arg6[%dma_wait3A_130, %dma_wait3A_135] : memref<6x72xi32, #tpu.memory_space<vmem>> -> memref<1x72xi32, #tpu.memory_space<vmem>>
    %dma_wait3A_137 = tpu.memref_squeeze %dma_wait3A_136 : memref<1x72xi32, #tpu.memory_space<vmem>> -> memref<72xi32, #tpu.memory_space<vmem>>
    %dma_wait3A_138 = tpu.memref_slice %arg4[%mul3A_4] : memref<160128xi32, #tpu.memory_space<hbm>> -> memref<72xi32, #tpu.memory_space<hbm>>
    tpu.wait_dma2 semaphore(%arg10 : memref<!tpu.dma_semaphore, #tpu.memory_space<semaphore_mem>>) src(%dma_wait3A_138 : memref<72xi32, #tpu.memory_space<hbm>>) dst(%dma_wait3A_137 : memref<72xi32, #tpu.memory_space<vmem>>)
    %dma_start3A_139 = arith.constant 0 : i32
    %dma_start3A_140 = arith.constant 0 : i32
    %dma_start3A_141 = arith.constant 0 : i32
    %dma_start3A_142 = arith.constant 0 : i32
    %dma_start3A_143 = tpu.memref_slice %arg8[%dma_start3A_140, %dma_start3A_141, %dma_start3A_142] : memref<5x72x128xf32, #tpu.memory_space<vmem>> -> memref<1x72x128xf32, #tpu.memory_space<vmem>>
    %dma_start3A_144 = tpu.memref_squeeze %dma_start3A_143 : memref<1x72x128xf32, #tpu.memory_space<vmem>> -> memref<72x128xf32, #tpu.memory_space<vmem>>
    %dma_start3A_145 = arith.constant 0 : i32
    %dma_start3A_146 = tpu.memref_slice %arg7[%dma_start3A_139, %dma_start3A_145] : memref<6x72xi32, #tpu.memory_space<vmem>> -> memref<1x72xi32, #tpu.memory_space<vmem>>
    %dma_start3A_147 = tpu.memref_squeeze %dma_start3A_146 : memref<1x72xi32, #tpu.memory_space<vmem>> -> memref<72xi32, #tpu.memory_space<vmem>>
    %dma_start3A_148 = arith.constant 0 : i32
    %dma_start3A_149 = tpu.memref_slice %arg2[%mul3A_6, %dma_start3A_148] : memref<20480x128xf32, #tpu.memory_space<hbm>> -> memref<10240x128xf32, #tpu.memory_space<hbm>>
    %dma_start3A_150 = arith.constant 0 : i32
    %dma_start3A_151 = arith.constant 0 : i32
    %dma_start3A_152 = tpu.memref_slice %dma_start3A_149[%dma_start3A_150, %dma_start3A_151] : memref<10240x128xf32, #tpu.memory_space<hbm>> -> memref<10240x128xf32, #tpu.memory_space<hbm>>
    tpu.enqueue_indirect_dma source(%dma_start3A_152 : memref<10240x128xf32, #tpu.memory_space<hbm>>) target(%dma_start3A_144 : memref<72x128xf32, #tpu.memory_space<vmem>>) offsets(%dma_start3A_147 : memref<72xi32, #tpu.memory_space<vmem>>) semaphore(%arg11 : memref<!tpu.dma_semaphore, #tpu.memory_space<semaphore_mem>>)
    %dma_wait3A_153 = arith.constant 1 : i32
    %dma_wait3A_154 = arith.constant 0 : i32
    %dma_wait3A_155 = tpu.memref_slice %arg7[%dma_wait3A_153, %dma_wait3A_154] : memref<6x72xi32, #tpu.memory_space<vmem>> -> memref<1x72xi32, #tpu.memory_space<vmem>>
    %dma_wait3A_156 = tpu.memref_squeeze %dma_wait3A_155 : memref<1x72xi32, #tpu.memory_space<vmem>> -> memref<72xi32, #tpu.memory_space<vmem>>
    %dma_wait3A_157 = tpu.memref_slice %arg3[%mul3A_2] : memref<160128xi32, #tpu.memory_space<hbm>> -> memref<72xi32, #tpu.memory_space<hbm>>
    %dma_wait3A_158 = arith.constant 0 : i32
    %dma_wait3A_159 = tpu.memref_slice %arg7[%dma_wait3A_153, %dma_wait3A_158] : memref<6x72xi32, #tpu.memory_space<vmem>> -> memref<1x72xi32, #tpu.memory_space<vmem>>
    %dma_wait3A_160 = tpu.memref_squeeze %dma_wait3A_159 : memref<1x72xi32, #tpu.memory_space<vmem>> -> memref<72xi32, #tpu.memory_space<vmem>>
    %dma_wait3A_161 = tpu.memref_slice %arg3[%mul3A_2] : memref<160128xi32, #tpu.memory_space<hbm>> -> memref<72xi32, #tpu.memory_space<hbm>>
    tpu.wait_dma2 semaphore(%arg10 : memref<!tpu.dma_semaphore, #tpu.memory_space<semaphore_mem>>) src(%dma_wait3A_161 : memref<72xi32, #tpu.memory_space<hbm>>) dst(%dma_wait3A_160 : memref<72xi32, #tpu.memory_space<vmem>>)
    %dma_wait3A_162 = arith.constant 1 : i32
    %dma_wait3A_163 = arith.constant 0 : i32
    %dma_wait3A_164 = tpu.memref_slice %arg6[%dma_wait3A_162, %dma_wait3A_163] : memref<6x72xi32, #tpu.memory_space<vmem>> -> memref<1x72xi32, #tpu.memory_space<vmem>>
    %dma_wait3A_165 = tpu.memref_squeeze %dma_wait3A_164 : memref<1x72xi32, #tpu.memory_space<vmem>> -> memref<72xi32, #tpu.memory_space<vmem>>
    %dma_wait3A_166 = tpu.memref_slice %arg4[%mul3A_4] : memref<160128xi32, #tpu.memory_space<hbm>> -> memref<72xi32, #tpu.memory_space<hbm>>
    %dma_wait3A_167 = arith.constant 0 : i32
    %dma_wait3A_168 = tpu.memref_slice %arg6[%dma_wait3A_162, %dma_wait3A_167] : memref<6x72xi32, #tpu.memory_space<vmem>> -> memref<1x72xi32, #tpu.memory_space<vmem>>
    %dma_wait3A_169 = tpu.memref_squeeze %dma_wait3A_168 : memref<1x72xi32, #tpu.memory_space<vmem>> -> memref<72xi32, #tpu.memory_space<vmem>>
    %dma_wait3A_170 = tpu.memref_slice %arg4[%mul3A_4] : memref<160128xi32, #tpu.memory_space<hbm>> -> memref<72xi32, #tpu.memory_space<hbm>>
    tpu.wait_dma2 semaphore(%arg10 : memref<!tpu.dma_semaphore, #tpu.memory_space<semaphore_mem>>) src(%dma_wait3A_170 : memref<72xi32, #tpu.memory_space<hbm>>) dst(%dma_wait3A_169 : memref<72xi32, #tpu.memory_space<vmem>>)
    %dma_start3A_171 = arith.constant 1 : i32
    %dma_start3A_172 = arith.constant 1 : i32
    %dma_start3A_173 = arith.constant 0 : i32
    %dma_start3A_174 = arith.constant 0 : i32
    %dma_start3A_175 = tpu.memref_slice %arg8[%dma_start3A_172, %dma_start3A_173, %dma_start3A_174] : memref<5x72x128xf32, #tpu.memory_space<vmem>> -> memref<1x72x128xf32, #tpu.memory_space<vmem>>
    %dma_start3A_176 = tpu.memref_squeeze %dma_start3A_175 : memref<1x72x128xf32, #tpu.memory_space<vmem>> -> memref<72x128xf32, #tpu.memory_space<vmem>>
    %dma_start3A_177 = arith.constant 0 : i32
    %dma_start3A_178 = tpu.memref_slice %arg7[%dma_start3A_171, %dma_start3A_177] : memref<6x72xi32, #tpu.memory_space<vmem>> -> memref<1x72xi32, #tpu.memory_space<vmem>>
    %dma_start3A_179 = tpu.memref_squeeze %dma_start3A_178 : memref<1x72xi32, #tpu.memory_space<vmem>> -> memref<72xi32, #tpu.memory_space<vmem>>
    %dma_start3A_180 = arith.constant 0 : i32
    %dma_start3A_181 = tpu.memref_slice %arg2[%mul3A_6, %dma_start3A_180] : memref<20480x128xf32, #tpu.memory_space<hbm>> -> memref<10240x128xf32, #tpu.memory_space<hbm>>
    %dma_start3A_182 = arith.constant 0 : i32
    %dma_start3A_183 = arith.constant 0 : i32
    %dma_start3A_184 = tpu.memref_slice %dma_start3A_181[%dma_start3A_182, %dma_start3A_183] : memref<10240x128xf32, #tpu.memory_space<hbm>> -> memref<10240x128xf32, #tpu.memory_space<hbm>>
    tpu.enqueue_indirect_dma source(%dma_start3A_184 : memref<10240x128xf32, #tpu.memory_space<hbm>>) target(%dma_start3A_176 : memref<72x128xf32, #tpu.memory_space<vmem>>) offsets(%dma_start3A_179 : memref<72xi32, #tpu.memory_space<vmem>>) semaphore(%arg11 : memref<!tpu.dma_semaphore, #tpu.memory_space<semaphore_mem>>)
    %dma_wait3A_185 = arith.constant 2 : i32
    %dma_wait3A_186 = arith.constant 0 : i32
    %dma_wait3A_187 = tpu.memref_slice %arg7[%dma_wait3A_185, %dma_wait3A_186] : memref<6x72xi32, #tpu.memory_space<vmem>> -> memref<1x72xi32, #tpu.memory_space<vmem>>
    %dma_wait3A_188 = tpu.memref_squeeze %dma_wait3A_187 : memref<1x72xi32, #tpu.memory_space<vmem>> -> memref<72xi32, #tpu.memory_space<vmem>>
    %dma_wait3A_189 = tpu.memref_slice %arg3[%mul3A_2] : memref<160128xi32, #tpu.memory_space<hbm>> -> memref<72xi32, #tpu.memory_space<hbm>>
    %dma_wait3A_190 = arith.constant 0 : i32
    %dma_wait3A_191 = tpu.memref_slice %arg7[%dma_wait3A_185, %dma_wait3A_190] : memref<6x72xi32, #tpu.memory_space<vmem>> -> memref<1x72xi32, #tpu.memory_space<vmem>>
    %dma_wait3A_192 = tpu.memref_squeeze %dma_wait3A_191 : memref<1x72xi32, #tpu.memory_space<vmem>> -> memref<72xi32, #tpu.memory_space<vmem>>
    %dma_wait3A_193 = tpu.memref_slice %arg3[%mul3A_2] : memref<160128xi32, #tpu.memory_space<hbm>> -> memref<72xi32, #tpu.memory_space<hbm>>
    tpu.wait_dma2 semaphore(%arg10 : memref<!tpu.dma_semaphore, #tpu.memory_space<semaphore_mem>>) src(%dma_wait3A_193 : memref<72xi32, #tpu.memory_space<hbm>>) dst(%dma_wait3A_192 : memref<72xi32, #tpu.memory_space<vmem>>)
    %dma_wait3A_194 = arith.constant 2 : i32
    %dma_wait3A_195 = arith.constant 0 : i32
    %dma_wait3A_196 = tpu.memref_slice %arg6[%dma_wait3A_194, %dma_wait3A_195] : memref<6x72xi32, #tpu.memory_space<vmem>> -> memref<1x72xi32, #tpu.memory_space<vmem>>
    %dma_wait3A_197 = tpu.memref_squeeze %dma_wait3A_196 : memref<1x72xi32, #tpu.memory_space<vmem>> -> memref<72xi32, #tpu.memory_space<vmem>>
    %dma_wait3A_198 = tpu.memref_slice %arg4[%mul3A_4] : memref<160128xi32, #tpu.memory_space<hbm>> -> memref<72xi32, #tpu.memory_space<hbm>>
    %dma_wait3A_199 = arith.constant 0 : i32
    %dma_wait3A_200 = tpu.memref_slice %arg6[%dma_wait3A_194, %dma_wait3A_199] : memref<6x72xi32, #tpu.memory_space<vmem>> -> memref<1x72xi32, #tpu.memory_space<vmem>>
    %dma_wait3A_201 = tpu.memref_squeeze %dma_wait3A_200 : memref<1x72xi32, #tpu.memory_space<vmem>> -> memref<72xi32, #tpu.memory_space<vmem>>
    %dma_wait3A_202 = tpu.memref_slice %arg4[%mul3A_4] : memref<160128xi32, #tpu.memory_space<hbm>> -> memref<72xi32, #tpu.memory_space<hbm>>
    tpu.wait_dma2 semaphore(%arg10 : memref<!tpu.dma_semaphore, #tpu.memory_space<semaphore_mem>>) src(%dma_wait3A_202 : memref<72xi32, #tpu.memory_space<hbm>>) dst(%dma_wait3A_201 : memref<72xi32, #tpu.memory_space<vmem>>)
    %dma_start3A_203 = arith.constant 2 : i32
    %dma_start3A_204 = arith.constant 2 : i32
    %dma_start3A_205 = arith.constant 0 : i32
    %dma_start3A_206 = arith.constant 0 : i32
    %dma_start3A_207 = tpu.memref_slice %arg8[%dma_start3A_204, %dma_start3A_205, %dma_start3A_206] : memref<5x72x128xf32, #tpu.memory_space<vmem>> -> memref<1x72x128xf32, #tpu.memory_space<vmem>>
    %dma_start3A_208 = tpu.memref_squeeze %dma_start3A_207 : memref<1x72x128xf32, #tpu.memory_space<vmem>> -> memref<72x128xf32, #tpu.memory_space<vmem>>
    %dma_start3A_209 = arith.constant 0 : i32
    %dma_start3A_210 = tpu.memref_slice %arg7[%dma_start3A_203, %dma_start3A_209] : memref<6x72xi32, #tpu.memory_space<vmem>> -> memref<1x72xi32, #tpu.memory_space<vmem>>
    %dma_start3A_211 = tpu.memref_squeeze %dma_start3A_210 : memref<1x72xi32, #tpu.memory_space<vmem>> -> memref<72xi32, #tpu.memory_space<vmem>>
    %dma_start3A_212 = arith.constant 0 : i32
    %dma_start3A_213 = tpu.memref_slice %arg2[%mul3A_6, %dma_start3A_212] : memref<20480x128xf32, #tpu.memory_space<hbm>> -> memref<10240x128xf32, #tpu.memory_space<hbm>>
    %dma_start3A_214 = arith.constant 0 : i32
    %dma_start3A_215 = arith.constant 0 : i32
    %dma_start3A_216 = tpu.memref_slice %dma_start3A_213[%dma_start3A_214, %dma_start3A_215] : memref<10240x128xf32, #tpu.memory_space<hbm>> -> memref<10240x128xf32, #tpu.memory_space<hbm>>
    tpu.enqueue_indirect_dma source(%dma_start3A_216 : memref<10240x128xf32, #tpu.memory_space<hbm>>) target(%dma_start3A_208 : memref<72x128xf32, #tpu.memory_space<vmem>>) offsets(%dma_start3A_211 : memref<72xi32, #tpu.memory_space<vmem>>) semaphore(%arg11 : memref<!tpu.dma_semaphore, #tpu.memory_space<semaphore_mem>>)
    %dma_wait3A_217 = arith.constant 3 : i32
    %dma_wait3A_218 = arith.constant 0 : i32
    %dma_wait3A_219 = tpu.memref_slice %arg7[%dma_wait3A_217, %dma_wait3A_218] : memref<6x72xi32, #tpu.memory_space<vmem>> -> memref<1x72xi32, #tpu.memory_space<vmem>>
    %dma_wait3A_220 = tpu.memref_squeeze %dma_wait3A_219 : memref<1x72xi32, #tpu.memory_space<vmem>> -> memref<72xi32, #tpu.memory_space<vmem>>
    %dma_wait3A_221 = tpu.memref_slice %arg3[%mul3A_2] : memref<160128xi32, #tpu.memory_space<hbm>> -> memref<72xi32, #tpu.memory_space<hbm>>
    %dma_wait3A_222 = arith.constant 0 : i32
    %dma_wait3A_223 = tpu.memref_slice %arg7[%dma_wait3A_217, %dma_wait3A_222] : memref<6x72xi32, #tpu.memory_space<vmem>> -> memref<1x72xi32, #tpu.memory_space<vmem>>
    %dma_wait3A_224 = tpu.memref_squeeze %dma_wait3A_223 : memref<1x72xi32, #tpu.memory_space<vmem>> -> memref<72xi32, #tpu.memory_space<vmem>>
    %dma_wait3A_225 = tpu.memref_slice %arg3[%mul3A_2] : memref<160128xi32, #tpu.memory_space<hbm>> -> memref<72xi32, #tpu.memory_space<hbm>>
    tpu.wait_dma2 semaphore(%arg10 : memref<!tpu.dma_semaphore, #tpu.memory_space<semaphore_mem>>) src(%dma_wait3A_225 : memref<72xi32, #tpu.memory_space<hbm>>) dst(%dma_wait3A_224 : memref<72xi32, #tpu.memory_space<vmem>>)
    %dma_wait3A_226 = arith.constant 3 : i32
    %dma_wait3A_227 = arith.constant 0 : i32
    %dma_wait3A_228 = tpu.memref_slice %arg6[%dma_wait3A_226, %dma_wait3A_227] : memref<6x72xi32, #tpu.memory_space<vmem>> -> memref<1x72xi32, #tpu.memory_space<vmem>>
    %dma_wait3A_229 = tpu.memref_squeeze %dma_wait3A_228 : memref<1x72xi32, #tpu.memory_space<vmem>> -> memref<72xi32, #tpu.memory_space<vmem>>
    %dma_wait3A_230 = tpu.memref_slice %arg4[%mul3A_4] : memref<160128xi32, #tpu.memory_space<hbm>> -> memref<72xi32, #tpu.memory_space<hbm>>
    %dma_wait3A_231 = arith.constant 0 : i32
    %dma_wait3A_232 = tpu.memref_slice %arg6[%dma_wait3A_226, %dma_wait3A_231] : memref<6x72xi32, #tpu.memory_space<vmem>> -> memref<1x72xi32, #tpu.memory_space<vmem>>
    %dma_wait3A_233 = tpu.memref_squeeze %dma_wait3A_232 : memref<1x72xi32, #tpu.memory_space<vmem>> -> memref<72xi32, #tpu.memory_space<vmem>>
    %dma_wait3A_234 = tpu.memref_slice %arg4[%mul3A_4] : memref<160128xi32, #tpu.memory_space<hbm>> -> memref<72xi32, #tpu.memory_space<hbm>>
    tpu.wait_dma2 semaphore(%arg10 : memref<!tpu.dma_semaphore, #tpu.memory_space<semaphore_mem>>) src(%dma_wait3A_234 : memref<72xi32, #tpu.memory_space<hbm>>) dst(%dma_wait3A_233 : memref<72xi32, #tpu.memory_space<vmem>>)
    %dma_start3A_235 = arith.constant 3 : i32
    %dma_start3A_236 = arith.constant 3 : i32
    %dma_start3A_237 = arith.constant 0 : i32
    %dma_start3A_238 = arith.constant 0 : i32
    %dma_start3A_239 = tpu.memref_slice %arg8[%dma_start3A_236, %dma_start3A_237, %dma_start3A_238] : memref<5x72x128xf32, #tpu.memory_space<vmem>> -> memref<1x72x128xf32, #tpu.memory_space<vmem>>
    %dma_start3A_240 = tpu.memref_squeeze %dma_start3A_239 : memref<1x72x128xf32, #tpu.memory_space<vmem>> -> memref<72x128xf32, #tpu.memory_space<vmem>>
    %dma_start3A_241 = arith.constant 0 : i32
    %dma_start3A_242 = tpu.memref_slice %arg7[%dma_start3A_235, %dma_start3A_241] : memref<6x72xi32, #tpu.memory_space<vmem>> -> memref<1x72xi32, #tpu.memory_space<vmem>>
    %dma_start3A_243 = tpu.memref_squeeze %dma_start3A_242 : memref<1x72xi32, #tpu.memory_space<vmem>> -> memref<72xi32, #tpu.memory_space<vmem>>
    %dma_start3A_244 = arith.constant 0 : i32
    %dma_start3A_245 = tpu.memref_slice %arg2[%mul3A_6, %dma_start3A_244] : memref<20480x128xf32, #tpu.memory_space<hbm>> -> memref<10240x128xf32, #tpu.memory_space<hbm>>
    %dma_start3A_246 = arith.constant 0 : i32
    %dma_start3A_247 = arith.constant 0 : i32
    %dma_start3A_248 = tpu.memref_slice %dma_start3A_245[%dma_start3A_246, %dma_start3A_247] : memref<10240x128xf32, #tpu.memory_space<hbm>> -> memref<10240x128xf32, #tpu.memory_space<hbm>>
    tpu.enqueue_indirect_dma source(%dma_start3A_248 : memref<10240x128xf32, #tpu.memory_space<hbm>>) target(%dma_start3A_240 : memref<72x128xf32, #tpu.memory_space<vmem>>) offsets(%dma_start3A_243 : memref<72xi32, #tpu.memory_space<vmem>>) semaphore(%arg11 : memref<!tpu.dma_semaphore, #tpu.memory_space<semaphore_mem>>)
    %dma_wait3A_249 = arith.constant 0 : i32
    %dma_wait3A_250 = tpu.memref_slice %arg9[%mul3A_0, %dma_wait3A_249] : memref<10112x128xf32, #tpu.memory_space<vmem_shared>> -> memref<632x128xf32, #tpu.memory_space<vmem_shared>>
    %dma_wait3A_251 = arith.constant 0 : i32
    %dma_wait3A_252 = tpu.memref_slice %arg2[%add3A, %dma_wait3A_251] : memref<20480x128xf32, #tpu.memory_space<hbm>> -> memref<632x128xf32, #tpu.memory_space<hbm>>
    tpu.wait_dma2 semaphore(%arg13 : memref<!tpu.dma_semaphore, #tpu.memory_space<semaphore_mem>>) src(%dma_wait3A_252 : memref<632x128xf32, #tpu.memory_space<hbm>>) dst(%dma_wait3A_250 : memref<632x128xf32, #tpu.memory_space<vmem_shared>>)
    %barrier3A = arith.constant 0 : index
    tpu.barrier barrier_id(%barrier3A)
    %scan3A = arith.constant 0 : i32
    %scan3A_253 = arith.constant 0 : i32
    %scan3A_254 = arith.constant 139 : i32
    %scan3A_255 = arith.addi %scan3A_253, %scan3A_254 : i32
    %scan3A_256 = arith.constant 1 : i32
    scf.for %scan3A_275 = %scan3A_253 to %scan3A_255 step %scan3A_256  : i32 {
      %rem3A_276 = arith.constant 5 : i32
      %rem3A_277 = arith.remsi %scan3A_275, %rem3A_276 : i32
      %dma_wait3A_278 = arith.constant 0 : i32
      %dma_wait3A_279 = arith.constant 0 : i32
      %dma_wait3A_280 = tpu.memref_slice %arg8[%rem3A_277, %dma_wait3A_278, %dma_wait3A_279] : memref<5x72x128xf32, #tpu.memory_space<vmem>> -> memref<1x72x128xf32, #tpu.memory_space<vmem>>
      %dma_wait3A_281 = tpu.memref_squeeze %dma_wait3A_280 : memref<1x72x128xf32, #tpu.memory_space<vmem>> -> memref<72x128xf32, #tpu.memory_space<vmem>>
      %dma_wait3A_282 = arith.constant 0 : i32
      %dma_wait3A_283 = arith.constant 0 : i32
      %dma_wait3A_284 = tpu.memref_slice %arg2[%dma_wait3A_282, %dma_wait3A_283] : memref<20480x128xf32, #tpu.memory_space<hbm>> -> memref<72x128xf32, #tpu.memory_space<hbm>>
      %dma_wait3A_285 = arith.constant 0 : i32
      %dma_wait3A_286 = arith.constant 0 : i32
      %dma_wait3A_287 = tpu.memref_slice %arg8[%rem3A_277, %dma_wait3A_285, %dma_wait3A_286] : memref<5x72x128xf32, #tpu.memory_space<vmem>> -> memref<1x72x128xf32, #tpu.memory_space<vmem>>
      %dma_wait3A_288 = tpu.memref_squeeze %dma_wait3A_287 : memref<1x72x128xf32, #tpu.memory_space<vmem>> -> memref<72x128xf32, #tpu.memory_space<vmem>>
      %dma_wait3A_289 = arith.constant 0 : i32
      %dma_wait3A_290 = arith.constant 0 : i32
      %dma_wait3A_291 = tpu.memref_slice %arg2[%dma_wait3A_289, %dma_wait3A_290] : memref<20480x128xf32, #tpu.memory_space<hbm>> -> memref<72x128xf32, #tpu.memory_space<hbm>>
      tpu.wait_dma2 semaphore(%arg11 : memref<!tpu.dma_semaphore, #tpu.memory_space<semaphore_mem>>) src(%dma_wait3A_291 : memref<72x128xf32, #tpu.memory_space<hbm>>) dst(%dma_wait3A_288 : memref<72x128xf32, #tpu.memory_space<vmem>>)
      %rem3A_292 = arith.constant 6 : i32
      %rem3A_293 = arith.remsi %scan3A_275, %rem3A_292 : i32
      %dma_start3A_294 = arith.constant 0 : i32
      %dma_start3A_295 = arith.constant 0 : i32
      %dma_start3A_296 = tpu.memref_slice %arg8[%rem3A_277, %dma_start3A_294, %dma_start3A_295] : memref<5x72x128xf32, #tpu.memory_space<vmem>> -> memref<1x72x128xf32, #tpu.memory_space<vmem>>
      %dma_start3A_297 = tpu.memref_squeeze %dma_start3A_296 : memref<1x72x128xf32, #tpu.memory_space<vmem>> -> memref<72x128xf32, #tpu.memory_space<vmem>>
      %dma_start3A_298 = arith.constant 0 : i32
      %dma_start3A_299 = tpu.memref_slice %arg6[%rem3A_293, %dma_start3A_298] : memref<6x72xi32, #tpu.memory_space<vmem>> -> memref<1x72xi32, #tpu.memory_space<vmem>>
      %dma_start3A_300 = tpu.memref_squeeze %dma_start3A_299 : memref<1x72xi32, #tpu.memory_space<vmem>> -> memref<72xi32, #tpu.memory_space<vmem>>
      %dma_start3A_301 = arith.constant 0 : i32
      %dma_start3A_302 = arith.constant 0 : i32
      %dma_start3A_303 = tpu.memref_slice %arg9[%dma_start3A_301, %dma_start3A_302] : memref<10112x128xf32, #tpu.memory_space<vmem_shared>> -> memref<10112x128xf32, #tpu.memory_space<vmem_shared>>
      tpu.enqueue_indirect_dma source(%dma_start3A_297 : memref<72x128xf32, #tpu.memory_space<vmem>>) target(%dma_start3A_303 : memref<10112x128xf32, #tpu.memory_space<vmem_shared>>) offsets(%dma_start3A_300 : memref<72xi32, #tpu.memory_space<vmem>>) semaphore(%arg12 : memref<!tpu.dma_semaphore, #tpu.memory_space<semaphore_mem>>) {add = true}
      %ge3A = arith.constant 1 : i32
      %ge3A_304 = arith.cmpi sge, %scan3A_275, %ge3A : i32
      %convert_element_type3A = arith.extui %ge3A_304 : i1 to i32
      %cond3A = arith.constant 0 : i32
      %cond3A_305 = arith.cmpi ne, %convert_element_type3A, %cond3A : i32
      scf.if %cond3A_305 {
        %rem3A_319 = arith.constant 6 : i32
        %rem3A_320 = arith.remsi %scan3A_275, %rem3A_319 : i32
        %dma_wait3A_321 = arith.constant 0 : i32
        %dma_wait3A_322 = arith.constant 0 : i32
        %dma_wait3A_323 = tpu.memref_slice %arg8[%rem3A_277, %dma_wait3A_321, %dma_wait3A_322] : memref<5x72x128xf32, #tpu.memory_space<vmem>> -> memref<1x72x128xf32, #tpu.memory_space<vmem>>
        %dma_wait3A_324 = tpu.memref_squeeze %dma_wait3A_323 : memref<1x72x128xf32, #tpu.memory_space<vmem>> -> memref<72x128xf32, #tpu.memory_space<vmem>>
        %dma_wait3A_325 = arith.constant 0 : i32
        %dma_wait3A_326 = tpu.memref_slice %arg6[%rem3A_320, %dma_wait3A_325] : memref<6x72xi32, #tpu.memory_space<vmem>> -> memref<1x72xi32, #tpu.memory_space<vmem>>
        %dma_wait3A_327 = tpu.memref_squeeze %dma_wait3A_326 : memref<1x72xi32, #tpu.memory_space<vmem>> -> memref<72xi32, #tpu.memory_space<vmem>>
        %dma_wait3A_328 = arith.constant 0 : i32
        %dma_wait3A_329 = arith.constant 0 : i32
        %dma_wait3A_330 = tpu.memref_slice %arg9[%dma_wait3A_328, %dma_wait3A_329] : memref<10112x128xf32, #tpu.memory_space<vmem_shared>> -> memref<10112x128xf32, #tpu.memory_space<vmem_shared>>
        tpu.wait_indirect_dma semaphore(%arg12 : memref<!tpu.dma_semaphore, #tpu.memory_space<semaphore_mem>>) src(%dma_wait3A_324 : memref<72x128xf32, #tpu.memory_space<vmem>>) dst(%dma_wait3A_330 : memref<10112x128xf32, #tpu.memory_space<vmem_shared>>)
      } else {
      }
      %add3A_306 = arith.constant 4 : i32
      %add3A_307 = arith.addi %scan3A_275, %add3A_306 : i32
      %lt3A = arith.constant 139 : i32
      %lt3A_308 = arith.cmpi slt, %add3A_307, %lt3A : i32
      %convert_element_type3A_309 = arith.extui %lt3A_308 : i1 to i32
      %cond3A_310 = arith.constant 0 : i32
      %cond3A_311 = arith.cmpi ne, %convert_element_type3A_309, %cond3A_310 : i32
      scf.if %cond3A_311 {
        %dma_wait3A_319 = arith.constant 0 : i32
        %dma_wait3A_320 = arith.constant 0 : i32
        %dma_wait3A_321 = tpu.memref_slice %arg7[%dma_wait3A_319, %dma_wait3A_320] : memref<6x72xi32, #tpu.memory_space<vmem>> -> memref<1x72xi32, #tpu.memory_space<vmem>>
        %dma_wait3A_322 = tpu.memref_squeeze %dma_wait3A_321 : memref<1x72xi32, #tpu.memory_space<vmem>> -> memref<72xi32, #tpu.memory_space<vmem>>
        %dma_wait3A_323 = tpu.memref_slice %arg3[%mul3A_2] : memref<160128xi32, #tpu.memory_space<hbm>> -> memref<72xi32, #tpu.memory_space<hbm>>
        %dma_wait3A_324 = arith.constant 0 : i32
        %dma_wait3A_325 = tpu.memref_slice %arg7[%dma_wait3A_319, %dma_wait3A_324] : memref<6x72xi32, #tpu.memory_space<vmem>> -> memref<1x72xi32, #tpu.memory_space<vmem>>
        %dma_wait3A_326 = tpu.memref_squeeze %dma_wait3A_325 : memref<1x72xi32, #tpu.memory_space<vmem>> -> memref<72xi32, #tpu.memory_space<vmem>>
        %dma_wait3A_327 = tpu.memref_slice %arg3[%mul3A_2] : memref<160128xi32, #tpu.memory_space<hbm>> -> memref<72xi32, #tpu.memory_space<hbm>>
        tpu.wait_dma2 semaphore(%arg10 : memref<!tpu.dma_semaphore, #tpu.memory_space<semaphore_mem>>) src(%dma_wait3A_327 : memref<72xi32, #tpu.memory_space<hbm>>) dst(%dma_wait3A_326 : memref<72xi32, #tpu.memory_space<vmem>>)
        %dma_wait3A_328 = arith.constant 0 : i32
        %dma_wait3A_329 = arith.constant 0 : i32
        %dma_wait3A_330 = tpu.memref_slice %arg6[%dma_wait3A_328, %dma_wait3A_329] : memref<6x72xi32, #tpu.memory_space<vmem>> -> memref<1x72xi32, #tpu.memory_space<vmem>>
        %dma_wait3A_331 = tpu.memref_squeeze %dma_wait3A_330 : memref<1x72xi32, #tpu.memory_space<vmem>> -> memref<72xi32, #tpu.memory_space<vmem>>
        %dma_wait3A_332 = tpu.memref_slice %arg4[%mul3A_4] : memref<160128xi32, #tpu.memory_space<hbm>> -> memref<72xi32, #tpu.memory_space<hbm>>
        %dma_wait3A_333 = arith.constant 0 : i32
        %dma_wait3A_334 = tpu.memref_slice %arg6[%dma_wait3A_328, %dma_wait3A_333] : memref<6x72xi32, #tpu.memory_space<vmem>> -> memref<1x72xi32, #tpu.memory_space<vmem>>
        %dma_wait3A_335 = tpu.memref_squeeze %dma_wait3A_334 : memref<1x72xi32, #tpu.memory_space<vmem>> -> memref<72xi32, #tpu.memory_space<vmem>>
        %dma_wait3A_336 = tpu.memref_slice %arg4[%mul3A_4] : memref<160128xi32, #tpu.memory_space<hbm>> -> memref<72xi32, #tpu.memory_space<hbm>>
        tpu.wait_dma2 semaphore(%arg10 : memref<!tpu.dma_semaphore, #tpu.memory_space<semaphore_mem>>) src(%dma_wait3A_336 : memref<72xi32, #tpu.memory_space<hbm>>) dst(%dma_wait3A_335 : memref<72xi32, #tpu.memory_space<vmem>>)
        %add3A_337 = arith.constant 4 : i32
        %add3A_338 = arith.addi %scan3A_275, %add3A_337 : i32
        %rem3A_339 = arith.constant 6 : i32
        %rem3A_340 = arith.remsi %add3A_338, %rem3A_339 : i32
        %add3A_341 = arith.constant 4 : i32
        %add3A_342 = arith.addi %scan3A_275, %add3A_341 : i32
        %rem3A_343 = arith.constant 5 : i32
        %rem3A_344 = arith.remsi %add3A_342, %rem3A_343 : i32
        %dma_start3A_345 = arith.constant 0 : i32
        %dma_start3A_346 = arith.constant 0 : i32
        %dma_start3A_347 = tpu.memref_slice %arg8[%rem3A_344, %dma_start3A_345, %dma_start3A_346] : memref<5x72x128xf32, #tpu.memory_space<vmem>> -> memref<1x72x128xf32, #tpu.memory_space<vmem>>
        %dma_start3A_348 = tpu.memref_squeeze %dma_start3A_347 : memref<1x72x128xf32, #tpu.memory_space<vmem>> -> memref<72x128xf32, #tpu.memory_space<vmem>>
        %dma_start3A_349 = arith.constant 0 : i32
        %dma_start3A_350 = tpu.memref_slice %arg7[%rem3A_340, %dma_start3A_349] : memref<6x72xi32, #tpu.memory_space<vmem>> -> memref<1x72xi32, #tpu.memory_space<vmem>>
        %dma_start3A_351 = tpu.memref_squeeze %dma_start3A_350 : memref<1x72xi32, #tpu.memory_space<vmem>> -> memref<72xi32, #tpu.memory_space<vmem>>
        %dma_start3A_352 = arith.constant 0 : i32
        %dma_start3A_353 = tpu.memref_slice %arg2[%mul3A_6, %dma_start3A_352] : memref<20480x128xf32, #tpu.memory_space<hbm>> -> memref<10240x128xf32, #tpu.memory_space<hbm>>
        %dma_start3A_354 = arith.constant 0 : i32
        %dma_start3A_355 = arith.constant 0 : i32
        %dma_start3A_356 = tpu.memref_slice %dma_start3A_353[%dma_start3A_354, %dma_start3A_355] : memref<10240x128xf32, #tpu.memory_space<hbm>> -> memref<10240x128xf32, #tpu.memory_space<hbm>>
        tpu.enqueue_indirect_dma source(%dma_start3A_356 : memref<10240x128xf32, #tpu.memory_space<hbm>>) target(%dma_start3A_348 : memref<72x128xf32, #tpu.memory_space<vmem>>) offsets(%dma_start3A_351 : memref<72xi32, #tpu.memory_space<vmem>>) semaphore(%arg11 : memref<!tpu.dma_semaphore, #tpu.memory_space<semaphore_mem>>)
      } else {
      }
      %add3A_312 = arith.constant 5 : i32
      %add3A_313 = arith.addi %scan3A_275, %add3A_312 : i32
      %lt3A_314 = arith.constant 139 : i32
      %lt3A_315 = arith.cmpi slt, %add3A_313, %lt3A_314 : i32
      %convert_element_type3A_316 = arith.extui %lt3A_315 : i1 to i32
      %cond3A_317 = arith.constant 0 : i32
      %cond3A_318 = arith.cmpi ne, %convert_element_type3A_316, %cond3A_317 : i32
      scf.if %cond3A_318 {
        %add3A_319 = arith.constant 5 : i32
        %add3A_320 = arith.addi %scan3A_275, %add3A_319 : i32
        %mul3A_321 = arith.constant 72 : i32
        %mul3A_322 = arith.muli %add3A_320, %mul3A_321 : i32
        %add3A_323 = arith.addi %mul3A_2, %mul3A_322 : i32
        %add3A_324 = arith.constant 5 : i32
        %add3A_325 = arith.addi %scan3A_275, %add3A_324 : i32
        %rem3A_326 = arith.constant 6 : i32
        %rem3A_327 = arith.remsi %add3A_325, %rem3A_326 : i32
        %dma_start3A_328 = arith.constant 0 : i32
        %dma_start3A_329 = tpu.memref_slice %arg7[%rem3A_327, %dma_start3A_328] : memref<6x72xi32, #tpu.memory_space<vmem>> -> memref<1x72xi32, #tpu.memory_space<vmem>>
        %dma_start3A_330 = tpu.memref_squeeze %dma_start3A_329 : memref<1x72xi32, #tpu.memory_space<vmem>> -> memref<72xi32, #tpu.memory_space<vmem>>
        %dma_start3A_331 = tpu.memref_slice %arg3[%add3A_323] : memref<160128xi32, #tpu.memory_space<hbm>> -> memref<72xi32, #tpu.memory_space<hbm>>
        %dma_start3A_332 = arith.constant 0 : i32
        %dma_start3A_333 = tpu.memref_slice %arg7[%rem3A_327, %dma_start3A_332] : memref<6x72xi32, #tpu.memory_space<vmem>> -> memref<1x72xi32, #tpu.memory_space<vmem>>
        %dma_start3A_334 = tpu.memref_squeeze %dma_start3A_333 : memref<1x72xi32, #tpu.memory_space<vmem>> -> memref<72xi32, #tpu.memory_space<vmem>>
        %dma_start3A_335 = tpu.memref_slice %arg3[%add3A_323] : memref<160128xi32, #tpu.memory_space<hbm>> -> memref<72xi32, #tpu.memory_space<hbm>>
        tpu.enqueue_dma source(%dma_start3A_335 : memref<72xi32, #tpu.memory_space<hbm>>) target(%dma_start3A_334 : memref<72xi32, #tpu.memory_space<vmem>>) target_semaphore(%arg10 : memref<!tpu.dma_semaphore, #tpu.memory_space<semaphore_mem>>)
        %add3A_336 = arith.constant 5 : i32
        %add3A_337 = arith.addi %scan3A_275, %add3A_336 : i32
        %mul3A_338 = arith.constant 72 : i32
        %mul3A_339 = arith.muli %add3A_337, %mul3A_338 : i32
        %add3A_340 = arith.addi %mul3A_4, %mul3A_339 : i32
        %add3A_341 = arith.constant 5 : i32
        %add3A_342 = arith.addi %scan3A_275, %add3A_341 : i32
        %rem3A_343 = arith.constant 6 : i32
        %rem3A_344 = arith.remsi %add3A_342, %rem3A_343 : i32
        %dma_start3A_345 = arith.constant 0 : i32
        %dma_start3A_346 = tpu.memref_slice %arg6[%rem3A_344, %dma_start3A_345] : memref<6x72xi32, #tpu.memory_space<vmem>> -> memref<1x72xi32, #tpu.memory_space<vmem>>
        %dma_start3A_347 = tpu.memref_squeeze %dma_start3A_346 : memref<1x72xi32, #tpu.memory_space<vmem>> -> memref<72xi32, #tpu.memory_space<vmem>>
        %dma_start3A_348 = tpu.memref_slice %arg4[%add3A_340] : memref<160128xi32, #tpu.memory_space<hbm>> -> memref<72xi32, #tpu.memory_space<hbm>>
        %dma_start3A_349 = arith.constant 0 : i32
        %dma_start3A_350 = tpu.memref_slice %arg6[%rem3A_344, %dma_start3A_349] : memref<6x72xi32, #tpu.memory_space<vmem>> -> memref<1x72xi32, #tpu.memory_space<vmem>>
        %dma_start3A_351 = tpu.memref_squeeze %dma_start3A_350 : memref<1x72xi32, #tpu.memory_space<vmem>> -> memref<72xi32, #tpu.memory_space<vmem>>
        %dma_start3A_352 = tpu.memref_slice %arg4[%add3A_340] : memref<160128xi32, #tpu.memory_space<hbm>> -> memref<72xi32, #tpu.memory_space<hbm>>
        tpu.enqueue_dma source(%dma_start3A_352 : memref<72xi32, #tpu.memory_space<hbm>>) target(%dma_start3A_351 : memref<72xi32, #tpu.memory_space<vmem>>) target_semaphore(%arg10 : memref<!tpu.dma_semaphore, #tpu.memory_space<semaphore_mem>>)
      } else {
      }
    }
    %scan3A_257 = arith.constant 139 : i32
    %rem3A = arith.constant 138 : i32
    %rem3A_258 = arith.constant 5 : i32
    %rem3A_259 = arith.remsi %rem3A, %rem3A_258 : i32
    %dma_wait3A_260 = arith.constant 0 : i32
    %dma_wait3A_261 = arith.constant 0 : i32
    %dma_wait3A_262 = arith.constant 0 : i32
    %dma_wait3A_263 = tpu.memref_slice %arg8[%rem3A_259, %dma_wait3A_261, %dma_wait3A_262] : memref<5x72x128xf32, #tpu.memory_space<vmem>> -> memref<1x72x128xf32, #tpu.memory_space<vmem>>
    %dma_wait3A_264 = tpu.memref_squeeze %dma_wait3A_263 : memref<1x72x128xf32, #tpu.memory_space<vmem>> -> memref<72x128xf32, #tpu.memory_space<vmem>>
    %dma_wait3A_265 = arith.constant 0 : i32
    %dma_wait3A_266 = tpu.memref_slice %arg6[%dma_wait3A_260, %dma_wait3A_265] : memref<6x72xi32, #tpu.memory_space<vmem>> -> memref<1x72xi32, #tpu.memory_space<vmem>>
    %dma_wait3A_267 = tpu.memref_squeeze %dma_wait3A_266 : memref<1x72xi32, #tpu.memory_space<vmem>> -> memref<72xi32, #tpu.memory_space<vmem>>
    %dma_wait3A_268 = arith.constant 0 : i32
    %dma_wait3A_269 = arith.constant 0 : i32
    %dma_wait3A_270 = tpu.memref_slice %arg9[%dma_wait3A_268, %dma_wait3A_269] : memref<10112x128xf32, #tpu.memory_space<vmem_shared>> -> memref<10112x128xf32, #tpu.memory_space<vmem_shared>>
    tpu.wait_indirect_dma semaphore(%arg12 : memref<!tpu.dma_semaphore, #tpu.memory_space<semaphore_mem>>) src(%dma_wait3A_264 : memref<72x128xf32, #tpu.memory_space<vmem>>) dst(%dma_wait3A_270 : memref<10112x128xf32, #tpu.memory_space<vmem_shared>>)
    %barrier3A_271 = arith.constant 0 : index
    tpu.barrier barrier_id(%barrier3A_271)
    %mul3A_272 = arith.constant 10240 : i32
    %mul3A_273 = arith.muli %arg0, %mul3A_272 : i32
    %add3A_274 = arith.addi %mul3A_273, %mul3A_0 : i32
    "tpu.region"() ({
      %run_scoped3A = tpu.sem_alloc : memref<!tpu.dma_semaphore, #tpu.memory_space<semaphore_mem>>
      %dma_start3A_275 = arith.constant 0 : i32
      %dma_start3A_276 = tpu.memref_slice %arg5[%add3A_274, %dma_start3A_275] : memref<20480x128xf32, #tpu.memory_space<hbm>> -> memref<632x128xf32, #tpu.memory_space<hbm>>
      %dma_start3A_277 = arith.constant 0 : i32
      %dma_start3A_278 = tpu.memref_slice %arg9[%mul3A_0, %dma_start3A_277] : memref<10112x128xf32, #tpu.memory_space<vmem_shared>> -> memref<632x128xf32, #tpu.memory_space<vmem_shared>>
      tpu.enqueue_dma source(%dma_start3A_278 : memref<632x128xf32, #tpu.memory_space<vmem_shared>>) target(%dma_start3A_276 : memref<632x128xf32, #tpu.memory_space<hbm>>) target_semaphore(%run_scoped3A : memref<!tpu.dma_semaphore, #tpu.memory_space<semaphore_mem>>)
      %dma_wait3A_279 = arith.constant 0 : i32
      %dma_wait3A_280 = tpu.memref_slice %arg5[%add3A_274, %dma_wait3A_279] : memref<20480x128xf32, #tpu.memory_space<hbm>> -> memref<632x128xf32, #tpu.memory_space<hbm>>
      %dma_wait3A_281 = arith.constant 0 : i32
      %dma_wait3A_282 = tpu.memref_slice %arg9[%mul3A_0, %dma_wait3A_281] : memref<10112x128xf32, #tpu.memory_space<vmem_shared>> -> memref<632x128xf32, #tpu.memory_space<vmem_shared>>
      tpu.wait_dma2 semaphore(%run_scoped3A : memref<!tpu.dma_semaphore, #tpu.memory_space<semaphore_mem>>) src(%dma_wait3A_282 : memref<632x128xf32, #tpu.memory_space<vmem_shared>>) dst(%dma_wait3A_280 : memref<632x128xf32, #tpu.memory_space<hbm>>)
      tpu.yield
    }) : () -> ()
    return
  }
}

module attributes {stable_mosaic.version = 14 : i64} {
  func.func @_lin1_body(%arg0: i32, %arg1: memref<1024x256xf32, #tpu.memory_space<vmem>>, %arg2: memref<256x256xf32, #tpu.memory_space<vmem>>, %arg3: memref<1024x8xf32, #tpu.memory_space<vmem>>, %arg4: memref<2x1024x128xf32, #tpu.memory_space<vmem>>, %arg5: memref<1024x8xf32, #tpu.memory_space<vmem>>) attributes {dimension_semantics = [#tpu.dimension_semantics<arbitrary>], iteration_bounds = array<i64: 10>, scalar_prefetch = 0 : i64, scratch_operands = 0 : i64, tpu.core_type = #tpu.core_type<tc>, window_params = [{transform_indices = @transform_0, window_bounds = array<i64: 1024, 256>}, {pipeline_mode = #tpu.pipeline_mode<synchronous>, transform_indices = @transform_1, window_bounds = array<i64: 256, 256>}, {transform_indices = @transform_2, window_bounds = array<i64: 1024, 8>}, {transform_indices = @transform_3, window_bounds = array<i64: 2, 1024, 128>}, {transform_indices = @transform_4, window_bounds = array<i64: 1024, 8>}]} {
    %get3A = arith.constant 0 : index
    %get3A_0 = arith.constant 0 : index
    %get3A_1 = vector.load %arg3[%get3A, %get3A_0] : memref<1024x8xf32, #tpu.memory_space<vmem>>, vector<1024x8xf32>
    %rsqrt3A = math.rsqrt %get3A_1 : vector<1024x8xf32>
    %swap3A = arith.constant 0 : index
    %swap3A_2 = arith.constant 0 : index
    %swap3A_3 = vector.load %arg5[%swap3A, %swap3A_2] : memref<1024x8xf32, #tpu.memory_space<vmem>>, vector<1024x8xf32>
    tpu.vector_store %arg5[%swap3A, %swap3A_2], %rsqrt3A {strides = array<i32>} : memref<1024x8xf32, #tpu.memory_space<vmem>>, vector<1024x8xf32>,
    %get3A_4 = arith.constant 0 : index
    %get3A_5 = arith.constant 0 : index
    %get3A_6 = vector.load %arg1[%get3A_4, %get3A_5] : memref<1024x256xf32, #tpu.memory_space<vmem>>, vector<1024x256xf32>
    %get3A_7 = arith.constant 0 : index
    %get3A_8 = arith.constant 0 : index
    %get3A_9 = vector.load %arg2[%get3A_7, %get3A_8] : memref<256x256xf32, #tpu.memory_space<vmem>>, vector<256x256xf32>
    %dot_general3A = arith.constant dense<0.000000e+00> : vector<1024x256xf32>
    %dot_general3A_10 = tpu.matmul %get3A_6, %get3A_9, %dot_general3A {dimension_numbers = #tpu.dot_dimension_numbers<[1], [0], [0], [1], [0, 0, 1, 1], [], []>, transpose_lhs_hint = false} : vector<1024x256xf32>, vector<256x256xf32>, vector<1024x256xf32> -> vector<1024x256xf32>
    %slice3A = vector.extract_strided_slice %rsqrt3A {offsets = [0, 0], sizes = [1024, 1], strides = [1, 1]} : vector<1024x8xf32> to vector<1024x1xf32>
    %mul3A = vector.broadcast %slice3A : vector<1024x1xf32> to vector<1024x256xf32>
    %mul3A_11 = arith.mulf %dot_general3A_10, %mul3A : vector<1024x256xf32>
    %slice3A_12 = vector.extract_strided_slice %mul3A_11 {offsets = [0, 0], sizes = [1024, 128], strides = [1, 1]} : vector<1024x256xf32> to vector<1024x128xf32>
    %swap3A_13 = arith.constant 0 : index
    %swap3A_14 = arith.constant 0 : index
    %swap3A_15 = arith.constant 0 : index
    %swap3A_16 = vector.load %arg4[%swap3A_13, %swap3A_14, %swap3A_15] : memref<2x1024x128xf32, #tpu.memory_space<vmem>>, vector<1x1024x128xf32>
    %swap3A_17 = vector.shape_cast %swap3A_16 : vector<1x1024x128xf32> to vector<1024x128xf32>
    %swap3A_18 = vector.shape_cast %slice3A_12 : vector<1024x128xf32> to vector<1x1024x128xf32>
    tpu.vector_store %arg4[%swap3A_13, %swap3A_14, %swap3A_15], %swap3A_18 {strides = array<i32>} : memref<2x1024x128xf32, #tpu.memory_space<vmem>>, vector<1x1024x128xf32>,
    %slice3A_19 = vector.extract_strided_slice %mul3A_11 {offsets = [0, 128], sizes = [1024, 128], strides = [1, 1]} : vector<1024x256xf32> to vector<1024x128xf32>
    %swap3A_20 = arith.constant 1 : index
    %swap3A_21 = arith.constant 0 : index
    %swap3A_22 = arith.constant 0 : index
    %swap3A_23 = vector.load %arg4[%swap3A_20, %swap3A_21, %swap3A_22] : memref<2x1024x128xf32, #tpu.memory_space<vmem>>, vector<1x1024x128xf32>
    %swap3A_24 = vector.shape_cast %swap3A_23 : vector<1x1024x128xf32> to vector<1024x128xf32>
    %swap3A_25 = vector.shape_cast %slice3A_19 : vector<1024x128xf32> to vector<1x1024x128xf32>
    tpu.vector_store %arg4[%swap3A_20, %swap3A_21, %swap3A_22], %swap3A_25 {strides = array<i32>} : memref<2x1024x128xf32, #tpu.memory_space<vmem>>, vector<1x1024x128xf32>,
    return
  }
  func.func @transform_0(%arg0: i32) -> (i32, i32) {
    %c0_i32 = arith.constant 0 : i32
    %c0_i32_0 = arith.constant 0 : i32
    return %arg0, %c0_i32 : i32, i32
  }
  func.func @transform_1(%arg0: i32) -> (i32, i32) {
    %c0_i32 = arith.constant 0 : i32
    %c0_i32_0 = arith.constant 0 : i32
    %c0_i32_1 = arith.constant 0 : i32
    return %c0_i32, %c0_i32_0 : i32, i32
  }
  func.func @transform_2(%arg0: i32) -> (i32, i32) {
    %c0_i32 = arith.constant 0 : i32
    %c0_i32_0 = arith.constant 0 : i32
    return %arg0, %c0_i32 : i32, i32
  }
  func.func @transform_3(%arg0: i32) -> (i32, i32, i32) {
    %c0_i32 = arith.constant 0 : i32
    %c0_i32_0 = arith.constant 0 : i32
    %c0_i32_1 = arith.constant 0 : i32
    return %c0_i32, %arg0, %c0_i32_0 : i32, i32, i32
  }
  func.func @transform_4(%arg0: i32) -> (i32, i32) {
    %c0_i32 = arith.constant 0 : i32
    %c0_i32_0 = arith.constant 0 : i32
    return %arg0, %c0_i32 : i32, i32
  }
}

module attributes {stable_mosaic.version = 14 : i64} {
  func.func @_mid_body(%arg0: i32, %arg1: memref<2x1024x128xf32, #tpu.memory_space<vmem>>, %arg2: memref<1024x8xf32, #tpu.memory_space<vmem>>, %arg3: memref<8x256xf32, #tpu.memory_space<vmem>>, %arg4: memref<256x256xf32, #tpu.memory_space<vmem>>, %arg5: memref<2x1024x128xf32, #tpu.memory_space<vmem>>) attributes {dimension_semantics = [#tpu.dimension_semantics<arbitrary>], iteration_bounds = array<i64: 10>, scalar_prefetch = 0 : i64, scratch_operands = 0 : i64, tpu.core_type = #tpu.core_type<tc>, window_params = [{transform_indices = @transform_0, window_bounds = array<i64: 2, 1024, 128>}, {transform_indices = @transform_1, window_bounds = array<i64: 1024, 8>}, {pipeline_mode = #tpu.pipeline_mode<synchronous>, transform_indices = @transform_2, window_bounds = array<i64: 8, 256>}, {pipeline_mode = #tpu.pipeline_mode<synchronous>, transform_indices = @transform_3, window_bounds = array<i64: 256, 256>}, {transform_indices = @transform_4, window_bounds = array<i64: 2, 1024, 128>}]} {
    %get3A = arith.constant 0 : index
    %get3A_0 = arith.constant 0 : index
    %get3A_1 = vector.load %arg2[%get3A, %get3A_0] : memref<1024x8xf32, #tpu.memory_space<vmem>>, vector<1024x1xf32>
    %get3A_2 = arith.constant 0 : index
    %get3A_3 = arith.constant 0 : index
    %get3A_4 = arith.constant 0 : index
    %get3A_5 = vector.load %arg1[%get3A_2, %get3A_3, %get3A_4] : memref<2x1024x128xf32, #tpu.memory_space<vmem>>, vector<1x1024x128xf32>
    %get3A_6 = vector.shape_cast %get3A_5 : vector<1x1024x128xf32> to vector<1024x128xf32>
    %get3A_7 = arith.constant 1 : index
    %get3A_8 = arith.constant 0 : index
    %get3A_9 = arith.constant 0 : index
    %get3A_10 = vector.load %arg1[%get3A_7, %get3A_8, %get3A_9] : memref<2x1024x128xf32, #tpu.memory_space<vmem>>, vector<1x1024x128xf32>
    %get3A_11 = vector.shape_cast %get3A_10 : vector<1x1024x128xf32> to vector<1024x128xf32>
    %concatenate3A = tpu.concatenate %get3A_6, %get3A_11 in 1 : vector<1024x128xf32>, vector<1024x128xf32> -> vector<1024x256xf32>
    %mul3A = vector.broadcast %get3A_1 : vector<1024x1xf32> to vector<1024x256xf32>
    %mul3A_12 = arith.mulf %concatenate3A, %mul3A : vector<1024x256xf32>
    %get3A_13 = arith.constant 0 : index
    %get3A_14 = arith.constant 0 : index
    %get3A_15 = vector.load %arg3[%get3A_13, %get3A_14] : memref<8x256xf32, #tpu.memory_space<vmem>>, vector<1x256xf32>
    %add3A = vector.broadcast %get3A_15 : vector<1x256xf32> to vector<1024x256xf32>
    %add3A_16 = arith.addf %mul3A_12, %add3A : vector<1024x256xf32>
    %max3A = arith.constant 0.000000e+00 : f32
    %max3A_17 = vector.broadcast %max3A : f32 to vector<1024x256xf32>
    %max3A_18 = arith.maximumf %add3A_16, %max3A_17 : vector<1024x256xf32>
    %get3A_19 = arith.constant 0 : index
    %get3A_20 = arith.constant 0 : index
    %get3A_21 = vector.load %arg4[%get3A_19, %get3A_20] : memref<256x256xf32, #tpu.memory_space<vmem>>, vector<256x256xf32>
    %dot_general3A = arith.constant dense<0.000000e+00> : vector<1024x256xf32>
    %dot_general3A_22 = tpu.matmul %max3A_18, %get3A_21, %dot_general3A {dimension_numbers = #tpu.dot_dimension_numbers<[1], [0], [0], [1], [0, 0, 1, 1], [], []>, transpose_lhs_hint = false} : vector<1024x256xf32>, vector<256x256xf32>, vector<1024x256xf32> -> vector<1024x256xf32>
    %mul3A_23 = vector.broadcast %get3A_1 : vector<1024x1xf32> to vector<1024x256xf32>
    %mul3A_24 = arith.mulf %dot_general3A_22, %mul3A_23 : vector<1024x256xf32>
    %slice3A = vector.extract_strided_slice %mul3A_24 {offsets = [0, 0], sizes = [1024, 128], strides = [1, 1]} : vector<1024x256xf32> to vector<1024x128xf32>
    %swap3A = arith.constant 0 : index
    %swap3A_25 = arith.constant 0 : index
    %swap3A_26 = arith.constant 0 : index
    %swap3A_27 = vector.load %arg5[%swap3A, %swap3A_25, %swap3A_26] : memref<2x1024x128xf32, #tpu.memory_space<vmem>>, vector<1x1024x128xf32>
    %swap3A_28 = vector.shape_cast %swap3A_27 : vector<1x1024x128xf32> to vector<1024x128xf32>
    %swap3A_29 = vector.shape_cast %slice3A : vector<1024x128xf32> to vector<1x1024x128xf32>
    tpu.vector_store %arg5[%swap3A, %swap3A_25, %swap3A_26], %swap3A_29 {strides = array<i32>} : memref<2x1024x128xf32, #tpu.memory_space<vmem>>, vector<1x1024x128xf32>,
    %slice3A_30 = vector.extract_strided_slice %mul3A_24 {offsets = [0, 128], sizes = [1024, 128], strides = [1, 1]} : vector<1024x256xf32> to vector<1024x128xf32>
    %swap3A_31 = arith.constant 1 : index
    %swap3A_32 = arith.constant 0 : index
    %swap3A_33 = arith.constant 0 : index
    %swap3A_34 = vector.load %arg5[%swap3A_31, %swap3A_32, %swap3A_33] : memref<2x1024x128xf32, #tpu.memory_space<vmem>>, vector<1x1024x128xf32>
    %swap3A_35 = vector.shape_cast %swap3A_34 : vector<1x1024x128xf32> to vector<1024x128xf32>
    %swap3A_36 = vector.shape_cast %slice3A_30 : vector<1024x128xf32> to vector<1x1024x128xf32>
    tpu.vector_store %arg5[%swap3A_31, %swap3A_32, %swap3A_33], %swap3A_36 {strides = array<i32>} : memref<2x1024x128xf32, #tpu.memory_space<vmem>>, vector<1x1024x128xf32>,
    return
  }
  func.func @transform_0(%arg0: i32) -> (i32, i32, i32) {
    %c0_i32 = arith.constant 0 : i32
    %c0_i32_0 = arith.constant 0 : i32
    %c0_i32_1 = arith.constant 0 : i32
    return %c0_i32, %arg0, %c0_i32_0 : i32, i32, i32
  }
  func.func @transform_1(%arg0: i32) -> (i32, i32) {
    %c0_i32 = arith.constant 0 : i32
    %c0_i32_0 = arith.constant 0 : i32
    return %arg0, %c0_i32 : i32, i32
  }
  func.func @transform_2(%arg0: i32) -> (i32, i32) {
    %c0_i32 = arith.constant 0 : i32
    %c0_i32_0 = arith.constant 0 : i32
    %c0_i32_1 = arith.constant 0 : i32
    return %c0_i32, %c0_i32_0 : i32, i32
  }
  func.func @transform_3(%arg0: i32) -> (i32, i32) {
    %c0_i32 = arith.constant 0 : i32
    %c0_i32_0 = arith.constant 0 : i32
    %c0_i32_1 = arith.constant 0 : i32
    return %c0_i32, %c0_i32_0 : i32, i32
  }
  func.func @transform_4(%arg0: i32) -> (i32, i32, i32) {
    %c0_i32 = arith.constant 0 : i32
    %c0_i32_0 = arith.constant 0 : i32
    %c0_i32_1 = arith.constant 0 : i32
    return %c0_i32, %arg0, %c0_i32_0 : i32, i32, i32
  }
}

module attributes {stable_mosaic.version = 14 : i64} {
  func.func @_head_body(%arg0: i32, %arg1: memref<2x1000x128xf32, #tpu.memory_space<vmem>>, %arg2: memref<1000x8xf32, #tpu.memory_space<vmem>>, %arg3: memref<8x256xf32, #tpu.memory_space<vmem>>, %arg4: memref<256x128xf32, #tpu.memory_space<vmem>>, %arg5: memref<8x128xf32, #tpu.memory_space<vmem>>, %arg6: memref<1000x128xf32, #tpu.memory_space<vmem>>) attributes {dimension_semantics = [#tpu.dimension_semantics<arbitrary>], iteration_bounds = array<i64: 10>, scalar_prefetch = 0 : i64, scratch_operands = 0 : i64, tpu.core_type = #tpu.core_type<tc>, window_params = [{transform_indices = @transform_0, window_bounds = array<i64: 2, 1000, 128>}, {transform_indices = @transform_1, window_bounds = array<i64: 1000, 8>}, {pipeline_mode = #tpu.pipeline_mode<synchronous>, transform_indices = @transform_2, window_bounds = array<i64: 8, 256>}, {pipeline_mode = #tpu.pipeline_mode<synchronous>, transform_indices = @transform_3, window_bounds = array<i64: 256, 128>}, {pipeline_mode = #tpu.pipeline_mode<synchronous>, transform_indices = @transform_4, window_bounds = array<i64: 8, 128>}, {transform_indices = @transform_5, window_bounds = array<i64: 1000, 128>}]} {
    %get3A = arith.constant 0 : index
    %get3A_0 = arith.constant 0 : index
    %get3A_1 = vector.load %arg2[%get3A, %get3A_0] : memref<1000x8xf32, #tpu.memory_space<vmem>>, vector<1000x1xf32>
    %get3A_2 = arith.constant 0 : index
    %get3A_3 = arith.constant 0 : index
    %get3A_4 = arith.constant 0 : index
    %get3A_5 = vector.load %arg1[%get3A_2, %get3A_3, %get3A_4] : memref<2x1000x128xf32, #tpu.memory_space<vmem>>, vector<1x1000x128xf32>
    %get3A_6 = vector.shape_cast %get3A_5 : vector<1x1000x128xf32> to vector<1000x128xf32>
    %get3A_7 = arith.constant 1 : index
    %get3A_8 = arith.constant 0 : index
    %get3A_9 = arith.constant 0 : index
    %get3A_10 = vector.load %arg1[%get3A_7, %get3A_8, %get3A_9] : memref<2x1000x128xf32, #tpu.memory_space<vmem>>, vector<1x1000x128xf32>
    %get3A_11 = vector.shape_cast %get3A_10 : vector<1x1000x128xf32> to vector<1000x128xf32>
    %concatenate3A = tpu.concatenate %get3A_6, %get3A_11 in 1 : vector<1000x128xf32>, vector<1000x128xf32> -> vector<1000x256xf32>
    %mul3A = vector.broadcast %get3A_1 : vector<1000x1xf32> to vector<1000x256xf32>
    %mul3A_12 = arith.mulf %concatenate3A, %mul3A : vector<1000x256xf32>
    %get3A_13 = arith.constant 0 : index
    %get3A_14 = arith.constant 0 : index
    %get3A_15 = vector.load %arg3[%get3A_13, %get3A_14] : memref<8x256xf32, #tpu.memory_space<vmem>>, vector<1x256xf32>
    %add3A = vector.broadcast %get3A_15 : vector<1x256xf32> to vector<1000x256xf32>
    %add3A_16 = arith.addf %mul3A_12, %add3A : vector<1000x256xf32>
    %max3A = arith.constant 0.000000e+00 : f32
    %max3A_17 = vector.broadcast %max3A : f32 to vector<1000x256xf32>
    %max3A_18 = arith.maximumf %add3A_16, %max3A_17 : vector<1000x256xf32>
    %get3A_19 = arith.constant 0 : index
    %get3A_20 = arith.constant 0 : index
    %get3A_21 = vector.load %arg4[%get3A_19, %get3A_20] : memref<256x128xf32, #tpu.memory_space<vmem>>, vector<256x128xf32>
    %dot_general3A = arith.constant dense<0.000000e+00> : vector<1000x128xf32>
    %dot_general3A_22 = tpu.matmul %max3A_18, %get3A_21, %dot_general3A {dimension_numbers = #tpu.dot_dimension_numbers<[1], [0], [0], [1], [0, 0, 1, 1], [], []>, transpose_lhs_hint = false} : vector<1000x256xf32>, vector<256x128xf32>, vector<1000x128xf32> -> vector<1000x128xf32>
    %get3A_23 = arith.constant 0 : index
    %get3A_24 = arith.constant 0 : index
    %get3A_25 = vector.load %arg5[%get3A_23, %get3A_24] : memref<8x128xf32, #tpu.memory_space<vmem>>, vector<1x128xf32>
    %add3A_26 = vector.broadcast %get3A_25 : vector<1x128xf32> to vector<1000x128xf32>
    %add3A_27 = arith.addf %dot_general3A_22, %add3A_26 : vector<1000x128xf32>
    %reduce_max3A = arith.constant dense<0xFF800000> : vector<1000xf32>
    %reduce_max3A_28 = vector.multi_reduction <maximumf>, %add3A_27, %reduce_max3A [1] : vector<1000x128xf32> to vector<1000xf32>
    %broadcast_in_dim3A = vector.shape_cast %reduce_max3A_28 : vector<1000xf32> to vector<1000x1xf32>
    %sub3A = vector.broadcast %broadcast_in_dim3A : vector<1000x1xf32> to vector<1000x128xf32>
    %sub3A_29 = arith.subf %add3A_27, %sub3A : vector<1000x128xf32>
    %exp3A = math.exp %sub3A_29 : vector<1000x128xf32>
    %reduce_sum3A = arith.constant dense<0.000000e+00> : vector<1000xf32>
    %reduce_sum3A_30 = vector.multi_reduction <add>, %exp3A, %reduce_sum3A [1] : vector<1000x128xf32> to vector<1000xf32>
    %broadcast_in_dim3A_31 = vector.shape_cast %reduce_sum3A_30 : vector<1000xf32> to vector<1000x1xf32>
    %div3A = vector.broadcast %broadcast_in_dim3A_31 : vector<1000x1xf32> to vector<1000x128xf32>
    %div3A_32 = arith.divf %exp3A, %div3A : vector<1000x128xf32>
    %swap3A = arith.constant 0 : index
    %swap3A_33 = arith.constant 0 : index
    %swap3A_34 = vector.load %arg6[%swap3A, %swap3A_33] : memref<1000x128xf32, #tpu.memory_space<vmem>>, vector<1000x128xf32>
    tpu.vector_store %arg6[%swap3A, %swap3A_33], %div3A_32 {strides = array<i32>} : memref<1000x128xf32, #tpu.memory_space<vmem>>, vector<1000x128xf32>,
    return
  }
  func.func @transform_0(%arg0: i32) -> (i32, i32, i32) {
    %c0_i32 = arith.constant 0 : i32
    %c0_i32_0 = arith.constant 0 : i32
    %c0_i32_1 = arith.constant 0 : i32
    return %c0_i32, %arg0, %c0_i32_0 : i32, i32, i32
  }
  func.func @transform_1(%arg0: i32) -> (i32, i32) {
    %c0_i32 = arith.constant 0 : i32
    %c0_i32_0 = arith.constant 0 : i32
    return %arg0, %c0_i32 : i32, i32
  }
  func.func @transform_2(%arg0: i32) -> (i32, i32) {
    %c0_i32 = arith.constant 0 : i32
    %c0_i32_0 = arith.constant 0 : i32
    %c0_i32_1 = arith.constant 0 : i32
    return %c0_i32, %c0_i32_0 : i32, i32
  }
  func.func @transform_3(%arg0: i32) -> (i32, i32) {
    %c0_i32 = arith.constant 0 : i32
    %c0_i32_0 = arith.constant 0 : i32
    %c0_i32_1 = arith.constant 0 : i32
    return %c0_i32, %c0_i32_0 : i32, i32
  }
  func.func @transform_4(%arg0: i32) -> (i32, i32) {
    %c0_i32 = arith.constant 0 : i32
    %c0_i32_0 = arith.constant 0 : i32
    %c0_i32_1 = arith.constant 0 : i32
    return %c0_i32, %c0_i32_0 : i32, i32
  }
  func.func @transform_5(%arg0: i32) -> (i32, i32) {
    %c0_i32 = arith.constant 0 : i32
    %c0_i32_0 = arith.constant 0 : i32
    return %arg0, %c0_i32 : i32, i32
  }
}

</mosaic_0001>

<sc_bundles>
// kernel: _run.11.cloned.1.call-start
scs
__scs_entry_jumppad:
0x0: {  	(pc) =	sbr.rel $0x88, $3  }
0x1: {  	(tag) =	ssettag $0x0;
	lr =	simm.s32 $0x1  }
0x2: {  	[smem:$0x3F99] =	sst lr;
	_ =	strace $0xD0000000  }
0x3: {  	_ = 	snop  }
0x4: {  	_ = 	snop  }
0x5: {  	_ = 	snop  }
0x6: {  	_ = 	snop  }
0x7: {  	_ = 	snop  }
__scs_overlays_trampoline_lowered:
0x8: {  	[smem:$0x3FA8] =	sst s0  }
0x9: {  	[smem:$0x3FA9] =	sst s1  }
0xa: {  	[smem:$0x3FAA] =	sst s2  }
0xb: {  	[smem:$0x3FAB] =	sst s3  }
0xc: {  	[smem:$0x3FAC] =	sst s4  }
0xd: {  	[smem:$0x3FAD] =	sst s5  }
0xe: {  	[smem:$0x3FAE] =	sst s6  }
0xf: {  	[smem:$0x3FAF] =	sst s7  }
0x10: {  	[smem:$0x3FB0] =	sst s8  }
0x11: {  	[smem:$0x3FB1] =	sst s9;
	s0 =	simm.s32 @!p0 $0x0  }
0x12: {  	s1 =	sld [smem:$0x3F97];
	s0 =	simm.s32 @p0 $0x1  }
0x13: {  	[smem:$0x3FB2] =	sst s0;
	s0 =	simm.s32 @!p1 $0x0  }
0x14: {  	s2 =	sld [smem:$0x3F96];
	s0 =	simm.s32 @p1 $0x1  }
0x15: {  	[smem:$0x3FB3] =	sst s0;
	s0 =	simm.s32 @!p2 $0x0  }
0x16: {  	s3 =	sld [smem:$0x3FDB];
	s0 =	simm.s32 @p2 $0x1  }
0x17: {  	s4 =	simm.s32 $0x1BF5;
	[smem:$0x3FB5] =	sst s0  }
0x18: {  	s0 =	sld [smem:$0x3F98];
	_ =	swait.ge [sflag:s4], $0x0  }
0x19: {  	s7 =	sld [smem:$0x3F99]  }
0x1a: {  	s8 =	sadd.s32 $0xFFFFE003, lr  }
0x1b: {  	s9 =	sadd.s32 $0xFFFFFEF7, lr;
	s5 =	simm.s32 $0xFFFFFFFF;
	p2 =	slt.u32 s8, $0xFFFFF086  }
0x1c: {  	p1 =	slt.u32 s9, $0xF7A;
	s5 =	simm.s32 @!p2 $0x0  }
0x1d: {  	s5 =	simm.s32 @p1 $0x1;
	p0 =	seq.s32 s7, s2  }
0x1e: {  	s7 =	smul.u32 @!p0 $0xF7A, s2;
	p2 =	seq.s32 @!p0 s5, $0x0  }
0x1f: {  	s9 =	smul.u32 $0xF7A, s1;
	s8 =	simm.s32 @!p0 $0x1BF5;
	p2 =	por !p2, p0  }
0x20: {  	[sflag:s8] =	ssyncset.s32 @!p0 $0xFFFFF086;
	s6 =	sadd.s32 @!p0 s3, s7;
	s7 =	simm.s32 @!p0 $0x108  }
0x21: {  	s3 =	sadd.s32 s3, s9;
	s6 =	sadd.s32 @!p0 $0x88, s6;
	s7 =	simm.s32 @p2 $0x1082  }
0x22: {  	[simem:s7], [sflag:s8] =	dma.local @!p0 [hbm:s6], $0xF7A  }
0x23: {  	s9 =	sor.u32 $0xD0000000, s2;
	s6 =	simm.s32 $0x108;
	_ =	swait.ge @!p0 [sflag:s8], $0x0  }
0x24: {  	s3 =	sadd.s32 $0x88, s3;
	s6 =	simm.s32 @!p1 $0x1082;
	[sflag:s4] =	ssyncset.s32 $0xFFFFF086  }
0x25: {  	[simem:s6], [sflag:s4] =	dma.local [hbm:s3], $0xF7A  }
0x26: {  	[smem:$0x3F99] =	sst s1;
	(tag) =	ssettag s2;
	_ =	strace s9  }
0x27: {  	s1 =	sld [smem:$0x3FA9]  }
0x28: {  	s2 =	sld [smem:$0x3FAA]  }
0x29: {  	s4 =	sld [smem:$0x3FAC]  }
0x2a: {  	p0 =	seq.s32 s5, $0x0;
	s5 =	sld [smem:$0x3FAD]  }
0x2b: {  	s6 =	sld [smem:$0x3FAE]  }
0x2c: {  	s7 =	sld [smem:$0x3FAF]  }
0x2d: {  	s3 =	simm.s32 $0x108;
	s8 =	sld [smem:$0x3FB0]  }
0x2e: {  	s3 =	simm.s32 @!p0 $0x1082;
	s9 =	sld [smem:$0x3FB1]  }
0x2f: {  	lr =	sadd.s32 s0, s3;
	s0 =	sld [smem:$0x3FA8]  }
0x30: {  	s3 =	sld [smem:$0x3FAB]  }
0x31: {  	[smem:$0x3FB4] =	sst s10  }
0x32: {  	s10 =	sld [smem:$0x3FB2];
	_ =	sdelay $0x3  }
0x33: {  	p0 =	seq.s32 s10, $0x1;
	s10 =	sld [smem:$0x3FB4];
	_ =	sdelay $0x3  }
0x34: {  	[smem:$0x3FB4] =	sst s10  }
0x35: {  	s10 =	sld [smem:$0x3FB3];
	_ =	sdelay $0x3  }
0x36: {  	p1 =	seq.s32 s10, $0x1;
	s10 =	sld [smem:$0x3FB4];
	_ =	sdelay $0x3  }
0x37: {  	[smem:$0x3FB4] =	sst s10  }
0x38: {  	s10 =	sld [smem:$0x3FB5]  }
0x39: {  	_ = 	snop;
	(pc) =	sbr.ind lr, $3  }
0x3a: {  	_ = 	snop  }
0x3b: {  	_ = 	snop  }
0x3c: {  	p2 =	seq.s32 s10, $0x1;
	s10 =	sld [smem:$0x3FB4]  }
0x3d: {  	_ =	shalt  }
0x3e: {  	_ =	shalt  }
0x3f: {  	_ =	shalt  }
0x40: {  	_ =	shalt  }
0x41: {  	_ =	shalt  }
0x42: {  	_ =	shalt  }
0x43: {  	_ =	shalt  }
0x44: {  	_ =	shalt  }
0x45: {  	_ =	shalt  }
0x46: {  	_ =	shalt  }
0x47: {  	_ =	shalt  }
0x48: {  	_ =	shalt  }
0x49: {  	_ =	shalt  }
0x4a: {  	_ =	shalt  }
0x4b: {  	_ =	shalt  }
0x4c: {  	_ =	shalt  }
0x4d: {  	_ =	shalt  }
0x4e: {  	_ =	shalt  }
0x4f: {  	_ =	shalt  }
0x50: {  	_ =	shalt  }
0x51: {  	_ =	shalt  }
0x52: {  	_ =	shalt  }
0x53: {  	_ =	shalt  }
0x54: {  	_ =	shalt  }
0x55: {  	_ =	shalt  }
0x56: {  	_ =	shalt  }
0x57: {  	_ =	shalt  }
0x58: {  	_ =	shalt  }
0x59: {  	_ =	shalt  }
0x5a: {  	_ =	shalt  }
0x5b: {  	_ =	shalt  }
0x5c: {  	_ =	shalt  }
0x5d: {  	_ =	shalt  }
0x5e: {  	_ =	shalt  }
0x5f: {  	_ =	shalt  }
0x60: {  	_ =	shalt  }
0x61: {  	_ =	shalt  }
0x62: {  	_ =	shalt  }
0x63: {  	_ =	shalt  }
0x64: {  	_ =	shalt  }
0x65: {  	_ =	shalt  }
0x66: {  	_ =	shalt  }
0x67: {  	_ =	shalt  }
0x68: {  	_ =	shalt  }
0x69: {  	_ =	shalt  }
0x6a: {  	_ =	shalt  }
0x6b: {  	_ =	shalt  }
0x6c: {  	_ =	shalt  }
0x6d: {  	_ =	shalt  }
0x6e: {  	_ =	shalt  }
0x6f: {  	_ =	shalt  }
0x70: {  	_ =	shalt  }
0x71: {  	_ =	shalt  }
0x72: {  	_ =	shalt  }
0x73: {  	_ =	shalt  }
0x74: {  	_ =	shalt  }
0x75: {  	_ =	shalt  }
0x76: {  	_ =	shalt  }
0x77: {  	_ =	shalt  }
0x78: {  	_ =	shalt  }
0x79: {  	_ =	shalt  }
0x7a: {  	_ =	shalt  }
0x7b: {  	_ =	shalt  }
0x7c: {  	_ =	shalt  }
0x7d: {  	_ =	shalt  }
0x7e: {  	_ =	shalt  }
0x7f: {  	_ =	shalt  }
0x80: {  	_ =	shalt  }
0x81: {  	_ =	shalt  }
0x82: {  	_ =	shalt  }
0x83: {  	_ =	shalt  }
0x84: {  	_ =	shalt  }
0x85: {  	_ =	shalt  }
0x86: {  	_ =	shalt  }
0x87: {  	_ =	shalt  }
.Lfunc_end0:
.L_simem_size_0:
called_computation.1_lowered:
.L_overlay_start_0:
0x88: {  	s2 =	sld [smem:$0x3FD9]  }
0x89: {  	s3 =	sld [smem:$0x3FFE];
	_ =	sdelay $0x1  }
0x8a: {  	s1 =	srdreg.scid  }
0x8b: {  	s0 =	sand.u32 $0x1, s1  }
0x8c: {  	s16 =	sshll.u32 s0, $0xA;
	s2 =	sadd.s32 s3, s2  }
0x8d: {  	s2 =	sadd.s32 s2, s16  }
0x8e: {  	[smem:$0x3FC0] =	sst s2  }
0x8f: {  	_ = 	snop  }
0x90: {  	(tm) =	ssettm $0x1  }
0x91: {  	s17 =	sld [smem:$0x3FFB];
	_ =	sdelay $0x3  }
0x92: {  	_ =	strace s17  }
0x93: {  	s2 =	sld [smem:$0x3FFC];
	_ =	sdelay $0x3  }
0x94: {  	_ =	strace s2  }
0x95: {  	s2 =	sld [smem:$0x3FFD];
	_ =	sdelay $0x3  }
0x96: {  	_ =	strace s2  }
0x97: {  	_ =	strace $0x8FFFFFFF  }
0x98: {  	s18 =	sld [smem:$0x3FDB];
	_ =	sdelay $0x1  }
0x99: {  	s19 =	simm.s32 $_scs_section_size  }
0x9a: {  	s4 =	simm.s32 $_size__tile_overlayer_lowered;
	s5 =	simm.s32 $_tile_overlayer_lowered  }
0x9b: {  	s22 =	simm.s32 $0x1BFF;
	s21 =	sshll.u32 s5, $0x1;
	s2 =	sadd.s32 s19, s18  }
0x9c: {  	s6 =	simm.s32 $0x0;
	s20 =	sshll.u32 s4, $0x1;
	s4 =	sadd.s32 s21, s2  }
0x9d: {  	[timem:s6], [sflag:s22] =	dma.local [hbm:s4], s20  }
0x9e: {  	_ =	swait.ge [sflag:s22], s20  }
0x9f: {  	s3 =	ssub.s32 $0x0, s20;
	[sflag:s22] =	ssyncset.done $0x0  }
0xa0: {  	[sflag:s22] =	ssyncadd.s32 s3;
	_ =	sdelay $0x1  }
0xa1: {  	s23 =	simm.s32 $0x1B8B  }
0xa2: {  	_ =	swait.ge [sflag:s23], $0x1  }
0xa3: {  	[sflag:s23] =	ssyncset.done $0x0  }
0xa4: {  	s25 =	simm.s32 $0x1B8E;
	s24 =	sld [smem:$0x3FFE];
	[sflag:s23] =	ssyncadd.s32 $0xFFFFFFFF  }
0xa5: {  	s26 =	simm.s32 $execute0_lowered;
	[smem:$0x3FD2] =	sst s25  }
0xa6: {  	s4 =	sshll.u32 s26, $0x1;
	_ =	strace $0x80000049;
	[dreg:$0x1] =	wrdreg $0xFFFFFFFF  }
0xa7: {  	s28 =	simm.s32 $_size_execute0_lowered;
	s2 =	sadd.s32 s2, s4;
	[dreg:$0x0] =	wrdreg $0x0  }
0xa8: {  	s4 =	sshll.u32 s28, $0x1;
	[dreg:$0x2] =	wrdreg s2  }
0xa9: {  	[dreg:$0x3] =	wrdreg s4  }
0xaa: {  	[dreg:$0x4] =	wrdreg $0xC0  }
0xab: {  	_ =	task [dreg:s6], $0x5FFFF  }
0xac: {  	[dreg:$0x1] =	wrdreg $0xFFFFFFFF  }
0xad: {  	[dreg:$0x0] =	wrdreg $0x60  }
0xae: {  	[dreg:$0x2] =	wrdreg s24  }
0xaf: {  	[dreg:$0x3] =	wrdreg $0xBC000  }
0xb0: {  	[dreg:$0x4] =	wrdreg $0x9  }
0xb1: {  	_ =	task.clear_ibuf [dreg:s6], $0x5FFFF;
	_ =	strace $0x90000049  }
0xb2: {  	s29 =	simm.s32 $0x9;
	_ =	strace $0x8000004B  }
0xb3: {  	_ =	swait.ge [sflag:s29], $0x1  }
0xb4: {  	[sflag:s29] =	ssyncadd.s32 $0xFFFFFFFF  }
0xb5: {  	_ =	strace $0x9000004B  }
0xb6: {  	_ =	sfence  }
0xb7: {  	s30 =	sld [smem:$0x0];
	_ =	sdelay $0x2  }
0xb8: {  	s31 =	sshll.u32 s1, $0xD;
	s1 =	sshrl.u32 s1, $0x2  }
0xb9: {  	s3 =	sand.u32 $0x4000, s31;
	s1 =	sadd.s32 s1, s30  }
0xba: {  	s0 =	sor.u32 s3, s0;
	s1 =	sshll.u32 s1, $0x11  }
0xbb: {  	s0 =	sor.u32 s1, s0  }
0xbc: {  	s0 =	sadd.s32 $0x8F2B, s0  }
0xbd: {  	[sflag:s0] =	ssyncadd.remote.s32 $0x1  }
0xbe: {  	_ =	sfence.sel $0xFFFF  }
0xbf: {  	[dreg:$0x0] =	wrdreg $0xFFFFFFFF;
	(pc) =	sbr.abs _section_cstart, $3  }
0xc0: {  	[dreg:$0x1] =	wrdreg $0xFFFFFFFF  }
0xc1: {  	_ =	task.clear_ibuf [dreg:s6], $0x2FFFF;
	_ =	strace $0x9FFFFFFF  }
0xc2: {  	(tm) =	ssettm $0x7FFFFFFF  }
0xc3: {  	_ =	shalt  }
tec
execute0_lowered:
.L_overlay_start_1:
0x0: {  	(tag) =	ssettag $0x1  }
0x1: {  	s0 =	rddreg [dreg:$0x0];
	s1 =	srdreg.scid  }
0x2: {  	s2 =	rddreg [dreg:$0x1];
	s12 =	stileid.u32;
	s3 =	simm.s32 $0x0  }
0x3: {  	s29 =	simm.s32 $0x580;
	s28 =	simm.s32 $0x4;
	s30 =	simm.s32 $0x2  }
0x4: {  	s31 =	simm.s32 $0x3;
	s1 =	sand.u32 $0x1, s1;
	s5 =	smul.u32 $0x278, s12  }
0x5: {  	[smem:$0x7FF] =	sst s3;
	s7 =	sadd.s32 $0x2FE00, s0;
	s6 =	smul.u32 $0x4F000, s12  }
0x6: {  	s26 =	sadd.s32 $0x7FE00, s0;
	s8 =	sadd.s32 $0x2AE00, s0;
	s13 =	smul.u32 $0x2718, s12  }
0x7: {  	s16 =	sshll.u32 s12, $0x6;
	s4 =	smul.u32 $0x2800, s1;
	_ =	strace $0x8000004A  }
0x8: {  	s9 =	ssub.s32 $0x2, s1;
	[dreg:$0x5] =	wrdreg s16;
	s1 =	smul.u32 $0x28000, s1  }
0x9: {  	s10 =	sshrl.u32 s9, $0x1;
	s6 =	sshrl.u32 s6, $0x2;
	s17 =	sshrl.u32 s13, $0x3  }
0xa: {  	s18 =	sadd.s32 $0x48, s13;
	s15 =	sadd.s32 $0xD8, s13;
	s4 =	sadd.s32 s5, s4  }
0xb: {  	s9 =	ssub.s32 s9, s10;
	s6 =	sadd.s32 s6, s2;
	s19 =	sadd.s32 s26, s17  }
0xc: {  	s11 =	sshrl.u32 s18, $0x3;
	s20 =	sadd.s32 s8, s17;
	s14 =	sadd.s32 $0x12, s17  }
0xd: {  	s15 =	sshrl.u32 s15, $0x3;
	s18 =	sadd.s32 s7, s1;
	[dreg:$0x3] =	wrdreg s6  }
0xe: {  	s1 =	simm.s32 $0x1;
	s4 =	sshll.u32 s4, $0x4;
	[dreg:$0x7] =	wrdreg s19  }
0xf: {  	s6 =	sor.u32 $0x1C04, s16;
	[dreg:$0x8] =	wrdreg s20;
	s21 =	sadd.s32 s26, s11  }
0x10: {  	s22 =	sadd.s32 s8, s11;
	s23 =	sadd.s32 s26, s14;
	[dreg:$0x6] =	wrdreg s6  }
0x11: {  	s24 =	sadd.s32 s8, s14;
	s14 =	sadd.s32 s26, s15;
	[dreg:$0x9] =	wrdreg s21  }
0x12: {  	s15 =	sadd.s32 s8, s15;
	s20 =	smax.u32 s9, $0x1;
	[dreg:$0xa] =	wrdreg s22  }
0x13: {  	s0 =	sadd.s32 s4, s0;
	s4 =	sadd.s32 s7, s4;
	[dreg:$0xb] =	wrdreg s23  }
0x14: {  	[dreg:$0xc] =	wrdreg s24;
	s21 =	smul.u32 $0x4E3, s12;
	s23 =	simm.s32 $0x400  }
.Ltmp0:
0x15: {  	s24 =	simm.s32 $0x480;
	[dreg:$0x4] =	wrdreg s4;
	(pc) =	sbr.rel .LBB2_1-.Ltmp0, $4  }
0x16: {  	s4 =	sadd.s32 $0x24, s17;
	s19 =	sadd.s32 $0x84E00, s0;
	s0 =	simm.s32 $0x5  }
0x17: {  	s16 =	sadd.s32 s26, s4;
	s17 =	sadd.s32 s8, s4;
	s25 =	sadd.s32 s21, s8  }
0x18: {  	s26 =	sadd.s32 s21, s26;
	s4 =	simm.s32 $0x0;
	s8 =	sadd.s32 $0x2D, s25  }
0x19: {  	s7 =	sadd.s32 $0x2D, s26;
	s26 =	simm.s32 $0x500;
	s25 =	simm.s32 $0x48  }
.LBB2_5:
0x1a: {  	_ =	swait.ge [sflag:s31], $0x2400  }
0x1b: {  	[sflag:s31] =	ssyncset.done $0x0  }
0x1c: {  	[sflag:s31] =	ssyncadd.s32 $0xFFFFDC00  }
0x1d: {  	s4 =	sadd.s32 $0x1, s4;
	[bflag:$0x0] =	sbarrier.arrive $0xFFFF  }
0x1e: {  	p0 =	sne.s32 s4, s20;
	s6 =	rddreg [dreg:$0x5]  }
.Ltmp1:
0x1f: {  	s6 =	sor.u32 $0x1C05, s6;
	(pc) =	sbr.rel @!p0 .LBB2_6-.Ltmp1, $4  }
0x20: {  	[hbm:s19], [sflag:s6] =	dma.local [spmem:s5], $0x2780  }
0x21: {  	_ =	swait.ge [sflag:s0], $0x2780  }
0x22: {  	[sflag:s0] =	ssyncset.done $0x0  }
0x23: {  	[sflag:s0] =	ssyncadd.s32 $0xFFFFD880  }
.LBB2_1:
0x24: {  	s5 =	rddreg [dreg:$0x3]  }
0x25: {  	s6 =	rddreg [dreg:$0x4]  }
0x26: {  	s9 =	rddreg [dreg:$0x6];
	s5 =	sshrl.u32 s5, $0x3  }
0x27: {  	[spmem:s5], [sflag:s9] =	dma.local [hbm:s6], $0x2780  }
0x28: {  	s6 =	rddreg [dreg:$0x7]  }
0x29: {  	[tilespmem:s23], [sflag:$0x1] =	stream.linear.gather [hbm4b:s6+s3], $0x48, $0x38;
	[tilespmem:$0x1F800] =	vst v63  }
0x2a: {  	s9 =	rddreg [dreg:$0x8]  }
0x2b: {  	[tilespmem:s3], [sflag:$0x1] =	stream.linear.gather [hbm4b:s9+s3], $0x48, $0x38;
	[tilespmem:$0x1F800] =	vst v63  }
0x2c: {  	s10 =	rddreg [dreg:$0x9]  }
0x2d: {  	[tilespmem:s24], [sflag:$0x1] =	stream.linear.gather [hbm4b:s10+s3], $0x48, $0x38;
	[tilespmem:$0x1F800] =	vst v63  }
0x2e: {  	s12 =	simm.s32 $0x80;
	s11 =	rddreg [dreg:$0xa]  }
0x2f: {  	[tilespmem:s12], [sflag:$0x1] =	stream.linear.gather [hbm4b:s11+s3], $0x48, $0x38;
	[tilespmem:$0x1F800] =	vst v63  }
0x30: {  	s13 =	rddreg [dreg:$0xb]  }
0x31: {  	[tilespmem:s26], [sflag:$0x1] =	stream.linear.gather [hbm4b:s13+s3], $0x48, $0x38;
	[tilespmem:$0x1F800] =	vst v63  }
0x32: {  	s22 =	simm.s32 $0x100;
	s21 =	rddreg [dreg:$0xc]  }
0x33: {  	[tilespmem:s22], [sflag:$0x1] =	stream.linear.gather [hbm4b:s21+s3], $0x48, $0x38;
	[tilespmem:$0x1F800] =	vst v63  }
0x34: {  	_ = 	snop  }
0x35: {  	[tilespmem:s29], [sflag:$0x1] =	stream.linear.gather [hbm4b:s14+s3], $0x48, $0x38;
	[tilespmem:$0x1F800] =	vst v63  }
0x36: {  	s9 =	simm.s32 $0x180  }
0x37: {  	[tilespmem:s9], [sflag:$0x1] =	stream.linear.gather [hbm4b:s15+s3], $0x48, $0x38;
	[tilespmem:$0x1F800] =	vst v63  }
0x38: {  	s10 =	simm.s32 $0x600  }
0x39: {  	[tilespmem:s10], [sflag:$0x1] =	stream.linear.gather [hbm4b:s16+s3], $0x48, $0x38;
	[tilespmem:$0x1F800] =	vst v63  }
0x3a: {  	s11 =	simm.s32 $0x200  }
0x3b: {  	[tilespmem:s11], [sflag:$0x1] =	stream.linear.gather [hbm4b:s17+s3], $0x48, $0x38;
	[tilespmem:$0x1F800] =	vst v63  }
0x3c: {  	_ =	swait.ge [sflag:s1], $0x48  }
0x3d: {  	[sflag:s1] =	ssyncset.done $0x0  }
0x3e: {  	[sflag:s1] =	ssyncadd.s32 $0xFFFFFFB8  }
0x3f: {  	_ =	swait.ge [sflag:s1], $0x48  }
0x40: {  	[sflag:s1] =	ssyncset.done $0x0  }
0x41: {  	s12 =	simm.s32 $0x800;
	[sflag:s1] =	ssyncadd.s32 $0xFFFFFFB8  }
0x42: {  	[tilespmem:s12], [sflag:$0x2] =	stream.indirect.gather [hbm4b:s18+s25], $0x80, s23, s25, $0xb8;
	[tilespmem:$0x1F800] =	vst v63  }
0x43: {  	_ =	swait.ge [sflag:s1], $0x48  }
0x44: {  	[sflag:s1] =	ssyncset.done $0x0  }
0x45: {  	[sflag:s1] =	ssyncadd.s32 $0xFFFFFFB8  }
0x46: {  	_ =	swait.ge [sflag:s1], $0x48  }
0x47: {  	[sflag:s1] =	ssyncset.done $0x0  }
0x48: {  	s13 =	simm.s32 $0x2C00;
	[sflag:s1] =	ssyncadd.s32 $0xFFFFFFB8  }
0x49: {  	[tilespmem:s13], [sflag:$0x2] =	stream.indirect.gather [hbm4b:s18+s25], $0x80, s24, s25, $0xb8;
	[tilespmem:$0x1F800] =	vst v63  }
0x4a: {  	_ =	swait.ge [sflag:s1], $0x48  }
0x4b: {  	[sflag:s1] =	ssyncset.done $0x0  }
0x4c: {  	[sflag:s1] =	ssyncadd.s32 $0xFFFFFFB8  }
0x4d: {  	_ =	swait.ge [sflag:s1], $0x48  }
0x4e: {  	[sflag:s1] =	ssyncset.done $0x0  }
0x4f: {  	s21 =	simm.s32 $0x5000;
	[sflag:s1] =	ssyncadd.s32 $0xFFFFFFB8  }
0x50: {  	[tilespmem:s21], [sflag:$0x2] =	stream.indirect.gather [hbm4b:s18+s25], $0x80, s26, s25, $0xb8;
	[tilespmem:$0x1F800] =	vst v63  }
0x51: {  	_ =	swait.ge [sflag:s1], $0x48  }
0x52: {  	[sflag:s1] =	ssyncset.done $0x0  }
0x53: {  	[sflag:s1] =	ssyncadd.s32 $0xFFFFFFB8  }
0x54: {  	_ =	swait.ge [sflag:s1], $0x48  }
0x55: {  	[sflag:s1] =	ssyncset.done $0x0  }
0x56: {  	s22 =	simm.s32 $0x7400;
	[sflag:s1] =	ssyncadd.s32 $0xFFFFFFB8  }
0x57: {  	[tilespmem:s22], [sflag:$0x2] =	stream.indirect.gather [hbm4b:s18+s25], $0x80, s29, s25, $0xb8;
	[tilespmem:$0x1F800] =	vst v63  }
.Ltmp2:
0x58: {  	_ =	swait.ge [sflag:s28], $0x2780;
	(pc) =	sbr.rel .LBB2_2-.Ltmp2, $4  }
0x59: {  	[sflag:s28] =	ssyncset.done $0x0  }
0x5a: {  	[sflag:s28] =	ssyncadd.s32 $0xFFFFD880  }
0x5b: {  	[bflag:$0x0] =	sbarrier.arrive $0xFFFF  }
0x5c: {  	s9 =	simm.s32 $0x0;
	s21 =	smov.u32 s8;
	s22 =	smov.u32 s7  }
.LBB2_4:
0x5d: {  	s9 =	sadd.s32 $0x1, s9  }
0x5e: {  	p0 =	sne.s32 s9, $0x8B  }
.Ltmp3:
0x5f: {  	_ = 	snop;
	(pc) =	sbr.rel @!p0 .LBB2_5-.Ltmp3, $2  }
0x60: {  	_ =	sdelay $0x2  }
0x61: {  	s21 =	sadd.s32 $0x9, s21;
	s22 =	sadd.s32 $0x9, s22  }
.LBB2_2:
0x62: {  	s6 =	smul.u32 $0xCD, s9;
	_ =	sdelay $0x1  }
0x63: {  	s6 =	sshrl.u32 s6, $0xA  }
0x64: {  	s10 =	smul.u32 $0xAB, s9;
	s6 =	sand.u32 $0x3F, s6  }
0x65: {  	s6 =	smul.u32 $0x5, s6  }
0x66: {  	s10 =	sshrl.u32 s10, $0xA  }
0x67: {  	s10 =	sand.u32 $0x3F, s10;
	s6 =	ssub.s32 s9, s6  }
0x68: {  	s10 =	smul.u32 $0x6, s10;
	s6 =	sand.u32 $0xFF, s6  }
0x69: {  	_ =	swait.ge [sflag:s30], $0x2400;
	p0 =	seq.s32 s9, $0x0;
	s6 =	smul.u32 $0x9000, s6  }
0x6a: {  	[sflag:s30] =	ssyncset.done $0x0;
	p1 =	sgt.u32 @!p0 s9, $0x86;
	s10 =	ssub.s32 s9, s10  }
0x6b: {  	[sflag:s30] =	ssyncadd.s32 $0xFFFFDC00;
	s10 =	sand.u32 $0xFF, s10;
	s6 =	sshrl.u32 s6, $0x2  }
0x6c: {  	p1 =	por p0, !p1;
	s10 =	sshll.u32 s10, $0x7;
	s6 =	sadd.s32 $0x800, s6  }
0x6d: {  	[spmem:s2] =	stream.indirect.scatter.add.f32 [tilespmem:s6], [sflag:$0x3], $0x80, s10, s25, $0xb8;
	[tilespmem:$0x1F800] =	vst v63  }
.Ltmp4:
0x6e: {  	_ = 	snop;
	(pc) =	sbr.rel @!p1 .LBB2_4-.Ltmp4, $4  }
0x6f: {  	s6 =	simm.s32 @!p0 $0x3  }
0x70: {  	_ =	swait.ge @!p0 [sflag:s6], $0x2400  }
0x71: {  	[sflag:s6] =	ssyncset.done @!p0 $0x0  }
0x72: {  	[sflag:s6] =	ssyncadd.s32 @!p0 $0xFFFFDC00  }
0x73: {  	s6 =	sadd.s32 $0x4, s9  }
0x74: {  	s10 =	sand.u32 $0xFF, s6  }
0x75: {  	s11 =	smul.u32 $0xCD, s10;
	_ =	sdelay $0x1  }
0x76: {  	s10 =	smul.u32 $0xAB, s10;
	s11 =	sshrl.u32 s11, $0xA  }
0x77: {  	_ =	swait.ge [sflag:s1], $0x48;
	p0 =	sgt.u32 s9, $0x85;
	s11 =	smul.u32 $0x5, s11  }
0x78: {  	[sflag:s1] =	ssyncset.done $0x0;
	s12 =	sadd.s32 @!p0 $0x5, s9;
	s10 =	sshrl.u32 s10, $0xA  }
0x79: {  	[sflag:s1] =	ssyncadd.s32 $0xFFFFFFB8;
	s10 =	smul.u32 $0x6, s10;
	s11 =	ssub.s32 s6, s11  }
0x7a: {  	s13 =	smul.u32 @!p0 $0xAB, s12;
	_ =	swait.ge [sflag:s1], $0x48;
	s11 =	sand.u32 $0xFF, s11  }
0x7b: {  	[sflag:s1] =	ssyncset.done $0x0;
	s6 =	ssub.s32 s6, s10;
	s10 =	smul.u32 $0x9000, s11  }
0x7c: {  	[sflag:s1] =	ssyncadd.s32 $0xFFFFFFB8;
	s6 =	sand.u32 $0xF7, s6;
	s11 =	sshrl.u32 @!p0 s13, $0xA  }
0x7d: {  	s6 =	sshll.u32 s6, $0x7;
	s11 =	sand.u32 @!p0 $0x3F, s11;
	s10 =	sshrl.u32 s10, $0x2  }
0x7e: {  	s6 =	sor.u32 $0x400, s6;
	s11 =	smul.u32 @!p0 $0x6, s11;
	s10 =	sadd.s32 $0x800, s10  }
0x7f: {  	[tilespmem:s10], [sflag:$0x2] =	stream.indirect.gather [hbm4b:s18+s25], $0x80, s6, s25, $0xb8;
	[tilespmem:$0x1F800] =	vst v63  }
0x80: {  	s6 =	ssub.s32 @!p0 s12, s11  }
0x81: {  	s6 =	sand.u32 @!p0 $0xFF, s6  }
.Ltmp5:
0x82: {  	s6 =	sshll.u32 @!p0 s6, $0x7;
	(pc) =	sbr.rel .LBB2_4-.Ltmp5, $4  }
0x83: {  	s11 =	simm.s32 @!p0 $0x0;
	s10 =	sor.u32 @!p0 $0x400, s6  }
0x84: {  	[tilespmem:s10], [sflag:$0x1] =	stream.linear.gather @!p0 [hbm4b:s22+s11], $0x48, $0x38;
	[tilespmem:$0x1F800] =	vst v63  }
0x85: {  	_ = 	snop  }
0x86: {  	[tilespmem:s6], [sflag:$0x1] =	stream.linear.gather @!p0 [hbm4b:s21+s11], $0x48, $0x38;
	[tilespmem:$0x1F800] =	vst v63  }
.LBB2_6:
0x87: {  	_ =	sfence.sel $0x180000  }
0x88: {  	[bflag:$0x0] =	sbarrier.arrive $0xFFFF  }
0x89: {  	_ =	strace $0x9000004A  }
0x8a: {  	s0 =	stileid.u32;
	[bflag:$0x2] =	sbarrier.arrive $0xFFFF  }
0x8b: {  	p0 =	sne.s32 s0, $0x0;
	s0 =	rddreg [dreg:$0x2]  }
0x8c: {  	s0 =	sadd.s32 @!p0 $0x100000, s0  }
0x8d: {  	[sflag:s0] =	ssyncadd.tile.s32 @!p0 $0x1;
	_ =	shalt  }
.Lfunc_end2:
_tile_overlayer_lowered:
.L_overlay_start_2:
0x8e: {  	(tag) =	ssettag $0x2  }
0x8f: {  	s0 =	rddreg [dreg:$0x0];
	s2 =	stileid.u32  }
0x90: {  	s1 =	rddreg [dreg:$0x1];
	p0 =	sne.s32 s2, $0x0  }
0x91: {  	s3 =	rddreg [dreg:$0x2];
	[bflag:$0x3] =	sbarrier.arrive $0xFFFF;
	s2 =	simm.s32 @!p0 $0x1C05  }
0x92: {  	[timem:s3], [sflag:s2] =	dma.local @!p0 [hbm:s0], s1  }
0x93: {  	s0 =	simm.s32 @!p0 $0x5  }
0x94: {  	_ =	swait.ge @!p0 [sflag:s0], s1  }
0x95: {  	s1 =	ssub.s32 @!p0 $0x0, s1;
	[sflag:s0] =	ssyncset.done @!p0 $0x0  }
0x96: {  	[sflag:s0] =	ssyncadd.s32 @!p0 s1  }
0x97: {  	[bflag:$0x3] =	sbarrier.arrive $0xFFFF  }
0x98: {  	_ =	shalt  }

// kernel: _run.14.cloned.1.call-start
scs
__scs_entry_jumppad:
0x0: {  	(pc) =	sbr.rel $0x88, $3  }
0x1: {  	(tag) =	ssettag $0x0;
	lr =	simm.s32 $0x1  }
0x2: {  	[smem:$0x3F99] =	sst lr;
	_ =	strace $0xD0000000  }
0x3: {  	_ = 	snop  }
0x4: {  	_ = 	snop  }
0x5: {  	_ = 	snop  }
0x6: {  	_ = 	snop  }
0x7: {  	_ = 	snop  }
__scs_overlays_trampoline_lowered:
0x8: {  	[smem:$0x3FA8] =	sst s0  }
0x9: {  	[smem:$0x3FA9] =	sst s1  }
0xa: {  	[smem:$0x3FAA] =	sst s2  }
0xb: {  	[smem:$0x3FAB] =	sst s3  }
0xc: {  	[smem:$0x3FAC] =	sst s4  }
0xd: {  	[smem:$0x3FAD] =	sst s5  }
0xe: {  	[smem:$0x3FAE] =	sst s6  }
0xf: {  	[smem:$0x3FAF] =	sst s7  }
0x10: {  	[smem:$0x3FB0] =	sst s8  }
0x11: {  	[smem:$0x3FB1] =	sst s9;
	s0 =	simm.s32 @!p0 $0x0  }
0x12: {  	s1 =	sld [smem:$0x3F97];
	s0 =	simm.s32 @p0 $0x1  }
0x13: {  	[smem:$0x3FB2] =	sst s0;
	s0 =	simm.s32 @!p1 $0x0  }
0x14: {  	s2 =	sld [smem:$0x3F96];
	s0 =	simm.s32 @p1 $0x1  }
0x15: {  	[smem:$0x3FB3] =	sst s0;
	s0 =	simm.s32 @!p2 $0x0  }
0x16: {  	s3 =	sld [smem:$0x3FDB];
	s0 =	simm.s32 @p2 $0x1  }
0x17: {  	s4 =	simm.s32 $0x1BF5;
	[smem:$0x3FB5] =	sst s0  }
0x18: {  	s0 =	sld [smem:$0x3F98];
	_ =	swait.ge [sflag:s4], $0x0  }
0x19: {  	s7 =	sld [smem:$0x3F99]  }
0x1a: {  	s8 =	sadd.s32 $0xFFFFE003, lr  }
0x1b: {  	s9 =	sadd.s32 $0xFFFFFEF7, lr;
	s5 =	simm.s32 $0xFFFFFFFF;
	p2 =	slt.u32 s8, $0xFFFFF086  }
0x1c: {  	p1 =	slt.u32 s9, $0xF7A;
	s5 =	simm.s32 @!p2 $0x0  }
0x1d: {  	s5 =	simm.s32 @p1 $0x1;
	p0 =	seq.s32 s7, s2  }
0x1e: {  	s7 =	smul.u32 @!p0 $0xF7A, s2;
	p2 =	seq.s32 @!p0 s5, $0x0  }
0x1f: {  	s9 =	smul.u32 $0xF7A, s1;
	s8 =	simm.s32 @!p0 $0x1BF5;
	p2 =	por !p2, p0  }
0x20: {  	[sflag:s8] =	ssyncset.s32 @!p0 $0xFFFFF086;
	s6 =	sadd.s32 @!p0 s3, s7;
	s7 =	simm.s32 @!p0 $0x108  }
0x21: {  	s3 =	sadd.s32 s3, s9;
	s6 =	sadd.s32 @!p0 $0x88, s6;
	s7 =	simm.s32 @p2 $0x1082  }
0x22: {  	[simem:s7], [sflag:s8] =	dma.local @!p0 [hbm:s6], $0xF7A  }
0x23: {  	s9 =	sor.u32 $0xD0000000, s2;
	s6 =	simm.s32 $0x108;
	_ =	swait.ge @!p0 [sflag:s8], $0x0  }
0x24: {  	s3 =	sadd.s32 $0x88, s3;
	s6 =	simm.s32 @!p1 $0x1082;
	[sflag:s4] =	ssyncset.s32 $0xFFFFF086  }
0x25: {  	[simem:s6], [sflag:s4] =	dma.local [hbm:s3], $0xF7A  }
0x26: {  	[smem:$0x3F99] =	sst s1;
	(tag) =	ssettag s2;
	_ =	strace s9  }
0x27: {  	s1 =	sld [smem:$0x3FA9]  }
0x28: {  	s2 =	sld [smem:$0x3FAA]  }
0x29: {  	s4 =	sld [smem:$0x3FAC]  }
0x2a: {  	p0 =	seq.s32 s5, $0x0;
	s5 =	sld [smem:$0x3FAD]  }
0x2b: {  	s6 =	sld [smem:$0x3FAE]  }
0x2c: {  	s7 =	sld [smem:$0x3FAF]  }
0x2d: {  	s3 =	simm.s32 $0x108;
	s8 =	sld [smem:$0x3FB0]  }
0x2e: {  	s3 =	simm.s32 @!p0 $0x1082;
	s9 =	sld [smem:$0x3FB1]  }
0x2f: {  	lr =	sadd.s32 s0, s3;
	s0 =	sld [smem:$0x3FA8]  }
0x30: {  	s3 =	sld [smem:$0x3FAB]  }
0x31: {  	[smem:$0x3FB4] =	sst s10  }
0x32: {  	s10 =	sld [smem:$0x3FB2];
	_ =	sdelay $0x3  }
0x33: {  	p0 =	seq.s32 s10, $0x1;
	s10 =	sld [smem:$0x3FB4];
	_ =	sdelay $0x3  }
0x34: {  	[smem:$0x3FB4] =	sst s10  }
0x35: {  	s10 =	sld [smem:$0x3FB3];
	_ =	sdelay $0x3  }
0x36: {  	p1 =	seq.s32 s10, $0x1;
	s10 =	sld [smem:$0x3FB4];
	_ =	sdelay $0x3  }
0x37: {  	[smem:$0x3FB4] =	sst s10  }
0x38: {  	s10 =	sld [smem:$0x3FB5]  }
0x39: {  	_ = 	snop;
	(pc) =	sbr.ind lr, $3  }
0x3a: {  	_ = 	snop  }
0x3b: {  	_ = 	snop  }
0x3c: {  	p2 =	seq.s32 s10, $0x1;
	s10 =	sld [smem:$0x3FB4]  }
0x3d: {  	_ =	shalt  }
0x3e: {  	_ =	shalt  }
0x3f: {  	_ =	shalt  }
0x40: {  	_ =	shalt  }
0x41: {  	_ =	shalt  }
0x42: {  	_ =	shalt  }
0x43: {  	_ =	shalt  }
0x44: {  	_ =	shalt  }
0x45: {  	_ =	shalt  }
0x46: {  	_ =	shalt  }
0x47: {  	_ =	shalt  }
0x48: {  	_ =	shalt  }
0x49: {  	_ =	shalt  }
0x4a: {  	_ =	shalt  }
0x4b: {  	_ =	shalt  }
0x4c: {  	_ =	shalt  }
0x4d: {  	_ =	shalt  }
0x4e: {  	_ =	shalt  }
0x4f: {  	_ =	shalt  }
0x50: {  	_ =	shalt  }
0x51: {  	_ =	shalt  }
0x52: {  	_ =	shalt  }
0x53: {  	_ =	shalt  }
0x54: {  	_ =	shalt  }
0x55: {  	_ =	shalt  }
0x56: {  	_ =	shalt  }
0x57: {  	_ =	shalt  }
0x58: {  	_ =	shalt  }
0x59: {  	_ =	shalt  }
0x5a: {  	_ =	shalt  }
0x5b: {  	_ =	shalt  }
0x5c: {  	_ =	shalt  }
0x5d: {  	_ =	shalt  }
0x5e: {  	_ =	shalt  }
0x5f: {  	_ =	shalt  }
0x60: {  	_ =	shalt  }
0x61: {  	_ =	shalt  }
0x62: {  	_ =	shalt  }
0x63: {  	_ =	shalt  }
0x64: {  	_ =	shalt  }
0x65: {  	_ =	shalt  }
0x66: {  	_ =	shalt  }
0x67: {  	_ =	shalt  }
0x68: {  	_ =	shalt  }
0x69: {  	_ =	shalt  }
0x6a: {  	_ =	shalt  }
0x6b: {  	_ =	shalt  }
0x6c: {  	_ =	shalt  }
0x6d: {  	_ =	shalt  }
0x6e: {  	_ =	shalt  }
0x6f: {  	_ =	shalt  }
0x70: {  	_ =	shalt  }
0x71: {  	_ =	shalt  }
0x72: {  	_ =	shalt  }
0x73: {  	_ =	shalt  }
0x74: {  	_ =	shalt  }
0x75: {  	_ =	shalt  }
0x76: {  	_ =	shalt  }
0x77: {  	_ =	shalt  }
0x78: {  	_ =	shalt  }
0x79: {  	_ =	shalt  }
0x7a: {  	_ =	shalt  }
0x7b: {  	_ =	shalt  }
0x7c: {  	_ =	shalt  }
0x7d: {  	_ =	shalt  }
0x7e: {  	_ =	shalt  }
0x7f: {  	_ =	shalt  }
0x80: {  	_ =	shalt  }
0x81: {  	_ =	shalt  }
0x82: {  	_ =	shalt  }
0x83: {  	_ =	shalt  }
0x84: {  	_ =	shalt  }
0x85: {  	_ =	shalt  }
0x86: {  	_ =	shalt  }
0x87: {  	_ =	shalt  }
.Lfunc_end0:
.L_simem_size_0:
called_computation.2_lowered:
.L_overlay_start_0:
0x88: {  	s2 =	sld [smem:$0x3FD9]  }
0x89: {  	s3 =	sld [smem:$0x3FFE];
	_ =	sdelay $0x1  }
0x8a: {  	s1 =	srdreg.scid  }
0x8b: {  	s0 =	sand.u32 $0x1, s1  }
0x8c: {  	s16 =	sshll.u32 s0, $0xA;
	s2 =	sadd.s32 s3, s2  }
0x8d: {  	s2 =	sadd.s32 s2, s16  }
0x8e: {  	[smem:$0x3FC0] =	sst s2  }
0x8f: {  	_ = 	snop  }
0x90: {  	(tm) =	ssettm $0x1  }
0x91: {  	s17 =	sld [smem:$0x3FFB];
	_ =	sdelay $0x3  }
0x92: {  	_ =	strace s17  }
0x93: {  	s2 =	sld [smem:$0x3FFC];
	_ =	sdelay $0x3  }
0x94: {  	_ =	strace s2  }
0x95: {  	s2 =	sld [smem:$0x3FFD];
	_ =	sdelay $0x3  }
0x96: {  	_ =	strace s2  }
0x97: {  	_ =	strace $0x8FFFFFFF  }
0x98: {  	s18 =	sld [smem:$0x3FDB];
	_ =	sdelay $0x1  }
0x99: {  	s19 =	simm.s32 $_scs_section_size  }
0x9a: {  	s4 =	simm.s32 $_size__tile_overlayer_lowered;
	s5 =	simm.s32 $_tile_overlayer_lowered  }
0x9b: {  	s22 =	simm.s32 $0x1BFF;
	s21 =	sshll.u32 s5, $0x1;
	s2 =	sadd.s32 s19, s18  }
0x9c: {  	s6 =	simm.s32 $0x0;
	s20 =	sshll.u32 s4, $0x1;
	s4 =	sadd.s32 s21, s2  }
0x9d: {  	[timem:s6], [sflag:s22] =	dma.local [hbm:s4], s20  }
0x9e: {  	_ =	swait.ge [sflag:s22], s20  }
0x9f: {  	s3 =	ssub.s32 $0x0, s20;
	[sflag:s22] =	ssyncset.done $0x0  }
0xa0: {  	[sflag:s22] =	ssyncadd.s32 s3;
	_ =	sdelay $0x1  }
0xa1: {  	s23 =	simm.s32 $0x1B8B  }
0xa2: {  	_ =	swait.ge [sflag:s23], $0x1  }
0xa3: {  	[sflag:s23] =	ssyncset.done $0x0  }
0xa4: {  	s25 =	simm.s32 $0x1B8E;
	s24 =	sld [smem:$0x3FFE];
	[sflag:s23] =	ssyncadd.s32 $0xFFFFFFFF  }
0xa5: {  	s26 =	simm.s32 $execute0_lowered;
	[smem:$0x3FD2] =	sst s25  }
0xa6: {  	s4 =	sshll.u32 s26, $0x1;
	_ =	strace $0x8000004C;
	[dreg:$0x1] =	wrdreg $0xFFFFFFFF  }
0xa7: {  	s28 =	simm.s32 $_size_execute0_lowered;
	s2 =	sadd.s32 s2, s4;
	[dreg:$0x0] =	wrdreg $0x0  }
0xa8: {  	s4 =	sshll.u32 s28, $0x1;
	[dreg:$0x2] =	wrdreg s2  }
0xa9: {  	[dreg:$0x3] =	wrdreg s4  }
0xaa: {  	[dreg:$0x4] =	wrdreg $0xC0  }
0xab: {  	_ =	task [dreg:s6], $0x5FFFF  }
0xac: {  	[dreg:$0x1] =	wrdreg $0xFFFFFFFF  }
0xad: {  	[dreg:$0x0] =	wrdreg $0x60  }
0xae: {  	[dreg:$0x2] =	wrdreg s24  }
0xaf: {  	[dreg:$0x3] =	wrdreg $0xBC000  }
0xb0: {  	[dreg:$0x4] =	wrdreg $0x9  }
0xb1: {  	_ =	task.clear_ibuf [dreg:s6], $0x5FFFF;
	_ =	strace $0x9000004C  }
0xb2: {  	s29 =	simm.s32 $0x9;
	_ =	strace $0x8000004E  }
0xb3: {  	_ =	swait.ge [sflag:s29], $0x1  }
0xb4: {  	[sflag:s29] =	ssyncadd.s32 $0xFFFFFFFF  }
0xb5: {  	_ =	strace $0x9000004E  }
0xb6: {  	_ =	sfence  }
0xb7: {  	s30 =	sld [smem:$0x0];
	_ =	sdelay $0x2  }
0xb8: {  	s31 =	sshll.u32 s1, $0xD;
	s1 =	sshrl.u32 s1, $0x2  }
0xb9: {  	s3 =	sand.u32 $0x4000, s31;
	s1 =	sadd.s32 s1, s30  }
0xba: {  	s0 =	sor.u32 s3, s0;
	s1 =	sshll.u32 s1, $0x11  }
0xbb: {  	s0 =	sor.u32 s1, s0  }
0xbc: {  	s0 =	sadd.s32 $0x8F2B, s0  }
0xbd: {  	[sflag:s0] =	ssyncadd.remote.s32 $0x1  }
0xbe: {  	_ =	sfence.sel $0xFFFF  }
0xbf: {  	[dreg:$0x0] =	wrdreg $0xFFFFFFFF;
	(pc) =	sbr.abs _section_cstart, $3  }
0xc0: {  	[dreg:$0x1] =	wrdreg $0xFFFFFFFF  }
0xc1: {  	_ =	task.clear_ibuf [dreg:s6], $0x2FFFF;
	_ =	strace $0x9FFFFFFF  }
0xc2: {  	(tm) =	ssettm $0x7FFFFFFF  }
0xc3: {  	_ =	shalt  }
tec
execute0_lowered:
.L_overlay_start_1:
0x0: {  	(tag) =	ssettag $0x1  }
0x1: {  	s0 =	rddreg [dreg:$0x0];
	s1 =	srdreg.scid  }
0x2: {  	s2 =	rddreg [dreg:$0x1];
	s12 =	stileid.u32;
	s3 =	simm.s32 $0x0  }
0x3: {  	s29 =	simm.s32 $0x580;
	s28 =	simm.s32 $0x4;
	s30 =	simm.s32 $0x2  }
0x4: {  	s31 =	simm.s32 $0x3;
	s1 =	sand.u32 $0x1, s1;
	s5 =	smul.u32 $0x278, s12  }
0x5: {  	[smem:$0x7FF] =	sst s3;
	s7 =	sadd.s32 $0x2FE00, s0;
	s6 =	smul.u32 $0x4F000, s12  }
0x6: {  	s26 =	sadd.s32 $0x7FE00, s0;
	s8 =	sadd.s32 $0x2AE00, s0;
	s13 =	smul.u32 $0x2718, s12  }
0x7: {  	s16 =	sshll.u32 s12, $0x6;
	s4 =	smul.u32 $0x2800, s1;
	_ =	strace $0x8000004D  }
0x8: {  	s9 =	ssub.s32 $0x2, s1;
	[dreg:$0x5] =	wrdreg s16;
	s1 =	smul.u32 $0x28000, s1  }
0x9: {  	s10 =	sshrl.u32 s9, $0x1;
	s6 =	sshrl.u32 s6, $0x2;
	s17 =	sshrl.u32 s13, $0x3  }
0xa: {  	s18 =	sadd.s32 $0x48, s13;
	s15 =	sadd.s32 $0xD8, s13;
	s4 =	sadd.s32 s5, s4  }
0xb: {  	s9 =	ssub.s32 s9, s10;
	s6 =	sadd.s32 s6, s2;
	s19 =	sadd.s32 s26, s17  }
0xc: {  	s11 =	sshrl.u32 s18, $0x3;
	s20 =	sadd.s32 s8, s17;
	s14 =	sadd.s32 $0x12, s17  }
0xd: {  	s15 =	sshrl.u32 s15, $0x3;
	s18 =	sadd.s32 s7, s1;
	[dreg:$0x3] =	wrdreg s6  }
0xe: {  	s1 =	simm.s32 $0x1;
	s4 =	sshll.u32 s4, $0x4;
	[dreg:$0x7] =	wrdreg s19  }
0xf: {  	s6 =	sor.u32 $0x1C04, s16;
	[dreg:$0x8] =	wrdreg s20;
	s21 =	sadd.s32 s26, s11  }
0x10: {  	s22 =	sadd.s32 s8, s11;
	s23 =	sadd.s32 s26, s14;
	[dreg:$0x6] =	wrdreg s6  }
0x11: {  	s24 =	sadd.s32 s8, s14;
	s14 =	sadd.s32 s26, s15;
	[dreg:$0x9] =	wrdreg s21  }
0x12: {  	s15 =	sadd.s32 s8, s15;
	s20 =	smax.u32 s9, $0x1;
	[dreg:$0xa] =	wrdreg s22  }
0x13: {  	s0 =	sadd.s32 s4, s0;
	s4 =	sadd.s32 s7, s4;
	[dreg:$0xb] =	wrdreg s23  }
0x14: {  	[dreg:$0xc] =	wrdreg s24;
	s21 =	smul.u32 $0x4E3, s12;
	s23 =	simm.s32 $0x400  }
.Ltmp0:
0x15: {  	s24 =	simm.s32 $0x480;
	[dreg:$0x4] =	wrdreg s4;
	(pc) =	sbr.rel .LBB2_1-.Ltmp0, $4  }
0x16: {  	s4 =	sadd.s32 $0x24, s17;
	s19 =	sadd.s32 $0x84E00, s0;
	s0 =	simm.s32 $0x5  }
0x17: {  	s16 =	sadd.s32 s26, s4;
	s17 =	sadd.s32 s8, s4;
	s25 =	sadd.s32 s21, s8  }
0x18: {  	s26 =	sadd.s32 s21, s26;
	s4 =	simm.s32 $0x0;
	s8 =	sadd.s32 $0x2D, s25  }
0x19: {  	s7 =	sadd.s32 $0x2D, s26;
	s26 =	simm.s32 $0x500;
	s25 =	simm.s32 $0x48  }
.LBB2_5:
0x1a: {  	_ =	swait.ge [sflag:s31], $0x2400  }
0x1b: {  	[sflag:s31] =	ssyncset.done $0x0  }
0x1c: {  	[sflag:s31] =	ssyncadd.s32 $0xFFFFDC00  }
0x1d: {  	s4 =	sadd.s32 $0x1, s4;
	[bflag:$0x0] =	sbarrier.arrive $0xFFFF  }
0x1e: {  	p0 =	sne.s32 s4, s20;
	s6 =	rddreg [dreg:$0x5]  }
.Ltmp1:
0x1f: {  	s6 =	sor.u32 $0x1C05, s6;
	(pc) =	sbr.rel @!p0 .LBB2_6-.Ltmp1, $4  }
0x20: {  	[hbm:s19], [sflag:s6] =	dma.local [spmem:s5], $0x2780  }
0x21: {  	_ =	swait.ge [sflag:s0], $0x2780  }
0x22: {  	[sflag:s0] =	ssyncset.done $0x0  }
0x23: {  	[sflag:s0] =	ssyncadd.s32 $0xFFFFD880  }
.LBB2_1:
0x24: {  	s5 =	rddreg [dreg:$0x3]  }
0x25: {  	s6 =	rddreg [dreg:$0x4]  }
0x26: {  	s9 =	rddreg [dreg:$0x6];
	s5 =	sshrl.u32 s5, $0x3  }
0x27: {  	[spmem:s5], [sflag:s9] =	dma.local [hbm:s6], $0x2780  }
0x28: {  	s6 =	rddreg [dreg:$0x7]  }
0x29: {  	[tilespmem:s23], [sflag:$0x1] =	stream.linear.gather [hbm4b:s6+s3], $0x48, $0x38;
	[tilespmem:$0x1F800] =	vst v63  }
0x2a: {  	s9 =	rddreg [dreg:$0x8]  }
0x2b: {  	[tilespmem:s3], [sflag:$0x1] =	stream.linear.gather [hbm4b:s9+s3], $0x48, $0x38;
	[tilespmem:$0x1F800] =	vst v63  }
0x2c: {  	s10 =	rddreg [dreg:$0x9]  }
0x2d: {  	[tilespmem:s24], [sflag:$0x1] =	stream.linear.gather [hbm4b:s10+s3], $0x48, $0x38;
	[tilespmem:$0x1F800] =	vst v63  }
0x2e: {  	s12 =	simm.s32 $0x80;
	s11 =	rddreg [dreg:$0xa]  }
0x2f: {  	[tilespmem:s12], [sflag:$0x1] =	stream.linear.gather [hbm4b:s11+s3], $0x48, $0x38;
	[tilespmem:$0x1F800] =	vst v63  }
0x30: {  	s13 =	rddreg [dreg:$0xb]  }
0x31: {  	[tilespmem:s26], [sflag:$0x1] =	stream.linear.gather [hbm4b:s13+s3], $0x48, $0x38;
	[tilespmem:$0x1F800] =	vst v63  }
0x32: {  	s22 =	simm.s32 $0x100;
	s21 =	rddreg [dreg:$0xc]  }
0x33: {  	[tilespmem:s22], [sflag:$0x1] =	stream.linear.gather [hbm4b:s21+s3], $0x48, $0x38;
	[tilespmem:$0x1F800] =	vst v63  }
0x34: {  	_ = 	snop  }
0x35: {  	[tilespmem:s29], [sflag:$0x1] =	stream.linear.gather [hbm4b:s14+s3], $0x48, $0x38;
	[tilespmem:$0x1F800] =	vst v63  }
0x36: {  	s9 =	simm.s32 $0x180  }
0x37: {  	[tilespmem:s9], [sflag:$0x1] =	stream.linear.gather [hbm4b:s15+s3], $0x48, $0x38;
	[tilespmem:$0x1F800] =	vst v63  }
0x38: {  	s10 =	simm.s32 $0x600  }
0x39: {  	[tilespmem:s10], [sflag:$0x1] =	stream.linear.gather [hbm4b:s16+s3], $0x48, $0x38;
	[tilespmem:$0x1F800] =	vst v63  }
0x3a: {  	s11 =	simm.s32 $0x200  }
0x3b: {  	[tilespmem:s11], [sflag:$0x1] =	stream.linear.gather [hbm4b:s17+s3], $0x48, $0x38;
	[tilespmem:$0x1F800] =	vst v63  }
0x3c: {  	_ =	swait.ge [sflag:s1], $0x48  }
0x3d: {  	[sflag:s1] =	ssyncset.done $0x0  }
0x3e: {  	[sflag:s1] =	ssyncadd.s32 $0xFFFFFFB8  }
0x3f: {  	_ =	swait.ge [sflag:s1], $0x48  }
0x40: {  	[sflag:s1] =	ssyncset.done $0x0  }
0x41: {  	s12 =	simm.s32 $0x800;
	[sflag:s1] =	ssyncadd.s32 $0xFFFFFFB8  }
0x42: {  	[tilespmem:s12], [sflag:$0x2] =	stream.indirect.gather [hbm4b:s18+s25], $0x80, s23, s25, $0xb8;
	[tilespmem:$0x1F800] =	vst v63  }
0x43: {  	_ =	swait.ge [sflag:s1], $0x48  }
0x44: {  	[sflag:s1] =	ssyncset.done $0x0  }
0x45: {  	[sflag:s1] =	ssyncadd.s32 $0xFFFFFFB8  }
0x46: {  	_ =	swait.ge [sflag:s1], $0x48  }
0x47: {  	[sflag:s1] =	ssyncset.done $0x0  }
0x48: {  	s13 =	simm.s32 $0x2C00;
	[sflag:s1] =	ssyncadd.s32 $0xFFFFFFB8  }
0x49: {  	[tilespmem:s13], [sflag:$0x2] =	stream.indirect.gather [hbm4b:s18+s25], $0x80, s24, s25, $0xb8;
	[tilespmem:$0x1F800] =	vst v63  }
0x4a: {  	_ =	swait.ge [sflag:s1], $0x48  }
0x4b: {  	[sflag:s1] =	ssyncset.done $0x0  }
0x4c: {  	[sflag:s1] =	ssyncadd.s32 $0xFFFFFFB8  }
0x4d: {  	_ =	swait.ge [sflag:s1], $0x48  }
0x4e: {  	[sflag:s1] =	ssyncset.done $0x0  }
0x4f: {  	s21 =	simm.s32 $0x5000;
	[sflag:s1] =	ssyncadd.s32 $0xFFFFFFB8  }
0x50: {  	[tilespmem:s21], [sflag:$0x2] =	stream.indirect.gather [hbm4b:s18+s25], $0x80, s26, s25, $0xb8;
	[tilespmem:$0x1F800] =	vst v63  }
0x51: {  	_ =	swait.ge [sflag:s1], $0x48  }
0x52: {  	[sflag:s1] =	ssyncset.done $0x0  }
0x53: {  	[sflag:s1] =	ssyncadd.s32 $0xFFFFFFB8  }
0x54: {  	_ =	swait.ge [sflag:s1], $0x48  }
0x55: {  	[sflag:s1] =	ssyncset.done $0x0  }
0x56: {  	s22 =	simm.s32 $0x7400;
	[sflag:s1] =	ssyncadd.s32 $0xFFFFFFB8  }
0x57: {  	[tilespmem:s22], [sflag:$0x2] =	stream.indirect.gather [hbm4b:s18+s25], $0x80, s29, s25, $0xb8;
	[tilespmem:$0x1F800] =	vst v63  }
.Ltmp2:
0x58: {  	_ =	swait.ge [sflag:s28], $0x2780;
	(pc) =	sbr.rel .LBB2_2-.Ltmp2, $4  }
0x59: {  	[sflag:s28] =	ssyncset.done $0x0  }
0x5a: {  	[sflag:s28] =	ssyncadd.s32 $0xFFFFD880  }
0x5b: {  	[bflag:$0x0] =	sbarrier.arrive $0xFFFF  }
0x5c: {  	s9 =	simm.s32 $0x0;
	s21 =	smov.u32 s8;
	s22 =	smov.u32 s7  }
.LBB2_4:
0x5d: {  	s9 =	sadd.s32 $0x1, s9  }
0x5e: {  	p0 =	sne.s32 s9, $0x8B  }
.Ltmp3:
0x5f: {  	_ = 	snop;
	(pc) =	sbr.rel @!p0 .LBB2_5-.Ltmp3, $2  }
0x60: {  	_ =	sdelay $0x2  }
0x61: {  	s21 =	sadd.s32 $0x9, s21;
	s22 =	sadd.s32 $0x9, s22  }
.LBB2_2:
0x62: {  	s6 =	smul.u32 $0xCD, s9;
	_ =	sdelay $0x1  }
0x63: {  	s6 =	sshrl.u32 s6, $0xA  }
0x64: {  	s10 =	smul.u32 $0xAB, s9;
	s6 =	sand.u32 $0x3F, s6  }
0x65: {  	s6 =	smul.u32 $0x5, s6  }
0x66: {  	s10 =	sshrl.u32 s10, $0xA  }
0x67: {  	s10 =	sand.u32 $0x3F, s10;
	s6 =	ssub.s32 s9, s6  }
0x68: {  	s10 =	smul.u32 $0x6, s10;
	s6 =	sand.u32 $0xFF, s6  }
0x69: {  	_ =	swait.ge [sflag:s30], $0x2400;
	p0 =	seq.s32 s9, $0x0;
	s6 =	smul.u32 $0x9000, s6  }
0x6a: {  	[sflag:s30] =	ssyncset.done $0x0;
	p1 =	sgt.u32 @!p0 s9, $0x86;
	s10 =	ssub.s32 s9, s10  }
0x6b: {  	[sflag:s30] =	ssyncadd.s32 $0xFFFFDC00;
	s10 =	sand.u32 $0xFF, s10;
	s6 =	sshrl.u32 s6, $0x2  }
0x6c: {  	p1 =	por p0, !p1;
	s10 =	sshll.u32 s10, $0x7;
	s6 =	sadd.s32 $0x800, s6  }
0x6d: {  	[spmem:s2] =	stream.indirect.scatter.add.f32 [tilespmem:s6], [sflag:$0x3], $0x80, s10, s25, $0xb8;
	[tilespmem:$0x1F800] =	vst v63  }
.Ltmp4:
0x6e: {  	_ = 	snop;
	(pc) =	sbr.rel @!p1 .LBB2_4-.Ltmp4, $4  }
0x6f: {  	s6 =	simm.s32 @!p0 $0x3  }
0x70: {  	_ =	swait.ge @!p0 [sflag:s6], $0x2400  }
0x71: {  	[sflag:s6] =	ssyncset.done @!p0 $0x0  }
0x72: {  	[sflag:s6] =	ssyncadd.s32 @!p0 $0xFFFFDC00  }
0x73: {  	s6 =	sadd.s32 $0x4, s9  }
0x74: {  	s10 =	sand.u32 $0xFF, s6  }
0x75: {  	s11 =	smul.u32 $0xCD, s10;
	_ =	sdelay $0x1  }
0x76: {  	s10 =	smul.u32 $0xAB, s10;
	s11 =	sshrl.u32 s11, $0xA  }
0x77: {  	_ =	swait.ge [sflag:s1], $0x48;
	p0 =	sgt.u32 s9, $0x85;
	s11 =	smul.u32 $0x5, s11  }
0x78: {  	[sflag:s1] =	ssyncset.done $0x0;
	s12 =	sadd.s32 @!p0 $0x5, s9;
	s10 =	sshrl.u32 s10, $0xA  }
0x79: {  	[sflag:s1] =	ssyncadd.s32 $0xFFFFFFB8;
	s10 =	smul.u32 $0x6, s10;
	s11 =	ssub.s32 s6, s11  }
0x7a: {  	s13 =	smul.u32 @!p0 $0xAB, s12;
	_ =	swait.ge [sflag:s1], $0x48;
	s11 =	sand.u32 $0xFF, s11  }
0x7b: {  	[sflag:s1] =	ssyncset.done $0x0;
	s6 =	ssub.s32 s6, s10;
	s10 =	smul.u32 $0x9000, s11  }
0x7c: {  	[sflag:s1] =	ssyncadd.s32 $0xFFFFFFB8;
	s6 =	sand.u32 $0xF7, s6;
	s11 =	sshrl.u32 @!p0 s13, $0xA  }
0x7d: {  	s6 =	sshll.u32 s6, $0x7;
	s11 =	sand.u32 @!p0 $0x3F, s11;
	s10 =	sshrl.u32 s10, $0x2  }
0x7e: {  	s6 =	sor.u32 $0x400, s6;
	s11 =	smul.u32 @!p0 $0x6, s11;
	s10 =	sadd.s32 $0x800, s10  }
0x7f: {  	[tilespmem:s10], [sflag:$0x2] =	stream.indirect.gather [hbm4b:s18+s25], $0x80, s6, s25, $0xb8;
	[tilespmem:$0x1F800] =	vst v63  }
0x80: {  	s6 =	ssub.s32 @!p0 s12, s11  }
0x81: {  	s6 =	sand.u32 @!p0 $0xFF, s6  }
.Ltmp5:
0x82: {  	s6 =	sshll.u32 @!p0 s6, $0x7;
	(pc) =	sbr.rel .LBB2_4-.Ltmp5, $4  }
0x83: {  	s11 =	simm.s32 @!p0 $0x0;
	s10 =	sor.u32 @!p0 $0x400, s6  }
0x84: {  	[tilespmem:s10], [sflag:$0x1] =	stream.linear.gather @!p0 [hbm4b:s22+s11], $0x48, $0x38;
	[tilespmem:$0x1F800] =	vst v63  }
0x85: {  	_ = 	snop  }
0x86: {  	[tilespmem:s6], [sflag:$0x1] =	stream.linear.gather @!p0 [hbm4b:s21+s11], $0x48, $0x38;
	[tilespmem:$0x1F800] =	vst v63  }
.LBB2_6:
0x87: {  	_ =	sfence.sel $0x180000  }
0x88: {  	[bflag:$0x0] =	sbarrier.arrive $0xFFFF  }
0x89: {  	_ =	strace $0x9000004D  }
0x8a: {  	s0 =	stileid.u32;
	[bflag:$0x2] =	sbarrier.arrive $0xFFFF  }
0x8b: {  	p0 =	sne.s32 s0, $0x0;
	s0 =	rddreg [dreg:$0x2]  }
0x8c: {  	s0 =	sadd.s32 @!p0 $0x100000, s0  }
0x8d: {  	[sflag:s0] =	ssyncadd.tile.s32 @!p0 $0x1;
	_ =	shalt  }
.Lfunc_end2:
_tile_overlayer_lowered:
.L_overlay_start_2:
0x8e: {  	(tag) =	ssettag $0x2  }
0x8f: {  	s0 =	rddreg [dreg:$0x0];
	s2 =	stileid.u32  }
0x90: {  	s1 =	rddreg [dreg:$0x1];
	p0 =	sne.s32 s2, $0x0  }
0x91: {  	s3 =	rddreg [dreg:$0x2];
	[bflag:$0x3] =	sbarrier.arrive $0xFFFF;
	s2 =	simm.s32 @!p0 $0x1C05  }
0x92: {  	[timem:s3], [sflag:s2] =	dma.local @!p0 [hbm:s0], s1  }
0x93: {  	s0 =	simm.s32 @!p0 $0x5  }
0x94: {  	_ =	swait.ge @!p0 [sflag:s0], s1  }
0x95: {  	s1 =	ssub.s32 @!p0 $0x0, s1;
	[sflag:s0] =	ssyncset.done @!p0 $0x0  }
0x96: {  	[sflag:s0] =	ssyncadd.s32 @!p0 s1  }
0x97: {  	[bflag:$0x3] =	sbarrier.arrive $0xFFFF  }
0x98: {  	_ =	shalt  }

// kernel: _run.8.cloned.1.call-start
scs
__scs_entry_jumppad:
0x0: {  	(pc) =	sbr.rel $0x88, $3  }
0x1: {  	(tag) =	ssettag $0x0;
	lr =	simm.s32 $0x1  }
0x2: {  	[smem:$0x3F99] =	sst lr;
	_ =	strace $0xD0000000  }
0x3: {  	_ = 	snop  }
0x4: {  	_ = 	snop  }
0x5: {  	_ = 	snop  }
0x6: {  	_ = 	snop  }
0x7: {  	_ = 	snop  }
__scs_overlays_trampoline_lowered:
0x8: {  	[smem:$0x3FA8] =	sst s0  }
0x9: {  	[smem:$0x3FA9] =	sst s1  }
0xa: {  	[smem:$0x3FAA] =	sst s2  }
0xb: {  	[smem:$0x3FAB] =	sst s3  }
0xc: {  	[smem:$0x3FAC] =	sst s4  }
0xd: {  	[smem:$0x3FAD] =	sst s5  }
0xe: {  	[smem:$0x3FAE] =	sst s6  }
0xf: {  	[smem:$0x3FAF] =	sst s7  }
0x10: {  	[smem:$0x3FB0] =	sst s8  }
0x11: {  	[smem:$0x3FB1] =	sst s9;
	s0 =	simm.s32 @!p0 $0x0  }
0x12: {  	s1 =	sld [smem:$0x3F97];
	s0 =	simm.s32 @p0 $0x1  }
0x13: {  	[smem:$0x3FB2] =	sst s0;
	s0 =	simm.s32 @!p1 $0x0  }
0x14: {  	s2 =	sld [smem:$0x3F96];
	s0 =	simm.s32 @p1 $0x1  }
0x15: {  	[smem:$0x3FB3] =	sst s0;
	s0 =	simm.s32 @!p2 $0x0  }
0x16: {  	s3 =	sld [smem:$0x3FDB];
	s0 =	simm.s32 @p2 $0x1  }
0x17: {  	s4 =	simm.s32 $0x1BF5;
	[smem:$0x3FB5] =	sst s0  }
0x18: {  	s0 =	sld [smem:$0x3F98];
	_ =	swait.ge [sflag:s4], $0x0  }
0x19: {  	s7 =	sld [smem:$0x3F99]  }
0x1a: {  	s8 =	sadd.s32 $0xFFFFE003, lr  }
0x1b: {  	s9 =	sadd.s32 $0xFFFFFEF7, lr;
	s5 =	simm.s32 $0xFFFFFFFF;
	p2 =	slt.u32 s8, $0xFFFFF086  }
0x1c: {  	p1 =	slt.u32 s9, $0xF7A;
	s5 =	simm.s32 @!p2 $0x0  }
0x1d: {  	s5 =	simm.s32 @p1 $0x1;
	p0 =	seq.s32 s7, s2  }
0x1e: {  	s7 =	smul.u32 @!p0 $0xF7A, s2;
	p2 =	seq.s32 @!p0 s5, $0x0  }
0x1f: {  	s9 =	smul.u32 $0xF7A, s1;
	s8 =	simm.s32 @!p0 $0x1BF5;
	p2 =	por !p2, p0  }
0x20: {  	[sflag:s8] =	ssyncset.s32 @!p0 $0xFFFFF086;
	s6 =	sadd.s32 @!p0 s3, s7;
	s7 =	simm.s32 @!p0 $0x108  }
0x21: {  	s3 =	sadd.s32 s3, s9;
	s6 =	sadd.s32 @!p0 $0x88, s6;
	s7 =	simm.s32 @p2 $0x1082  }
0x22: {  	[simem:s7], [sflag:s8] =	dma.local @!p0 [hbm:s6], $0xF7A  }
0x23: {  	s9 =	sor.u32 $0xD0000000, s2;
	s6 =	simm.s32 $0x108;
	_ =	swait.ge @!p0 [sflag:s8], $0x0  }
0x24: {  	s3 =	sadd.s32 $0x88, s3;
	s6 =	simm.s32 @!p1 $0x1082;
	[sflag:s4] =	ssyncset.s32 $0xFFFFF086  }
0x25: {  	[simem:s6], [sflag:s4] =	dma.local [hbm:s3], $0xF7A  }
0x26: {  	[smem:$0x3F99] =	sst s1;
	(tag) =	ssettag s2;
	_ =	strace s9  }
0x27: {  	s1 =	sld [smem:$0x3FA9]  }
0x28: {  	s2 =	sld [smem:$0x3FAA]  }
0x29: {  	s4 =	sld [smem:$0x3FAC]  }
0x2a: {  	p0 =	seq.s32 s5, $0x0;
	s5 =	sld [smem:$0x3FAD]  }
0x2b: {  	s6 =	sld [smem:$0x3FAE]  }
0x2c: {  	s7 =	sld [smem:$0x3FAF]  }
0x2d: {  	s3 =	simm.s32 $0x108;
	s8 =	sld [smem:$0x3FB0]  }
0x2e: {  	s3 =	simm.s32 @!p0 $0x1082;
	s9 =	sld [smem:$0x3FB1]  }
0x2f: {  	lr =	sadd.s32 s0, s3;
	s0 =	sld [smem:$0x3FA8]  }
0x30: {  	s3 =	sld [smem:$0x3FAB]  }
0x31: {  	[smem:$0x3FB4] =	sst s10  }
0x32: {  	s10 =	sld [smem:$0x3FB2];
	_ =	sdelay $0x3  }
0x33: {  	p0 =	seq.s32 s10, $0x1;
	s10 =	sld [smem:$0x3FB4];
	_ =	sdelay $0x3  }
0x34: {  	[smem:$0x3FB4] =	sst s10  }
0x35: {  	s10 =	sld [smem:$0x3FB3];
	_ =	sdelay $0x3  }
0x36: {  	p1 =	seq.s32 s10, $0x1;
	s10 =	sld [smem:$0x3FB4];
	_ =	sdelay $0x3  }
0x37: {  	[smem:$0x3FB4] =	sst s10  }
0x38: {  	s10 =	sld [smem:$0x3FB5]  }
0x39: {  	_ = 	snop;
	(pc) =	sbr.ind lr, $3  }
0x3a: {  	_ = 	snop  }
0x3b: {  	_ = 	snop  }
0x3c: {  	p2 =	seq.s32 s10, $0x1;
	s10 =	sld [smem:$0x3FB4]  }
0x3d: {  	_ =	shalt  }
0x3e: {  	_ =	shalt  }
0x3f: {  	_ =	shalt  }
0x40: {  	_ =	shalt  }
0x41: {  	_ =	shalt  }
0x42: {  	_ =	shalt  }
0x43: {  	_ =	shalt  }
0x44: {  	_ =	shalt  }
0x45: {  	_ =	shalt  }
0x46: {  	_ =	shalt  }
0x47: {  	_ =	shalt  }
0x48: {  	_ =	shalt  }
0x49: {  	_ =	shalt  }
0x4a: {  	_ =	shalt  }
0x4b: {  	_ =	shalt  }
0x4c: {  	_ =	shalt  }
0x4d: {  	_ =	shalt  }
0x4e: {  	_ =	shalt  }
0x4f: {  	_ =	shalt  }
0x50: {  	_ =	shalt  }
0x51: {  	_ =	shalt  }
0x52: {  	_ =	shalt  }
0x53: {  	_ =	shalt  }
0x54: {  	_ =	shalt  }
0x55: {  	_ =	shalt  }
0x56: {  	_ =	shalt  }
0x57: {  	_ =	shalt  }
0x58: {  	_ =	shalt  }
0x59: {  	_ =	shalt  }
0x5a: {  	_ =	shalt  }
0x5b: {  	_ =	shalt  }
0x5c: {  	_ =	shalt  }
0x5d: {  	_ =	shalt  }
0x5e: {  	_ =	shalt  }
0x5f: {  	_ =	shalt  }
0x60: {  	_ =	shalt  }
0x61: {  	_ =	shalt  }
0x62: {  	_ =	shalt  }
0x63: {  	_ =	shalt  }
0x64: {  	_ =	shalt  }
0x65: {  	_ =	shalt  }
0x66: {  	_ =	shalt  }
0x67: {  	_ =	shalt  }
0x68: {  	_ =	shalt  }
0x69: {  	_ =	shalt  }
0x6a: {  	_ =	shalt  }
0x6b: {  	_ =	shalt  }
0x6c: {  	_ =	shalt  }
0x6d: {  	_ =	shalt  }
0x6e: {  	_ =	shalt  }
0x6f: {  	_ =	shalt  }
0x70: {  	_ =	shalt  }
0x71: {  	_ =	shalt  }
0x72: {  	_ =	shalt  }
0x73: {  	_ =	shalt  }
0x74: {  	_ =	shalt  }
0x75: {  	_ =	shalt  }
0x76: {  	_ =	shalt  }
0x77: {  	_ =	shalt  }
0x78: {  	_ =	shalt  }
0x79: {  	_ =	shalt  }
0x7a: {  	_ =	shalt  }
0x7b: {  	_ =	shalt  }
0x7c: {  	_ =	shalt  }
0x7d: {  	_ =	shalt  }
0x7e: {  	_ =	shalt  }
0x7f: {  	_ =	shalt  }
0x80: {  	_ =	shalt  }
0x81: {  	_ =	shalt  }
0x82: {  	_ =	shalt  }
0x83: {  	_ =	shalt  }
0x84: {  	_ =	shalt  }
0x85: {  	_ =	shalt  }
0x86: {  	_ =	shalt  }
0x87: {  	_ =	shalt  }
.Lfunc_end0:
.L_simem_size_0:
called_computation_lowered:
.L_overlay_start_0:
0x88: {  	s2 =	sld [smem:$0x3FD9]  }
0x89: {  	s3 =	sld [smem:$0x3FFE];
	_ =	sdelay $0x1  }
0x8a: {  	s1 =	srdreg.scid  }
0x8b: {  	s0 =	sand.u32 $0x1, s1  }
0x8c: {  	s17 =	sshll.u32 s0, $0xA;
	s2 =	sadd.s32 s3, s2  }
0x8d: {  	s2 =	sadd.s32 s2, s17  }
0x8e: {  	[smem:$0x3FC0] =	sst s2  }
0x8f: {  	_ = 	snop  }
0x90: {  	s2 =	sld [smem:$0x3FD0];
	(tm) =	ssettm $0x1  }
0x91: {  	s18 =	sld [smem:$0x3FFB];
	_ =	sdelay $0x3  }
0x92: {  	_ =	strace s18  }
0x93: {  	s3 =	sld [smem:$0x3FFC];
	_ =	sdelay $0x3  }
0x94: {  	_ =	strace s3  }
0x95: {  	s3 =	sld [smem:$0x3FFD];
	_ =	sdelay $0x3  }
0x96: {  	_ =	strace s3  }
0x97: {  	_ =	strace $0x8FFFFFFF  }
0x98: {  	s19 =	sld [smem:$0x3FDB];
	_ =	sdelay $0x1  }
0x99: {  	s4 =	simm.s32 $_scs_section_size  }
0x9a: {  	s5 =	simm.s32 $_size__tile_overlayer_lowered;
	s6 =	simm.s32 $_tile_overlayer_lowered  }
0x9b: {  	s22 =	simm.s32 $0x1BFF;
	s21 =	sshll.u32 s6, $0x1;
	s3 =	sadd.s32 s4, s19  }
0x9c: {  	s7 =	simm.s32 $0x0;
	s20 =	sshll.u32 s5, $0x1;
	s5 =	sadd.s32 s21, s3  }
0x9d: {  	[timem:s7], [sflag:s22] =	dma.local [hbm:s5], s20  }
0x9e: {  	_ =	swait.ge [sflag:s22], s20  }
0x9f: {  	s4 =	ssub.s32 $0x0, s20;
	[sflag:s22] =	ssyncset.done $0x0  }
0xa0: {  	[sflag:s22] =	ssyncadd.s32 s4;
	_ =	sdelay $0x1  }
0xa1: {  	s23 =	simm.s32 $0x1B8B  }
0xa2: {  	_ =	swait.ge [sflag:s23], $0x1  }
0xa3: {  	[sflag:s23] =	ssyncset.done $0x0  }
0xa4: {  	s25 =	simm.s32 $0x1B8E;
	s24 =	sld [smem:$0x3FFE];
	[sflag:s23] =	ssyncadd.s32 $0xFFFFFFFF  }
0xa5: {  	s26 =	simm.s32 $execute0_lowered;
	[smem:$0x3FD2] =	sst s25  }
0xa6: {  	s5 =	sshll.u32 s26, $0x1;
	_ =	strace $0x80000046;
	[dreg:$0x1] =	wrdreg $0xFFFFFFFF  }
0xa7: {  	s28 =	simm.s32 $_size_execute0_lowered;
	s3 =	sadd.s32 s3, s5;
	[dreg:$0x0] =	wrdreg $0x0  }
0xa8: {  	s5 =	sshll.u32 s28, $0x1;
	[dreg:$0x2] =	wrdreg s3  }
0xa9: {  	[dreg:$0x3] =	wrdreg s5  }
0xaa: {  	[dreg:$0x4] =	wrdreg $0xC0  }
0xab: {  	_ =	task [dreg:s7], $0x5FFFF  }
0xac: {  	[dreg:$0x1] =	wrdreg $0xFFFFFFFF  }
0xad: {  	[dreg:$0x0] =	wrdreg $0x60  }
0xae: {  	[dreg:$0x2] =	wrdreg s24  }
0xaf: {  	[dreg:$0x3] =	wrdreg s2  }
0xb0: {  	[dreg:$0x4] =	wrdreg $0x68000  }
0xb1: {  	[dreg:$0x5] =	wrdreg $0x9  }
0xb2: {  	_ =	task.clear_ibuf [dreg:s7], $0x6FFFF;
	_ =	strace $0x90000046  }
0xb3: {  	s29 =	simm.s32 $0x9;
	_ =	strace $0x80000048  }
0xb4: {  	_ =	swait.ge [sflag:s29], $0x1  }
0xb5: {  	[sflag:s29] =	ssyncadd.s32 $0xFFFFFFFF  }
0xb6: {  	_ =	strace $0x90000048  }
0xb7: {  	_ =	sfence  }
0xb8: {  	s30 =	sld [smem:$0x0];
	_ =	sdelay $0x2  }
0xb9: {  	s31 =	sshll.u32 s1, $0xD;
	s1 =	sshrl.u32 s1, $0x2  }
0xba: {  	s3 =	sand.u32 $0x4000, s31;
	s1 =	sadd.s32 s1, s30  }
0xbb: {  	s0 =	sor.u32 s3, s0;
	s1 =	sshll.u32 s1, $0x11  }
0xbc: {  	s0 =	sor.u32 s1, s0  }
0xbd: {  	s0 =	sadd.s32 $0x8F2B, s0  }
0xbe: {  	[sflag:s0] =	ssyncadd.remote.s32 $0x1  }
0xbf: {  	_ =	sfence.sel $0xFFFF  }
0xc0: {  	[dreg:$0x0] =	wrdreg $0xFFFFFFFF;
	(pc) =	sbr.abs _section_cstart, $3  }
0xc1: {  	[dreg:$0x1] =	wrdreg $0xFFFFFFFF  }
0xc2: {  	_ =	task.clear_ibuf [dreg:s7], $0x2FFFF;
	_ =	strace $0x9FFFFFFF  }
0xc3: {  	(tm) =	ssettm $0x7FFFFFFF  }
tec
execute0_lowered:
.L_overlay_start_1:
0x0: {  	(tag) =	ssettag $0x1  }
0x1: {  	s5 =	rddreg [dreg:$0x0]  }
0x2: {  	s6 =	rddreg [dreg:$0x1]  }
0x3: {  	s1 =	rddreg [dreg:$0x2]  }
0x4: {  	s2 =	srdreg.scid;
	s0 =	rddreg [dreg:$0x3];
	s3 =	simm.s32 $0x0  }
0x5: {  	s14 =	simm.s32 $0x80;
	s15 =	simm.s32 $0x1;
	s7 =	sand.u32 $0x1, s2  }
0x6: {  	s18 =	simm.s32 $0x0;
	s2 =	stileid.u32;
	s8 =	smul.u32 $0x1400, s7  }
0x7: {  	[smem:$0x7FF] =	sst s3;
	s4 =	sadd.s32 $0x2600, s5;
	s9 =	smul.u32 $0x140, s2  }
0x8: {  	_ =	strace $0x80000047;
	s29 =	smul.u32 $0x50000, s2;
	s7 =	ssub.s32 $0x2, s7  }
0x9: {  	s11 =	smul.u32 $0x500, s2;
	s16 =	sshll.u32 s2, $0x6;
	s30 =	sshrl.u32 s7, $0x1  }
0xa: {  	s16 =	sor.u32 $0x1C02, s16;
	s9 =	sadd.s32 s9, s8;
	s8 =	sshrl.u32 s29, $0x2  }
0xb: {  	s13 =	ssub.s32 s7, s30;
	s10 =	sshll.u32 s9, $0x4;
	s31 =	sshll.u32 s9, $0x7  }
0xc: {  	s12 =	sadd.s32 s10, s5;
	s5 =	sadd.s32 s6, s11;
	s6 =	sadd.s32 s8, s1  }
0xd: {  	s17 =	sadd.s32 s31, s1;
	s7 =	sadd.s32 $0x4000, s6;
	s8 =	sadd.s32 $0x8000, s6  }
0xe: {  	s9 =	sadd.s32 $0xC000, s6;
	s10 =	sadd.s32 $0x10000, s6;
	s11 =	sadd.s32 $0x2E00, s12  }
0xf: {  	s12 =	smax.u32 s13, $0x1;
	s13 =	simm.s32 $0x2;
	s17 =	sshrl.u32 s17, $0x3  }
.LBB2_1:
0x10: {  	[tilespmem:s3], [sflag:$0x2] =	stream.linear.gather [hbm4b:s4+s3], $0x4000, $0x38;
	[tilespmem:$0x7C00] =	vst v63  }
0x11: {  	_ =	swait.ge [sflag:s13], $0x4000  }
0x12: {  	[sflag:s13] =	ssyncset.done $0x0  }
0x13: {  	s19 =	simm.s32 $0x4000;
	[sflag:s13] =	ssyncadd.s32 $0xFFFFC000  }
0x14: {  	[tilespmem:s19], [sflag:$0x2] =	stream.linear.gather [hbm4b:s5+s3], $0x2800, $0x38;
	[tilespmem:$0x7C00] =	vst v63  }
0x15: {  	_ =	swait.ge [sflag:s13], $0x2800  }
0x16: {  	[sflag:s13] =	ssyncset.done $0x0  }
0x17: {  	[sflag:s13] =	ssyncadd.s32 $0xFFFFD800  }
0x18: {  	[spmem:s6] =	stream.linear.scatter [tilespmem:s3], [sflag:$0x2], $0x4000, $0x38;
	[tilespmem:$0x7C00] =	vst v63  }
0x19: {  	_ =	swait.ge [sflag:s13], $0x4000  }
0x1a: {  	[sflag:s13] =	ssyncset.done $0x0  }
0x1b: {  	[sflag:s13] =	ssyncadd.s32 $0xFFFFC000  }
0x1c: {  	[spmem:s7] =	stream.linear.scatter [tilespmem:s3], [sflag:$0x2], $0x4000, $0x38;
	[tilespmem:$0x7C00] =	vst v63  }
0x1d: {  	_ =	swait.ge [sflag:s13], $0x4000  }
0x1e: {  	[sflag:s13] =	ssyncset.done $0x0  }
0x1f: {  	[sflag:s13] =	ssyncadd.s32 $0xFFFFC000  }
0x20: {  	[spmem:s8] =	stream.linear.scatter [tilespmem:s3], [sflag:$0x2], $0x4000, $0x38;
	[tilespmem:$0x7C00] =	vst v63  }
0x21: {  	_ =	swait.ge [sflag:s13], $0x4000  }
0x22: {  	[sflag:s13] =	ssyncset.done $0x0  }
0x23: {  	[sflag:s13] =	ssyncadd.s32 $0xFFFFC000  }
0x24: {  	[spmem:s9] =	stream.linear.scatter [tilespmem:s3], [sflag:$0x2], $0x4000, $0x38;
	[tilespmem:$0x7C00] =	vst v63  }
0x25: {  	_ =	swait.ge [sflag:s13], $0x4000  }
0x26: {  	[sflag:s13] =	ssyncset.done $0x0  }
0x27: {  	[sflag:s13] =	ssyncadd.s32 $0xFFFFC000  }
0x28: {  	[spmem:s10] =	stream.linear.scatter [tilespmem:s3], [sflag:$0x2], $0x4000, $0x38;
	[tilespmem:$0x7C00] =	vst v63  }
0x29: {  	_ =	swait.ge [sflag:s13], $0x4000  }
0x2a: {  	[sflag:s13] =	ssyncset.done $0x0  }
0x2b: {  	p0 =	por $0x1, $0x1;
	[sflag:s13] =	ssyncadd.s32 $0xFFFFC000  }
0x2c: {  	s21 =	simm.s32 @!p0 $0x1;
	[bflag:$0x0] =	sbarrier.arrive $0xFFFF  }
0x2d: {  	[spmem:s1] =	stream.indirect.scatter.add.f32 [tilespmem:s3], [sflag:$0x1], $0x8, s19, s14, $0xb8;
	[tilespmem:$0x7C00] =	vst v63  }
0x2e: {  	_ =	swait.ge @!p0 [sflag:s21], $0x400  }
0x2f: {  	s20 =	simm.s32 $0x1;
	[sflag:s21] =	ssyncset.done @!p0 $0x0  }
.LBB2_2:
0x30: {  	[sflag:s21] =	ssyncadd.s32 @!p0 $0xFFFFFC00  }
0x31: {  	s19 =	sadd.s32 $0x80, s19;
	s21 =	smov.u32 s20;
	s20 =	sadd.s32 $0x1, s20  }
0x32: {  	p1 =	sne.s32 s20, $0x50  }
0x33: {  	[spmem:s1] =	stream.indirect.scatter.add.f32 [tilespmem:s3], [sflag:$0x1], $0x8, s19, s14, $0xb8;
	[tilespmem:$0x7C00] =	vst v63  }
.Ltmp0:
0x34: {  	_ = 	snop;
	(pc) =	sbr.rel @p1 .LBB2_2-.Ltmp0, $4  }
0x35: {  	p0 =	slt.u32 s21, $0x8  }
0x36: {  	s21 =	simm.s32 @!p0 $0x1  }
0x37: {  	_ =	swait.ge @!p0 [sflag:s21], $0x400  }
0x38: {  	[sflag:s21] =	ssyncset.done @!p0 $0x0  }
0x39: {  	[sflag:s21] =	ssyncadd.s32 @!p0 $0xFFFFFC00  }
0x3a: {  	_ =	swait.ge [sflag:s15], $0x400  }
0x3b: {  	[sflag:s15] =	ssyncset.done $0x0  }
0x3c: {  	[sflag:s15] =	ssyncadd.s32 $0xFFFFFC00  }
0x3d: {  	_ =	swait.ge [sflag:s15], $0x400  }
0x3e: {  	[sflag:s15] =	ssyncset.done $0x0  }
0x3f: {  	[sflag:s15] =	ssyncadd.s32 $0xFFFFFC00  }
0x40: {  	_ =	swait.ge [sflag:s15], $0x400  }
0x41: {  	[sflag:s15] =	ssyncset.done $0x0  }
0x42: {  	[sflag:s15] =	ssyncadd.s32 $0xFFFFFC00  }
0x43: {  	_ =	swait.ge [sflag:s15], $0x400  }
0x44: {  	[sflag:s15] =	ssyncset.done $0x0  }
0x45: {  	[sflag:s15] =	ssyncadd.s32 $0xFFFFFC00  }
0x46: {  	_ =	swait.ge [sflag:s15], $0x400  }
0x47: {  	[sflag:s15] =	ssyncset.done $0x0  }
0x48: {  	[sflag:s15] =	ssyncadd.s32 $0xFFFFFC00  }
0x49: {  	_ =	swait.ge [sflag:s15], $0x400  }
0x4a: {  	[sflag:s15] =	ssyncset.done $0x0  }
0x4b: {  	[sflag:s15] =	ssyncadd.s32 $0xFFFFFC00  }
0x4c: {  	_ =	swait.ge [sflag:s15], $0x400  }
0x4d: {  	[sflag:s15] =	ssyncset.done $0x0  }
0x4e: {  	[sflag:s15] =	ssyncadd.s32 $0xFFFFFC00  }
0x4f: {  	_ =	swait.ge [sflag:s15], $0x400  }
0x50: {  	s18 =	sadd.s32 $0x1, s18;
	[sflag:s15] =	ssyncset.done $0x0  }
0x51: {  	p0 =	sne.s32 s18, s12;
	[sflag:s15] =	ssyncadd.s32 $0xFFFFFC00  }
.Ltmp1:
0x52: {  	[bflag:$0x0] =	sbarrier.arrive $0xFFFF;
	(pc) =	sbr.rel @p0 .LBB2_1-.Ltmp1, $4  }
0x53: {  	[hbm:s11], [sflag:s16] =	dma.local [spmem:s17], $0x1400  }
0x54: {  	_ =	swait.ge [sflag:s13], $0x1400  }
0x55: {  	[sflag:s13] =	ssyncset.done $0x0  }
0x56: {  	[sflag:s13] =	ssyncadd.s32 $0xFFFFEC00  }
0x57: {  	_ =	sfence.sel $0x180000  }
0x58: {  	[bflag:$0x0] =	sbarrier.arrive $0xFFFF  }
0x59: {  	p0 =	sne.s32 s2, $0x0;
	_ =	strace $0x90000047  }
0x5a: {  	s0 =	sadd.s32 @!p0 $0x100000, s0;
	[bflag:$0x2] =	sbarrier.arrive $0xFFFF  }
0x5b: {  	[sflag:s0] =	ssyncadd.tile.s32 @!p0 $0x1;
	_ =	shalt  }
.Lfunc_end2:
_tile_overlayer_lowered:
.L_overlay_start_2:
0x5c: {  	(tag) =	ssettag $0x2  }
0x5d: {  	s0 =	rddreg [dreg:$0x0];
	s2 =	stileid.u32  }
0x5e: {  	s1 =	rddreg [dreg:$0x1];
	p0 =	sne.s32 s2, $0x0  }
0x5f: {  	s3 =	rddreg [dreg:$0x2];
	[bflag:$0x3] =	sbarrier.arrive $0xFFFF;
	s2 =	simm.s32 @!p0 $0x1C02  }
0x60: {  	[timem:s3], [sflag:s2] =	dma.local @!p0 [hbm:s0], s1  }
0x61: {  	s0 =	simm.s32 @!p0 $0x2  }
0x62: {  	_ =	swait.ge @!p0 [sflag:s0], s1  }
0x63: {  	s1 =	ssub.s32 @!p0 $0x0, s1;
	[sflag:s0] =	ssyncset.done @!p0 $0x0  }
0x64: {  	[sflag:s0] =	ssyncadd.s32 @!p0 s1  }
0x65: {  	[bflag:$0x3] =	sbarrier.arrive $0xFFFF  }
0x66: {  	_ =	shalt  }

</sc_bundles>
